<compile_context>
chip_gen: v7x
topology: tpu7x:2x2x1
jax: 0.10.2.dev20260603
libtpu: 0.0.44.dev20260713+nightly
codegen_flags: <defaults>
</compile_context>

<pallas_src>
import functools

import jax
import jax.numpy as jnp
from jax import lax
from jax.experimental import pallas as pl
from jax.experimental.pallas import tpu as pltpu
from jax.experimental.pallas import tpu_sc as plsc

K = 16
TS = 256
BIG = 3.0e38


def _topk_body(xyz_ref, sxyzT_ref, sxyz_ref, idx_ref, gxn_ref):
    b = pl.program_id(0)
    x = xyz_ref[0]
    sT = sxyzT_ref[0]
    smat = sxyz_ref[0]
    n = sT.shape[1]
    s0, s1, s2 = sT[0:1, :], sT[1:2, :], sT[2:3, :]
    x0, x1, x2 = x[:, 0:1], x[:, 1:2], x[:, 2:3]
    ssq = (s0 * s0 + s1 * s1) + s2 * s2
    xsq = (x0 * x0 + x1 * x1) + x2 * x2
    mm = lax.dot_general(
        x.astype(jnp.bfloat16), sT.astype(jnp.bfloat16),
        (((1,), (0,)), ((), ())), preferred_element_type=jnp.float32)
    d = (-2.0 * mm + xsq) + ssq
    iota = lax.broadcasted_iota(jnp.int32, (TS, n), 1)
    smat_hi = smat.astype(jnp.bfloat16)
    smat_lo = (smat - smat_hi.astype(jnp.float32)).astype(jnp.bfloat16)
    iota_n = lax.broadcasted_iota(jnp.int32, (n, 1), 0)
    ext = jnp.concatenate([
        smat_hi, smat_lo,
        (iota_n // 64).astype(jnp.bfloat16),
        (iota_n % 64).astype(jnp.bfloat16),
        jnp.full((n, 1), 1.0, jnp.bfloat16),
    ], axis=1)
    d0 = d
    sels, gxs = [], []
    tiecnt = jnp.zeros((TS, 1), jnp.float32)
    for _ in range(K):
        m = jnp.min(d, axis=1, keepdims=True)
        eq = d == m
        onehot = jnp.where(eq, 1.0, 0.0).astype(jnp.bfloat16)
        ghl = lax.dot_general(onehot, ext, (((1,), (0,)), ((), ())),
                              preferred_element_type=jnp.float32)
        sel = (ghl[:, 6:7] * 64.0 + ghl[:, 7:8]).astype(jnp.int32)
        tiecnt = jnp.maximum(tiecnt, ghl[:, 8:9])
        sels.append(sel)
        gxs.append((ghl[:, 0:3] + ghl[:, 3:6]) - x)
        d = jnp.where(iota == sel, BIG, d)
    idx_fast = jnp.concatenate(sels, axis=1)
    gxn_fast = jnp.concatenate(gxs, axis=1)

    def _exact_topk():
        dd = d0
        sels_e, gxs_e = [], []
        for _ in range(K):
            me = jnp.min(dd, axis=1, keepdims=True)
            cand = jnp.where(dd == me, iota, n)
            sel_e = jnp.min(cand, axis=1, keepdims=True)
            hit = iota == sel_e
            gx_e = jnp.concatenate(
                [jnp.sum(jnp.where(hit, sc, 0.0), axis=1, keepdims=True)
                 for sc in (s0, s1, s2)], axis=1)
            sels_e.append(sel_e)
            gxs_e.append(gx_e - x)
            dd = jnp.where(hit, BIG, dd)
        return (jnp.concatenate(sels_e, axis=1),
                jnp.concatenate(gxs_e, axis=1))

    idx, gxn = lax.cond(jnp.max(tiecnt) >= 1.5, _exact_topk,
                        lambda: (idx_fast, gxn_fast))
    idx_ref[0] = idx + b * n
    gxn_ref[0] = gxn


def _tc_topk(xyz, s_xyzT, s_xyz):
    B, S, _ = xyz.shape
    N = s_xyzT.shape[2]
    return pl.pallas_call(
        _topk_body,
        grid=(B, S // TS),
        in_specs=[
            pl.BlockSpec((1, TS, 3), lambda b, t: (b, t, 0)),
            pl.BlockSpec((1, 3, N), lambda b, t: (b, 0, 0)),
            pl.BlockSpec((1, N, 3), lambda b, t: (b, 0, 0)),
        ],
        out_specs=[
            pl.BlockSpec((1, TS, K), lambda b, t: (b, t, 0)),
            pl.BlockSpec((1, TS, K * 3), lambda b, t: (b, t, 0)),
        ],
        out_shape=[
            jax.ShapeDtypeStruct((B, S, K), jnp.int32),
            jax.ShapeDtypeStruct((B, S, K * 3), jnp.float32),
        ],
    )(xyz, s_xyzT, s_xyz)


def _sc_gather(idx_flat, pts_tab):
    QK = idx_flat.shape[0]
    D = pts_tab.shape[1]
    info = plsc.get_sparse_core_info()
    NC, NS = info.num_cores, info.num_subcores
    NW = NC * NS
    per_w = QK // NW
    G = 128
    ngroups = per_w // G
    mesh = plsc.VectorSubcoreMesh(core_axis_name="c", subcore_axis_name="s")

    @functools.partial(
        pl.kernel,
        out_type=jax.ShapeDtypeStruct((QK, D), jnp.float32),
        mesh=mesh,
        scratch_types=[
            pltpu.VMEM((2, G), jnp.int32),
            pltpu.VMEM((2, G, D), jnp.float32),
            pltpu.SemaphoreType.DMA,
            pltpu.SemaphoreType.DMA,
            pltpu.SemaphoreType.DMA,
        ],
    )
    def body(idx_hbm, pts_hbm, outp_hbm, idx_v, pts_v, sem0, sem1, osem):
        wid = lax.axis_index("s") * NC + lax.axis_index("c")
        base = wid * per_w

        def start_gather(g, slot, sem):
            pltpu.sync_copy(idx_hbm.at[pl.ds(base + g * G, G)],
                            idx_v.at[slot])
            pltpu.async_copy(pts_hbm.at[idx_v.at[slot]], pts_v.at[slot], sem)

        def drain_writeback(g, slot, sem):
            pltpu.make_async_copy(pts_hbm.at[idx_v.at[slot]],
                                  pts_v.at[slot], sem).wait()
            pltpu.async_copy(pts_v.at[slot],
                             outp_hbm.at[pl.ds(base + g * G, G)], osem).wait()

        start_gather(0, 0, sem0)

        def pair(p, carry):
            g = 2 * p
            start_gather(g + 1, 1, sem1)
            drain_writeback(g, 0, sem0)

            @pl.when(g + 2 < ngroups)
            def _next():
                start_gather(g + 2, 0, sem0)

            drain_writeback(g + 1, 1, sem1)
            return carry

        lax.fori_loop(0, ngroups // 2, pair, 0)

    return body(idx_flat, pts_tab)


def kernel(s_xyz, xyz, s_points, nsample):
    del nsample
    B, N, _ = s_xyz.shape
    S = xyz.shape[1]
    D = s_points.shape[2]
    sT = jnp.transpose(s_xyz, (0, 2, 1))
    pts_tab = s_points.reshape(B * N, D)
    NSLAB = 2
    h = S // NSLAB
    gxns, outs = [], []
    for i in range(NSLAB):
        idx_i, gxn_i = _tc_topk(xyz[:, i * h:(i + 1) * h], sT, s_xyz)
        outs.append(_sc_gather(idx_i.reshape(-1), pts_tab))
        gxns.append(gxn_i.reshape(B, h, K, 3))
    gxyzn = jnp.concatenate(gxns, axis=1)
    out_p = jnp.concatenate(
        [o.reshape(B, h, K, D) for o in outs], axis=1)
    return jnp.concatenate([gxyzn, out_p], axis=-1)

# --- scband reference (transcript-rebuilt; emitter-appended) ---
"""Pipeline reference for scband-scene-flow-pwc-5291399708677 (READ-ONLY COPY).

The authoritative reference and input builder live on the scoring server;
editing this copy changes nothing except your own understanding.
"""

import jax, jax.numpy as jnp
import numpy as np


def square_distance(src, dst):
    # src: [B, N, C], dst: [B, M, C] -> [B, N, M]
    dist = -2.0 * jnp.matmul(src, dst.transpose(0, 2, 1))
    dist = dist + jnp.sum(src ** 2, axis=-1)[:, :, None]
    dist = dist + jnp.sum(dst ** 2, axis=-1)[:, None, :]
    return dist


def setup_inputs(seed: int = 0) -> dict:
    key = jax.random.key(seed)
    k1, k2, k3 = jax.random.split(key, 3)
    B, N, S, D = 2, 4096, 4096, 128
    s_xyz = jax.random.normal(k1, (B, N, 3), dtype=jnp.float32)
    xyz = jax.random.normal(k2, (B, S, 3), dtype=jnp.float32)
    s_points = jax.random.normal(k3, (B, N, D), dtype=jnp.float32)
    return {"s_xyz": s_xyz, "xyz": xyz, "s_points": s_points, "nsample": 16}


def reference(s_xyz, xyz, s_points, nsample):
    # Faithful jax translation of group_query / knn_point / index_points_group
    # from SceneFlowPWC: kNN retrieval of neighbors in s_xyz for each query in xyz,
    # followed by grouping (gather), centering, and feature concat.
    B, N, C = s_xyz.shape
    S = xyz.shape[1]
    # knn_point: pairwise squared distances + smallest-k via top_k on negated dists
    sqrdists = square_distance(xyz, s_xyz)  # [B, S, N]
    K = 16  # static k matching the constant nsample supplied by setup_inputs
    _, idx = jax.lax.top_k(-sqrdists, K)  # [B, S, K]
    nsample = jnp.asarray(nsample, dtype=idx.dtype)
    idx = idx + (nsample - nsample)  # exact identity; keeps nsample dependence traced
    # index_points_group: per-batch gather
    gather = jax.vmap(lambda pts, i: pts[i])  # pts [N, Cx], i [S, K] -> [S, K, Cx]
    grouped_xyz = gather(s_xyz, idx)          # [B, S, K, 3]
    grouped_xyz_norm = grouped_xyz - xyz[:, :, None, :]
    grouped_points = gather(s_points, idx)    # [B, S, K, D]
    new_points = jnp.concatenate([grouped_xyz_norm, grouped_points], axis=-1)
    return new_points

if __name__ == "__main__":
    import jax
    _d = setup_inputs()
    print(jax.jit(kernel)(*tuple(_d.values())))

</pallas_src>

<mosaic_0001>
#map = affine_map<(d0, d1) -> (0)>
#map1 = affine_map<(d0, d1) -> (0, 0)>
module attributes {stable_mosaic.version = 14 : i64} {
  func.func @body(%arg0: i32, %arg1: i32, %arg2: memref<65536xi32, #tpu.memory_space<hbm>>, %arg3: memref<8192x128xf32, #tpu.memory_space<hbm>>, %arg4: memref<65536x128xf32, #tpu.memory_space<hbm>>, %arg5: memref<2x128xi32, #tpu.memory_space<vmem>>, %arg6: memref<2x128x128xf32, #tpu.memory_space<vmem>>, %arg7: memref<!tpu.dma_semaphore, #tpu.memory_space<semaphore_mem>>, %arg8: memref<!tpu.dma_semaphore, #tpu.memory_space<semaphore_mem>>, %arg9: memref<!tpu.dma_semaphore, #tpu.memory_space<semaphore_mem>>) attributes {dimension_semantics = [#tpu.dimension_semantics<core_parallel>, #tpu.dimension_semantics<subcore_parallel>], iteration_bounds = array<i64: 2, 16>, scalar_prefetch = 0 : i64, scratch_operands = 5 : i64, tpu.core_type = #tpu.core_type<sc_vector_subcore>, window_params = [{transform_indices = #map}, {transform_indices = #map1}, {transform_indices = #map1}]} {
    %mul3A = arith.constant 2 : i32
    %mul3A_0 = arith.muli %arg1, %mul3A : i32
    %add3A = arith.addi %mul3A_0, %arg0 : i32
    %mul3A_1 = arith.constant 2048 : i32
    %mul3A_2 = arith.muli %add3A, %mul3A_1 : i32
    %add3A_3 = arith.constant 0 : i32
    %add3A_4 = arith.addi %mul3A_2, %add3A_3 : i32
    %run_scoped3A = arith.constant 0 : i32
    "tpu.region"() ({
      %run_scoped3A_21 = tpu.sem_alloc : memref<!tpu.dma_semaphore, #tpu.memory_space<semaphore_mem>>
      %dma_start3A_22 = arith.constant 0 : i32
      %dma_start3A_23 = tpu.memref_slice %arg5[%run_scoped3A, %dma_start3A_22] : memref<2x128xi32, #tpu.memory_space<vmem>> -> memref<1x128xi32, #tpu.memory_space<vmem>>
      %dma_start3A_24 = tpu.memref_squeeze %dma_start3A_23 : memref<1x128xi32, #tpu.memory_space<vmem>> -> memref<128xi32, #tpu.memory_space<vmem>>
      %dma_start3A_25 = tpu.memref_slice %arg2[%add3A_4] : memref<65536xi32, #tpu.memory_space<hbm>> -> memref<128xi32, #tpu.memory_space<hbm>>
      %dma_start3A_26 = arith.constant 0 : i32
      %dma_start3A_27 = tpu.memref_slice %arg5[%run_scoped3A, %dma_start3A_26] : memref<2x128xi32, #tpu.memory_space<vmem>> -> memref<1x128xi32, #tpu.memory_space<vmem>>
      %dma_start3A_28 = tpu.memref_squeeze %dma_start3A_27 : memref<1x128xi32, #tpu.memory_space<vmem>> -> memref<128xi32, #tpu.memory_space<vmem>>
      %dma_start3A_29 = tpu.memref_slice %arg2[%add3A_4] : memref<65536xi32, #tpu.memory_space<hbm>> -> memref<128xi32, #tpu.memory_space<hbm>>
      tpu.enqueue_dma source(%dma_start3A_29 : memref<128xi32, #tpu.memory_space<hbm>>) target(%dma_start3A_28 : memref<128xi32, #tpu.memory_space<vmem>>) target_semaphore(%run_scoped3A_21 : memref<!tpu.dma_semaphore, #tpu.memory_space<semaphore_mem>>)
      %dma_wait3A = arith.constant 0 : i32
      %dma_wait3A_30 = tpu.memref_slice %arg5[%run_scoped3A, %dma_wait3A] : memref<2x128xi32, #tpu.memory_space<vmem>> -> memref<1x128xi32, #tpu.memory_space<vmem>>
      %dma_wait3A_31 = tpu.memref_squeeze %dma_wait3A_30 : memref<1x128xi32, #tpu.memory_space<vmem>> -> memref<128xi32, #tpu.memory_space<vmem>>
      %dma_wait3A_32 = tpu.memref_slice %arg2[%add3A_4] : memref<65536xi32, #tpu.memory_space<hbm>> -> memref<128xi32, #tpu.memory_space<hbm>>
      %dma_wait3A_33 = arith.constant 0 : i32
      %dma_wait3A_34 = tpu.memref_slice %arg5[%run_scoped3A, %dma_wait3A_33] : memref<2x128xi32, #tpu.memory_space<vmem>> -> memref<1x128xi32, #tpu.memory_space<vmem>>
      %dma_wait3A_35 = tpu.memref_squeeze %dma_wait3A_34 : memref<1x128xi32, #tpu.memory_space<vmem>> -> memref<128xi32, #tpu.memory_space<vmem>>
      %dma_wait3A_36 = tpu.memref_slice %arg2[%add3A_4] : memref<65536xi32, #tpu.memory_space<hbm>> -> memref<128xi32, #tpu.memory_space<hbm>>
      tpu.wait_dma2 semaphore(%run_scoped3A_21 : memref<!tpu.dma_semaphore, #tpu.memory_space<semaphore_mem>>) src(%dma_wait3A_36 : memref<128xi32, #tpu.memory_space<hbm>>) dst(%dma_wait3A_35 : memref<128xi32, #tpu.memory_space<vmem>>)
      tpu.yield
    }) : () -> ()
    %dma_start3A = arith.constant 0 : i32
    %dma_start3A_5 = arith.constant 0 : i32
    %dma_start3A_6 = arith.constant 0 : i32
    %dma_start3A_7 = arith.constant 0 : i32
    %dma_start3A_8 = tpu.memref_slice %arg6[%dma_start3A_5, %dma_start3A_6, %dma_start3A_7] : memref<2x128x128xf32, #tpu.memory_space<vmem>> -> memref<1x128x128xf32, #tpu.memory_space<vmem>>
    %dma_start3A_9 = tpu.memref_squeeze %dma_start3A_8 : memref<1x128x128xf32, #tpu.memory_space<vmem>> -> memref<128x128xf32, #tpu.memory_space<vmem>>
    %dma_start3A_10 = arith.constant 0 : i32
    %dma_start3A_11 = tpu.memref_slice %arg5[%dma_start3A, %dma_start3A_10] : memref<2x128xi32, #tpu.memory_space<vmem>> -> memref<1x128xi32, #tpu.memory_space<vmem>>
    %dma_start3A_12 = tpu.memref_squeeze %dma_start3A_11 : memref<1x128xi32, #tpu.memory_space<vmem>> -> memref<128xi32, #tpu.memory_space<vmem>>
    %dma_start3A_13 = arith.constant 0 : i32
    %dma_start3A_14 = arith.constant 0 : i32
    %dma_start3A_15 = tpu.memref_slice %arg3[%dma_start3A_13, %dma_start3A_14] : memref<8192x128xf32, #tpu.memory_space<hbm>> -> memref<8192x128xf32, #tpu.memory_space<hbm>>
    tpu.enqueue_indirect_dma source(%dma_start3A_15 : memref<8192x128xf32, #tpu.memory_space<hbm>>) target(%dma_start3A_9 : memref<128x128xf32, #tpu.memory_space<vmem>>) offsets(%dma_start3A_12 : memref<128xi32, #tpu.memory_space<vmem>>) semaphore(%arg7 : memref<!tpu.dma_semaphore, #tpu.memory_space<semaphore_mem>>)
    %scan3A = arith.constant 0 : i32
    %scan3A_16 = arith.constant 0 : i32
    %scan3A_17 = arith.constant 8 : i32
    %scan3A_18 = arith.addi %scan3A_16, %scan3A_17 : i32
    %scan3A_19 = arith.constant 1 : i32
    scf.for %scan3A_21 = %scan3A_16 to %scan3A_18 step %scan3A_19  : i32 {
      %mul3A_22 = arith.constant 2 : i32
      %mul3A_23 = arith.muli %mul3A_22, %scan3A_21 : i32
      %add3A_24 = arith.constant 1 : i32
      %add3A_25 = arith.addi %mul3A_23, %add3A_24 : i32
      %mul3A_26 = arith.constant 128 : i32
      %mul3A_27 = arith.muli %add3A_25, %mul3A_26 : i32
      %add3A_28 = arith.addi %mul3A_2, %mul3A_27 : i32
      %run_scoped3A_29 = arith.constant 1 : i32
      "tpu.region"() ({
        %run_scoped3A_129 = tpu.sem_alloc : memref<!tpu.dma_semaphore, #tpu.memory_space<semaphore_mem>>
        %dma_start3A_130 = arith.constant 0 : i32
        %dma_start3A_131 = tpu.memref_slice %arg5[%run_scoped3A_29, %dma_start3A_130] : memref<2x128xi32, #tpu.memory_space<vmem>> -> memref<1x128xi32, #tpu.memory_space<vmem>>
        %dma_start3A_132 = tpu.memref_squeeze %dma_start3A_131 : memref<1x128xi32, #tpu.memory_space<vmem>> -> memref<128xi32, #tpu.memory_space<vmem>>
        %dma_start3A_133 = tpu.memref_slice %arg2[%add3A_28] : memref<65536xi32, #tpu.memory_space<hbm>> -> memref<128xi32, #tpu.memory_space<hbm>>
        %dma_start3A_134 = arith.constant 0 : i32
        %dma_start3A_135 = tpu.memref_slice %arg5[%run_scoped3A_29, %dma_start3A_134] : memref<2x128xi32, #tpu.memory_space<vmem>> -> memref<1x128xi32, #tpu.memory_space<vmem>>
        %dma_start3A_136 = tpu.memref_squeeze %dma_start3A_135 : memref<1x128xi32, #tpu.memory_space<vmem>> -> memref<128xi32, #tpu.memory_space<vmem>>
        %dma_start3A_137 = tpu.memref_slice %arg2[%add3A_28] : memref<65536xi32, #tpu.memory_space<hbm>> -> memref<128xi32, #tpu.memory_space<hbm>>
        tpu.enqueue_dma source(%dma_start3A_137 : memref<128xi32, #tpu.memory_space<hbm>>) target(%dma_start3A_136 : memref<128xi32, #tpu.memory_space<vmem>>) target_semaphore(%run_scoped3A_129 : memref<!tpu.dma_semaphore, #tpu.memory_space<semaphore_mem>>)
        %dma_wait3A_138 = arith.constant 0 : i32
        %dma_wait3A_139 = tpu.memref_slice %arg5[%run_scoped3A_29, %dma_wait3A_138] : memref<2x128xi32, #tpu.memory_space<vmem>> -> memref<1x128xi32, #tpu.memory_space<vmem>>
        %dma_wait3A_140 = tpu.memref_squeeze %dma_wait3A_139 : memref<1x128xi32, #tpu.memory_space<vmem>> -> memref<128xi32, #tpu.memory_space<vmem>>
        %dma_wait3A_141 = tpu.memref_slice %arg2[%add3A_28] : memref<65536xi32, #tpu.memory_space<hbm>> -> memref<128xi32, #tpu.memory_space<hbm>>
        %dma_wait3A_142 = arith.constant 0 : i32
        %dma_wait3A_143 = tpu.memref_slice %arg5[%run_scoped3A_29, %dma_wait3A_142] : memref<2x128xi32, #tpu.memory_space<vmem>> -> memref<1x128xi32, #tpu.memory_space<vmem>>
        %dma_wait3A_144 = tpu.memref_squeeze %dma_wait3A_143 : memref<1x128xi32, #tpu.memory_space<vmem>> -> memref<128xi32, #tpu.memory_space<vmem>>
        %dma_wait3A_145 = tpu.memref_slice %arg2[%add3A_28] : memref<65536xi32, #tpu.memory_space<hbm>> -> memref<128xi32, #tpu.memory_space<hbm>>
        tpu.wait_dma2 semaphore(%run_scoped3A_129 : memref<!tpu.dma_semaphore, #tpu.memory_space<semaphore_mem>>) src(%dma_wait3A_145 : memref<128xi32, #tpu.memory_space<hbm>>) dst(%dma_wait3A_144 : memref<128xi32, #tpu.memory_space<vmem>>)
        tpu.yield
      }) : () -> ()
      %dma_start3A_30 = arith.constant 1 : i32
      %dma_start3A_31 = arith.constant 1 : i32
      %dma_start3A_32 = arith.constant 0 : i32
      %dma_start3A_33 = arith.constant 0 : i32
      %dma_start3A_34 = tpu.memref_slice %arg6[%dma_start3A_31, %dma_start3A_32, %dma_start3A_33] : memref<2x128x128xf32, #tpu.memory_space<vmem>> -> memref<1x128x128xf32, #tpu.memory_space<vmem>>
      %dma_start3A_35 = tpu.memref_squeeze %dma_start3A_34 : memref<1x128x128xf32, #tpu.memory_space<vmem>> -> memref<128x128xf32, #tpu.memory_space<vmem>>
      %dma_start3A_36 = arith.constant 0 : i32
      %dma_start3A_37 = tpu.memref_slice %arg5[%dma_start3A_30, %dma_start3A_36] : memref<2x128xi32, #tpu.memory_space<vmem>> -> memref<1x128xi32, #tpu.memory_space<vmem>>
      %dma_start3A_38 = tpu.memref_squeeze %dma_start3A_37 : memref<1x128xi32, #tpu.memory_space<vmem>> -> memref<128xi32, #tpu.memory_space<vmem>>
      %dma_start3A_39 = arith.constant 0 : i32
      %dma_start3A_40 = arith.constant 0 : i32
      %dma_start3A_41 = tpu.memref_slice %arg3[%dma_start3A_39, %dma_start3A_40] : memref<8192x128xf32, #tpu.memory_space<hbm>> -> memref<8192x128xf32, #tpu.memory_space<hbm>>
      tpu.enqueue_indirect_dma source(%dma_start3A_41 : memref<8192x128xf32, #tpu.memory_space<hbm>>) target(%dma_start3A_35 : memref<128x128xf32, #tpu.memory_space<vmem>>) offsets(%dma_start3A_38 : memref<128xi32, #tpu.memory_space<vmem>>) semaphore(%arg8 : memref<!tpu.dma_semaphore, #tpu.memory_space<semaphore_mem>>)
      %dma_wait3A = arith.constant 0 : i32
      %dma_wait3A_42 = arith.constant 0 : i32
      %dma_wait3A_43 = arith.constant 0 : i32
      %dma_wait3A_44 = arith.constant 0 : i32
      %dma_wait3A_45 = tpu.memref_slice %arg6[%dma_wait3A_42, %dma_wait3A_43, %dma_wait3A_44] : memref<2x128x128xf32, #tpu.memory_space<vmem>> -> memref<1x128x128xf32, #tpu.memory_space<vmem>>
      %dma_wait3A_46 = tpu.memref_squeeze %dma_wait3A_45 : memref<1x128x128xf32, #tpu.memory_space<vmem>> -> memref<128x128xf32, #tpu.memory_space<vmem>>
      %dma_wait3A_47 = arith.constant 0 : i32
      %dma_wait3A_48 = tpu.memref_slice %arg5[%dma_wait3A, %dma_wait3A_47] : memref<2x128xi32, #tpu.memory_space<vmem>> -> memref<1x128xi32, #tpu.memory_space<vmem>>
      %dma_wait3A_49 = tpu.memref_squeeze %dma_wait3A_48 : memref<1x128xi32, #tpu.memory_space<vmem>> -> memref<128xi32, #tpu.memory_space<vmem>>
      %dma_wait3A_50 = arith.constant 0 : i32
      %dma_wait3A_51 = arith.constant 0 : i32
      %dma_wait3A_52 = tpu.memref_slice %arg3[%dma_wait3A_50, %dma_wait3A_51] : memref<8192x128xf32, #tpu.memory_space<hbm>> -> memref<8192x128xf32, #tpu.memory_space<hbm>>
      tpu.wait_indirect_dma semaphore(%arg7 : memref<!tpu.dma_semaphore, #tpu.memory_space<semaphore_mem>>) src(%dma_wait3A_52 : memref<8192x128xf32, #tpu.memory_space<hbm>>) dst(%dma_wait3A_46 : memref<128x128xf32, #tpu.memory_space<vmem>>)
      %mul3A_53 = arith.constant 128 : i32
      %mul3A_54 = arith.muli %mul3A_23, %mul3A_53 : i32
      %add3A_55 = arith.addi %mul3A_2, %mul3A_54 : i32
      %dma_start3A_56 = arith.constant 0 : i32
      %dma_start3A_57 = arith.constant 0 : i32
      %dma_start3A_58 = arith.constant 0 : i32
      %dma_start3A_59 = tpu.memref_slice %arg6[%dma_start3A_56, %dma_start3A_57, %dma_start3A_58] : memref<2x128x128xf32, #tpu.memory_space<vmem>> -> memref<1x128x128xf32, #tpu.memory_space<vmem>>
      %dma_start3A_60 = tpu.memref_squeeze %dma_start3A_59 : memref<1x128x128xf32, #tpu.memory_space<vmem>> -> memref<128x128xf32, #tpu.memory_space<vmem>>
      %dma_start3A_61 = arith.constant 0 : i32
      %dma_start3A_62 = tpu.memref_slice %arg4[%add3A_55, %dma_start3A_61] : memref<65536x128xf32, #tpu.memory_space<hbm>> -> memref<128x128xf32, #tpu.memory_space<hbm>>
      %dma_start3A_63 = arith.constant 0 : i32
      %dma_start3A_64 = tpu.memref_slice %arg4[%add3A_55, %dma_start3A_63] : memref<65536x128xf32, #tpu.memory_space<hbm>> -> memref<128x128xf32, #tpu.memory_space<hbm>>
      %dma_start3A_65 = arith.constant 0 : i32
      %dma_start3A_66 = arith.constant 0 : i32
      %dma_start3A_67 = tpu.memref_slice %arg6[%dma_start3A_56, %dma_start3A_65, %dma_start3A_66] : memref<2x128x128xf32, #tpu.memory_space<vmem>> -> memref<1x128x128xf32, #tpu.memory_space<vmem>>
      %dma_start3A_68 = tpu.memref_squeeze %dma_start3A_67 : memref<1x128x128xf32, #tpu.memory_space<vmem>> -> memref<128x128xf32, #tpu.memory_space<vmem>>
      tpu.enqueue_dma source(%dma_start3A_68 : memref<128x128xf32, #tpu.memory_space<vmem>>) target(%dma_start3A_64 : memref<128x128xf32, #tpu.memory_space<hbm>>) target_semaphore(%arg9 : memref<!tpu.dma_semaphore, #tpu.memory_space<semaphore_mem>>)
      %dma_wait3A_69 = arith.constant 0 : i32
      %dma_wait3A_70 = arith.constant 0 : i32
      %dma_wait3A_71 = arith.constant 0 : i32
      %dma_wait3A_72 = tpu.memref_slice %arg6[%dma_wait3A_69, %dma_wait3A_70, %dma_wait3A_71] : memref<2x128x128xf32, #tpu.memory_space<vmem>> -> memref<1x128x128xf32, #tpu.memory_space<vmem>>
      %dma_wait3A_73 = tpu.memref_squeeze %dma_wait3A_72 : memref<1x128x128xf32, #tpu.memory_space<vmem>> -> memref<128x128xf32, #tpu.memory_space<vmem>>
      %dma_wait3A_74 = arith.constant 0 : i32
      %dma_wait3A_75 = tpu.memref_slice %arg4[%add3A_55, %dma_wait3A_74] : memref<65536x128xf32, #tpu.memory_space<hbm>> -> memref<128x128xf32, #tpu.memory_space<hbm>>
      %dma_wait3A_76 = arith.constant 0 : i32
      %dma_wait3A_77 = tpu.memref_slice %arg4[%add3A_55, %dma_wait3A_76] : memref<65536x128xf32, #tpu.memory_space<hbm>> -> memref<128x128xf32, #tpu.memory_space<hbm>>
      %dma_wait3A_78 = arith.constant 0 : i32
      %dma_wait3A_79 = arith.constant 0 : i32
      %dma_wait3A_80 = tpu.memref_slice %arg6[%dma_wait3A_69, %dma_wait3A_78, %dma_wait3A_79] : memref<2x128x128xf32, #tpu.memory_space<vmem>> -> memref<1x128x128xf32, #tpu.memory_space<vmem>>
      %dma_wait3A_81 = tpu.memref_squeeze %dma_wait3A_80 : memref<1x128x128xf32, #tpu.memory_space<vmem>> -> memref<128x128xf32, #tpu.memory_space<vmem>>
      tpu.wait_dma2 semaphore(%arg9 : memref<!tpu.dma_semaphore, #tpu.memory_space<semaphore_mem>>) src(%dma_wait3A_81 : memref<128x128xf32, #tpu.memory_space<vmem>>) dst(%dma_wait3A_77 : memref<128x128xf32, #tpu.memory_space<hbm>>)
      %add3A_82 = arith.constant 2 : i32
      %add3A_83 = arith.addi %mul3A_23, %add3A_82 : i32
      %lt3A = arith.constant 16 : i32
      %lt3A_84 = arith.cmpi slt, %add3A_83, %lt3A : i32
      %convert_element_type3A = arith.extui %lt3A_84 : i1 to i32
      %cond3A = arith.constant 0 : i32
      %cond3A_85 = arith.cmpi ne, %convert_element_type3A, %cond3A : i32
      scf.if %cond3A_85 {
        %add3A_129 = arith.constant 2 : i32
        %add3A_130 = arith.addi %mul3A_23, %add3A_129 : i32
        %mul3A_131 = arith.constant 128 : i32
        %mul3A_132 = arith.muli %add3A_130, %mul3A_131 : i32
        %add3A_133 = arith.addi %mul3A_2, %mul3A_132 : i32
        %run_scoped3A_134 = arith.constant 0 : i32
        "tpu.region"() ({
          %run_scoped3A_147 = tpu.sem_alloc : memref<!tpu.dma_semaphore, #tpu.memory_space<semaphore_mem>>
          %dma_start3A_148 = arith.constant 0 : i32
          %dma_start3A_149 = tpu.memref_slice %arg5[%run_scoped3A_134, %dma_start3A_148] : memref<2x128xi32, #tpu.memory_space<vmem>> -> memref<1x128xi32, #tpu.memory_space<vmem>>
          %dma_start3A_150 = tpu.memref_squeeze %dma_start3A_149 : memref<1x128xi32, #tpu.memory_space<vmem>> -> memref<128xi32, #tpu.memory_space<vmem>>
          %dma_start3A_151 = tpu.memref_slice %arg2[%add3A_133] : memref<65536xi32, #tpu.memory_space<hbm>> -> memref<128xi32, #tpu.memory_space<hbm>>
          %dma_start3A_152 = arith.constant 0 : i32
          %dma_start3A_153 = tpu.memref_slice %arg5[%run_scoped3A_134, %dma_start3A_152] : memref<2x128xi32, #tpu.memory_space<vmem>> -> memref<1x128xi32, #tpu.memory_space<vmem>>
          %dma_start3A_154 = tpu.memref_squeeze %dma_start3A_153 : memref<1x128xi32, #tpu.memory_space<vmem>> -> memref<128xi32, #tpu.memory_space<vmem>>
          %dma_start3A_155 = tpu.memref_slice %arg2[%add3A_133] : memref<65536xi32, #tpu.memory_space<hbm>> -> memref<128xi32, #tpu.memory_space<hbm>>
          tpu.enqueue_dma source(%dma_start3A_155 : memref<128xi32, #tpu.memory_space<hbm>>) target(%dma_start3A_154 : memref<128xi32, #tpu.memory_space<vmem>>) target_semaphore(%run_scoped3A_147 : memref<!tpu.dma_semaphore, #tpu.memory_space<semaphore_mem>>)
          %dma_wait3A_156 = arith.constant 0 : i32
          %dma_wait3A_157 = tpu.memref_slice %arg5[%run_scoped3A_134, %dma_wait3A_156] : memref<2x128xi32, #tpu.memory_space<vmem>> -> memref<1x128xi32, #tpu.memory_space<vmem>>
          %dma_wait3A_158 = tpu.memref_squeeze %dma_wait3A_157 : memref<1x128xi32, #tpu.memory_space<vmem>> -> memref<128xi32, #tpu.memory_space<vmem>>
          %dma_wait3A_159 = tpu.memref_slice %arg2[%add3A_133] : memref<65536xi32, #tpu.memory_space<hbm>> -> memref<128xi32, #tpu.memory_space<hbm>>
          %dma_wait3A_160 = arith.constant 0 : i32
          %dma_wait3A_161 = tpu.memref_slice %arg5[%run_scoped3A_134, %dma_wait3A_160] : memref<2x128xi32, #tpu.memory_space<vmem>> -> memref<1x128xi32, #tpu.memory_space<vmem>>
          %dma_wait3A_162 = tpu.memref_squeeze %dma_wait3A_161 : memref<1x128xi32, #tpu.memory_space<vmem>> -> memref<128xi32, #tpu.memory_space<vmem>>
          %dma_wait3A_163 = tpu.memref_slice %arg2[%add3A_133] : memref<65536xi32, #tpu.memory_space<hbm>> -> memref<128xi32, #tpu.memory_space<hbm>>
          tpu.wait_dma2 semaphore(%run_scoped3A_147 : memref<!tpu.dma_semaphore, #tpu.memory_space<semaphore_mem>>) src(%dma_wait3A_163 : memref<128xi32, #tpu.memory_space<hbm>>) dst(%dma_wait3A_162 : memref<128xi32, #tpu.memory_space<vmem>>)
          tpu.yield
        }) : () -> ()
        %dma_start3A_135 = arith.constant 0 : i32
        %dma_start3A_136 = arith.constant 0 : i32
        %dma_start3A_137 = arith.constant 0 : i32
        %dma_start3A_138 = arith.constant 0 : i32
        %dma_start3A_139 = tpu.memref_slice %arg6[%dma_start3A_136, %dma_start3A_137, %dma_start3A_138] : memref<2x128x128xf32, #tpu.memory_space<vmem>> -> memref<1x128x128xf32, #tpu.memory_space<vmem>>
        %dma_start3A_140 = tpu.memref_squeeze %dma_start3A_139 : memref<1x128x128xf32, #tpu.memory_space<vmem>> -> memref<128x128xf32, #tpu.memory_space<vmem>>
        %dma_start3A_141 = arith.constant 0 : i32
        %dma_start3A_142 = tpu.memref_slice %arg5[%dma_start3A_135, %dma_start3A_141] : memref<2x128xi32, #tpu.memory_space<vmem>> -> memref<1x128xi32, #tpu.memory_space<vmem>>
        %dma_start3A_143 = tpu.memref_squeeze %dma_start3A_142 : memref<1x128xi32, #tpu.memory_space<vmem>> -> memref<128xi32, #tpu.memory_space<vmem>>
        %dma_start3A_144 = arith.constant 0 : i32
        %dma_start3A_145 = arith.constant 0 : i32
        %dma_start3A_146 = tpu.memref_slice %arg3[%dma_start3A_144, %dma_start3A_145] : memref<8192x128xf32, #tpu.memory_space<hbm>> -> memref<8192x128xf32, #tpu.memory_space<hbm>>
        tpu.enqueue_indirect_dma source(%dma_start3A_146 : memref<8192x128xf32, #tpu.memory_space<hbm>>) target(%dma_start3A_140 : memref<128x128xf32, #tpu.memory_space<vmem>>) offsets(%dma_start3A_143 : memref<128xi32, #tpu.memory_space<vmem>>) semaphore(%arg7 : memref<!tpu.dma_semaphore, #tpu.memory_space<semaphore_mem>>)
      } else {
      }
      %add3A_86 = arith.constant 1 : i32
      %add3A_87 = arith.addi %mul3A_23, %add3A_86 : i32
      %dma_wait3A_88 = arith.constant 1 : i32
      %dma_wait3A_89 = arith.constant 1 : i32
      %dma_wait3A_90 = arith.constant 0 : i32
      %dma_wait3A_91 = arith.constant 0 : i32
      %dma_wait3A_92 = tpu.memref_slice %arg6[%dma_wait3A_89, %dma_wait3A_90, %dma_wait3A_91] : memref<2x128x128xf32, #tpu.memory_space<vmem>> -> memref<1x128x128xf32, #tpu.memory_space<vmem>>
      %dma_wait3A_93 = tpu.memref_squeeze %dma_wait3A_92 : memref<1x128x128xf32, #tpu.memory_space<vmem>> -> memref<128x128xf32, #tpu.memory_space<vmem>>
      %dma_wait3A_94 = arith.constant 0 : i32
      %dma_wait3A_95 = tpu.memref_slice %arg5[%dma_wait3A_88, %dma_wait3A_94] : memref<2x128xi32, #tpu.memory_space<vmem>> -> memref<1x128xi32, #tpu.memory_space<vmem>>
      %dma_wait3A_96 = tpu.memref_squeeze %dma_wait3A_95 : memref<1x128xi32, #tpu.memory_space<vmem>> -> memref<128xi32, #tpu.memory_space<vmem>>
      %dma_wait3A_97 = arith.constant 0 : i32
      %dma_wait3A_98 = arith.constant 0 : i32
      %dma_wait3A_99 = tpu.memref_slice %arg3[%dma_wait3A_97, %dma_wait3A_98] : memref<8192x128xf32, #tpu.memory_space<hbm>> -> memref<8192x128xf32, #tpu.memory_space<hbm>>
      tpu.wait_indirect_dma semaphore(%arg8 : memref<!tpu.dma_semaphore, #tpu.memory_space<semaphore_mem>>) src(%dma_wait3A_99 : memref<8192x128xf32, #tpu.memory_space<hbm>>) dst(%dma_wait3A_93 : memref<128x128xf32, #tpu.memory_space<vmem>>)
      %mul3A_100 = arith.constant 128 : i32
      %mul3A_101 = arith.muli %add3A_87, %mul3A_100 : i32
      %add3A_102 = arith.addi %mul3A_2, %mul3A_101 : i32
      %dma_start3A_103 = arith.constant 1 : i32
      %dma_start3A_104 = arith.constant 0 : i32
      %dma_start3A_105 = arith.constant 0 : i32
      %dma_start3A_106 = tpu.memref_slice %arg6[%dma_start3A_103, %dma_start3A_104, %dma_start3A_105] : memref<2x128x128xf32, #tpu.memory_space<vmem>> -> memref<1x128x128xf32, #tpu.memory_space<vmem>>
      %dma_start3A_107 = tpu.memref_squeeze %dma_start3A_106 : memref<1x128x128xf32, #tpu.memory_space<vmem>> -> memref<128x128xf32, #tpu.memory_space<vmem>>
      %dma_start3A_108 = arith.constant 0 : i32
      %dma_start3A_109 = tpu.memref_slice %arg4[%add3A_102, %dma_start3A_108] : memref<65536x128xf32, #tpu.memory_space<hbm>> -> memref<128x128xf32, #tpu.memory_space<hbm>>
      %dma_start3A_110 = arith.constant 0 : i32
      %dma_start3A_111 = tpu.memref_slice %arg4[%add3A_102, %dma_start3A_110] : memref<65536x128xf32, #tpu.memory_space<hbm>> -> memref<128x128xf32, #tpu.memory_space<hbm>>
      %dma_start3A_112 = arith.constant 0 : i32
      %dma_start3A_113 = arith.constant 0 : i32
      %dma_start3A_114 = tpu.memref_slice %arg6[%dma_start3A_103, %dma_start3A_112, %dma_start3A_113] : memref<2x128x128xf32, #tpu.memory_space<vmem>> -> memref<1x128x128xf32, #tpu.memory_space<vmem>>
      %dma_start3A_115 = tpu.memref_squeeze %dma_start3A_114 : memref<1x128x128xf32, #tpu.memory_space<vmem>> -> memref<128x128xf32, #tpu.memory_space<vmem>>
      tpu.enqueue_dma source(%dma_start3A_115 : memref<128x128xf32, #tpu.memory_space<vmem>>) target(%dma_start3A_111 : memref<128x128xf32, #tpu.memory_space<hbm>>) target_semaphore(%arg9 : memref<!tpu.dma_semaphore, #tpu.memory_space<semaphore_mem>>)
      %dma_wait3A_116 = arith.constant 1 : i32
      %dma_wait3A_117 = arith.constant 0 : i32
      %dma_wait3A_118 = arith.constant 0 : i32
      %dma_wait3A_119 = tpu.memref_slice %arg6[%dma_wait3A_116, %dma_wait3A_117, %dma_wait3A_118] : memref<2x128x128xf32, #tpu.memory_space<vmem>> -> memref<1x128x128xf32, #tpu.memory_space<vmem>>
      %dma_wait3A_120 = tpu.memref_squeeze %dma_wait3A_119 : memref<1x128x128xf32, #tpu.memory_space<vmem>> -> memref<128x128xf32, #tpu.memory_space<vmem>>
      %dma_wait3A_121 = arith.constant 0 : i32
      %dma_wait3A_122 = tpu.memref_slice %arg4[%add3A_102, %dma_wait3A_121] : memref<65536x128xf32, #tpu.memory_space<hbm>> -> memref<128x128xf32, #tpu.memory_space<hbm>>
      %dma_wait3A_123 = arith.constant 0 : i32
      %dma_wait3A_124 = tpu.memref_slice %arg4[%add3A_102, %dma_wait3A_123] : memref<65536x128xf32, #tpu.memory_space<hbm>> -> memref<128x128xf32, #tpu.memory_space<hbm>>
      %dma_wait3A_125 = arith.constant 0 : i32
      %dma_wait3A_126 = arith.constant 0 : i32
      %dma_wait3A_127 = tpu.memref_slice %arg6[%dma_wait3A_116, %dma_wait3A_125, %dma_wait3A_126] : memref<2x128x128xf32, #tpu.memory_space<vmem>> -> memref<1x128x128xf32, #tpu.memory_space<vmem>>
      %dma_wait3A_128 = tpu.memref_squeeze %dma_wait3A_127 : memref<1x128x128xf32, #tpu.memory_space<vmem>> -> memref<128x128xf32, #tpu.memory_space<vmem>>
      tpu.wait_dma2 semaphore(%arg9 : memref<!tpu.dma_semaphore, #tpu.memory_space<semaphore_mem>>) src(%dma_wait3A_128 : memref<128x128xf32, #tpu.memory_space<vmem>>) dst(%dma_wait3A_124 : memref<128x128xf32, #tpu.memory_space<hbm>>)
    }
    %scan3A_20 = arith.constant 8 : i32
    return
  }
}

#map = affine_map<(d0, d1) -> (0)>
#map1 = affine_map<(d0, d1) -> (0, 0)>
module attributes {stable_mosaic.version = 14 : i64} {
  func.func @body(%arg0: i32, %arg1: i32, %arg2: memref<65536xi32, #tpu.memory_space<hbm>>, %arg3: memref<8192x128xf32, #tpu.memory_space<hbm>>, %arg4: memref<65536x128xf32, #tpu.memory_space<hbm>>, %arg5: memref<2x128xi32, #tpu.memory_space<vmem>>, %arg6: memref<2x128x128xf32, #tpu.memory_space<vmem>>, %arg7: memref<!tpu.dma_semaphore, #tpu.memory_space<semaphore_mem>>, %arg8: memref<!tpu.dma_semaphore, #tpu.memory_space<semaphore_mem>>, %arg9: memref<!tpu.dma_semaphore, #tpu.memory_space<semaphore_mem>>) attributes {dimension_semantics = [#tpu.dimension_semantics<core_parallel>, #tpu.dimension_semantics<subcore_parallel>], iteration_bounds = array<i64: 2, 16>, scalar_prefetch = 0 : i64, scratch_operands = 5 : i64, tpu.core_type = #tpu.core_type<sc_vector_subcore>, window_params = [{transform_indices = #map}, {transform_indices = #map1}, {transform_indices = #map1}]} {
    %mul3A = arith.constant 2 : i32
    %mul3A_0 = arith.muli %arg1, %mul3A : i32
    %add3A = arith.addi %mul3A_0, %arg0 : i32
    %mul3A_1 = arith.constant 2048 : i32
    %mul3A_2 = arith.muli %add3A, %mul3A_1 : i32
    %add3A_3 = arith.constant 0 : i32
    %add3A_4 = arith.addi %mul3A_2, %add3A_3 : i32
    %run_scoped3A = arith.constant 0 : i32
    "tpu.region"() ({
      %run_scoped3A_21 = tpu.sem_alloc : memref<!tpu.dma_semaphore, #tpu.memory_space<semaphore_mem>>
      %dma_start3A_22 = arith.constant 0 : i32
      %dma_start3A_23 = tpu.memref_slice %arg5[%run_scoped3A, %dma_start3A_22] : memref<2x128xi32, #tpu.memory_space<vmem>> -> memref<1x128xi32, #tpu.memory_space<vmem>>
      %dma_start3A_24 = tpu.memref_squeeze %dma_start3A_23 : memref<1x128xi32, #tpu.memory_space<vmem>> -> memref<128xi32, #tpu.memory_space<vmem>>
      %dma_start3A_25 = tpu.memref_slice %arg2[%add3A_4] : memref<65536xi32, #tpu.memory_space<hbm>> -> memref<128xi32, #tpu.memory_space<hbm>>
      %dma_start3A_26 = arith.constant 0 : i32
      %dma_start3A_27 = tpu.memref_slice %arg5[%run_scoped3A, %dma_start3A_26] : memref<2x128xi32, #tpu.memory_space<vmem>> -> memref<1x128xi32, #tpu.memory_space<vmem>>
      %dma_start3A_28 = tpu.memref_squeeze %dma_start3A_27 : memref<1x128xi32, #tpu.memory_space<vmem>> -> memref<128xi32, #tpu.memory_space<vmem>>
      %dma_start3A_29 = tpu.memref_slice %arg2[%add3A_4] : memref<65536xi32, #tpu.memory_space<hbm>> -> memref<128xi32, #tpu.memory_space<hbm>>
      tpu.enqueue_dma source(%dma_start3A_29 : memref<128xi32, #tpu.memory_space<hbm>>) target(%dma_start3A_28 : memref<128xi32, #tpu.memory_space<vmem>>) target_semaphore(%run_scoped3A_21 : memref<!tpu.dma_semaphore, #tpu.memory_space<semaphore_mem>>)
      %dma_wait3A = arith.constant 0 : i32
      %dma_wait3A_30 = tpu.memref_slice %arg5[%run_scoped3A, %dma_wait3A] : memref<2x128xi32, #tpu.memory_space<vmem>> -> memref<1x128xi32, #tpu.memory_space<vmem>>
      %dma_wait3A_31 = tpu.memref_squeeze %dma_wait3A_30 : memref<1x128xi32, #tpu.memory_space<vmem>> -> memref<128xi32, #tpu.memory_space<vmem>>
      %dma_wait3A_32 = tpu.memref_slice %arg2[%add3A_4] : memref<65536xi32, #tpu.memory_space<hbm>> -> memref<128xi32, #tpu.memory_space<hbm>>
      %dma_wait3A_33 = arith.constant 0 : i32
      %dma_wait3A_34 = tpu.memref_slice %arg5[%run_scoped3A, %dma_wait3A_33] : memref<2x128xi32, #tpu.memory_space<vmem>> -> memref<1x128xi32, #tpu.memory_space<vmem>>
      %dma_wait3A_35 = tpu.memref_squeeze %dma_wait3A_34 : memref<1x128xi32, #tpu.memory_space<vmem>> -> memref<128xi32, #tpu.memory_space<vmem>>
      %dma_wait3A_36 = tpu.memref_slice %arg2[%add3A_4] : memref<65536xi32, #tpu.memory_space<hbm>> -> memref<128xi32, #tpu.memory_space<hbm>>
      tpu.wait_dma2 semaphore(%run_scoped3A_21 : memref<!tpu.dma_semaphore, #tpu.memory_space<semaphore_mem>>) src(%dma_wait3A_36 : memref<128xi32, #tpu.memory_space<hbm>>) dst(%dma_wait3A_35 : memref<128xi32, #tpu.memory_space<vmem>>)
      tpu.yield
    }) : () -> ()
    %dma_start3A = arith.constant 0 : i32
    %dma_start3A_5 = arith.constant 0 : i32
    %dma_start3A_6 = arith.constant 0 : i32
    %dma_start3A_7 = arith.constant 0 : i32
    %dma_start3A_8 = tpu.memref_slice %arg6[%dma_start3A_5, %dma_start3A_6, %dma_start3A_7] : memref<2x128x128xf32, #tpu.memory_space<vmem>> -> memref<1x128x128xf32, #tpu.memory_space<vmem>>
    %dma_start3A_9 = tpu.memref_squeeze %dma_start3A_8 : memref<1x128x128xf32, #tpu.memory_space<vmem>> -> memref<128x128xf32, #tpu.memory_space<vmem>>
    %dma_start3A_10 = arith.constant 0 : i32
    %dma_start3A_11 = tpu.memref_slice %arg5[%dma_start3A, %dma_start3A_10] : memref<2x128xi32, #tpu.memory_space<vmem>> -> memref<1x128xi32, #tpu.memory_space<vmem>>
    %dma_start3A_12 = tpu.memref_squeeze %dma_start3A_11 : memref<1x128xi32, #tpu.memory_space<vmem>> -> memref<128xi32, #tpu.memory_space<vmem>>
    %dma_start3A_13 = arith.constant 0 : i32
    %dma_start3A_14 = arith.constant 0 : i32
    %dma_start3A_15 = tpu.memref_slice %arg3[%dma_start3A_13, %dma_start3A_14] : memref<8192x128xf32, #tpu.memory_space<hbm>> -> memref<8192x128xf32, #tpu.memory_space<hbm>>
    tpu.enqueue_indirect_dma source(%dma_start3A_15 : memref<8192x128xf32, #tpu.memory_space<hbm>>) target(%dma_start3A_9 : memref<128x128xf32, #tpu.memory_space<vmem>>) offsets(%dma_start3A_12 : memref<128xi32, #tpu.memory_space<vmem>>) semaphore(%arg7 : memref<!tpu.dma_semaphore, #tpu.memory_space<semaphore_mem>>)
    %scan3A = arith.constant 0 : i32
    %scan3A_16 = arith.constant 0 : i32
    %scan3A_17 = arith.constant 8 : i32
    %scan3A_18 = arith.addi %scan3A_16, %scan3A_17 : i32
    %scan3A_19 = arith.constant 1 : i32
    scf.for %scan3A_21 = %scan3A_16 to %scan3A_18 step %scan3A_19  : i32 {
      %mul3A_22 = arith.constant 2 : i32
      %mul3A_23 = arith.muli %mul3A_22, %scan3A_21 : i32
      %add3A_24 = arith.constant 1 : i32
      %add3A_25 = arith.addi %mul3A_23, %add3A_24 : i32
      %mul3A_26 = arith.constant 128 : i32
      %mul3A_27 = arith.muli %add3A_25, %mul3A_26 : i32
      %add3A_28 = arith.addi %mul3A_2, %mul3A_27 : i32
      %run_scoped3A_29 = arith.constant 1 : i32
      "tpu.region"() ({
        %run_scoped3A_129 = tpu.sem_alloc : memref<!tpu.dma_semaphore, #tpu.memory_space<semaphore_mem>>
        %dma_start3A_130 = arith.constant 0 : i32
        %dma_start3A_131 = tpu.memref_slice %arg5[%run_scoped3A_29, %dma_start3A_130] : memref<2x128xi32, #tpu.memory_space<vmem>> -> memref<1x128xi32, #tpu.memory_space<vmem>>
        %dma_start3A_132 = tpu.memref_squeeze %dma_start3A_131 : memref<1x128xi32, #tpu.memory_space<vmem>> -> memref<128xi32, #tpu.memory_space<vmem>>
        %dma_start3A_133 = tpu.memref_slice %arg2[%add3A_28] : memref<65536xi32, #tpu.memory_space<hbm>> -> memref<128xi32, #tpu.memory_space<hbm>>
        %dma_start3A_134 = arith.constant 0 : i32
        %dma_start3A_135 = tpu.memref_slice %arg5[%run_scoped3A_29, %dma_start3A_134] : memref<2x128xi32, #tpu.memory_space<vmem>> -> memref<1x128xi32, #tpu.memory_space<vmem>>
        %dma_start3A_136 = tpu.memref_squeeze %dma_start3A_135 : memref<1x128xi32, #tpu.memory_space<vmem>> -> memref<128xi32, #tpu.memory_space<vmem>>
        %dma_start3A_137 = tpu.memref_slice %arg2[%add3A_28] : memref<65536xi32, #tpu.memory_space<hbm>> -> memref<128xi32, #tpu.memory_space<hbm>>
        tpu.enqueue_dma source(%dma_start3A_137 : memref<128xi32, #tpu.memory_space<hbm>>) target(%dma_start3A_136 : memref<128xi32, #tpu.memory_space<vmem>>) target_semaphore(%run_scoped3A_129 : memref<!tpu.dma_semaphore, #tpu.memory_space<semaphore_mem>>)
        %dma_wait3A_138 = arith.constant 0 : i32
        %dma_wait3A_139 = tpu.memref_slice %arg5[%run_scoped3A_29, %dma_wait3A_138] : memref<2x128xi32, #tpu.memory_space<vmem>> -> memref<1x128xi32, #tpu.memory_space<vmem>>
        %dma_wait3A_140 = tpu.memref_squeeze %dma_wait3A_139 : memref<1x128xi32, #tpu.memory_space<vmem>> -> memref<128xi32, #tpu.memory_space<vmem>>
        %dma_wait3A_141 = tpu.memref_slice %arg2[%add3A_28] : memref<65536xi32, #tpu.memory_space<hbm>> -> memref<128xi32, #tpu.memory_space<hbm>>
        %dma_wait3A_142 = arith.constant 0 : i32
        %dma_wait3A_143 = tpu.memref_slice %arg5[%run_scoped3A_29, %dma_wait3A_142] : memref<2x128xi32, #tpu.memory_space<vmem>> -> memref<1x128xi32, #tpu.memory_space<vmem>>
        %dma_wait3A_144 = tpu.memref_squeeze %dma_wait3A_143 : memref<1x128xi32, #tpu.memory_space<vmem>> -> memref<128xi32, #tpu.memory_space<vmem>>
        %dma_wait3A_145 = tpu.memref_slice %arg2[%add3A_28] : memref<65536xi32, #tpu.memory_space<hbm>> -> memref<128xi32, #tpu.memory_space<hbm>>
        tpu.wait_dma2 semaphore(%run_scoped3A_129 : memref<!tpu.dma_semaphore, #tpu.memory_space<semaphore_mem>>) src(%dma_wait3A_145 : memref<128xi32, #tpu.memory_space<hbm>>) dst(%dma_wait3A_144 : memref<128xi32, #tpu.memory_space<vmem>>)
        tpu.yield
      }) : () -> ()
      %dma_start3A_30 = arith.constant 1 : i32
      %dma_start3A_31 = arith.constant 1 : i32
      %dma_start3A_32 = arith.constant 0 : i32
      %dma_start3A_33 = arith.constant 0 : i32
      %dma_start3A_34 = tpu.memref_slice %arg6[%dma_start3A_31, %dma_start3A_32, %dma_start3A_33] : memref<2x128x128xf32, #tpu.memory_space<vmem>> -> memref<1x128x128xf32, #tpu.memory_space<vmem>>
      %dma_start3A_35 = tpu.memref_squeeze %dma_start3A_34 : memref<1x128x128xf32, #tpu.memory_space<vmem>> -> memref<128x128xf32, #tpu.memory_space<vmem>>
      %dma_start3A_36 = arith.constant 0 : i32
      %dma_start3A_37 = tpu.memref_slice %arg5[%dma_start3A_30, %dma_start3A_36] : memref<2x128xi32, #tpu.memory_space<vmem>> -> memref<1x128xi32, #tpu.memory_space<vmem>>
      %dma_start3A_38 = tpu.memref_squeeze %dma_start3A_37 : memref<1x128xi32, #tpu.memory_space<vmem>> -> memref<128xi32, #tpu.memory_space<vmem>>
      %dma_start3A_39 = arith.constant 0 : i32
      %dma_start3A_40 = arith.constant 0 : i32
      %dma_start3A_41 = tpu.memref_slice %arg3[%dma_start3A_39, %dma_start3A_40] : memref<8192x128xf32, #tpu.memory_space<hbm>> -> memref<8192x128xf32, #tpu.memory_space<hbm>>
      tpu.enqueue_indirect_dma source(%dma_start3A_41 : memref<8192x128xf32, #tpu.memory_space<hbm>>) target(%dma_start3A_35 : memref<128x128xf32, #tpu.memory_space<vmem>>) offsets(%dma_start3A_38 : memref<128xi32, #tpu.memory_space<vmem>>) semaphore(%arg8 : memref<!tpu.dma_semaphore, #tpu.memory_space<semaphore_mem>>)
      %dma_wait3A = arith.constant 0 : i32
      %dma_wait3A_42 = arith.constant 0 : i32
      %dma_wait3A_43 = arith.constant 0 : i32
      %dma_wait3A_44 = arith.constant 0 : i32
      %dma_wait3A_45 = tpu.memref_slice %arg6[%dma_wait3A_42, %dma_wait3A_43, %dma_wait3A_44] : memref<2x128x128xf32, #tpu.memory_space<vmem>> -> memref<1x128x128xf32, #tpu.memory_space<vmem>>
      %dma_wait3A_46 = tpu.memref_squeeze %dma_wait3A_45 : memref<1x128x128xf32, #tpu.memory_space<vmem>> -> memref<128x128xf32, #tpu.memory_space<vmem>>
      %dma_wait3A_47 = arith.constant 0 : i32
      %dma_wait3A_48 = tpu.memref_slice %arg5[%dma_wait3A, %dma_wait3A_47] : memref<2x128xi32, #tpu.memory_space<vmem>> -> memref<1x128xi32, #tpu.memory_space<vmem>>
      %dma_wait3A_49 = tpu.memref_squeeze %dma_wait3A_48 : memref<1x128xi32, #tpu.memory_space<vmem>> -> memref<128xi32, #tpu.memory_space<vmem>>
      %dma_wait3A_50 = arith.constant 0 : i32
      %dma_wait3A_51 = arith.constant 0 : i32
      %dma_wait3A_52 = tpu.memref_slice %arg3[%dma_wait3A_50, %dma_wait3A_51] : memref<8192x128xf32, #tpu.memory_space<hbm>> -> memref<8192x128xf32, #tpu.memory_space<hbm>>
      tpu.wait_indirect_dma semaphore(%arg7 : memref<!tpu.dma_semaphore, #tpu.memory_space<semaphore_mem>>) src(%dma_wait3A_52 : memref<8192x128xf32, #tpu.memory_space<hbm>>) dst(%dma_wait3A_46 : memref<128x128xf32, #tpu.memory_space<vmem>>)
      %mul3A_53 = arith.constant 128 : i32
      %mul3A_54 = arith.muli %mul3A_23, %mul3A_53 : i32
      %add3A_55 = arith.addi %mul3A_2, %mul3A_54 : i32
      %dma_start3A_56 = arith.constant 0 : i32
      %dma_start3A_57 = arith.constant 0 : i32
      %dma_start3A_58 = arith.constant 0 : i32
      %dma_start3A_59 = tpu.memref_slice %arg6[%dma_start3A_56, %dma_start3A_57, %dma_start3A_58] : memref<2x128x128xf32, #tpu.memory_space<vmem>> -> memref<1x128x128xf32, #tpu.memory_space<vmem>>
      %dma_start3A_60 = tpu.memref_squeeze %dma_start3A_59 : memref<1x128x128xf32, #tpu.memory_space<vmem>> -> memref<128x128xf32, #tpu.memory_space<vmem>>
      %dma_start3A_61 = arith.constant 0 : i32
      %dma_start3A_62 = tpu.memref_slice %arg4[%add3A_55, %dma_start3A_61] : memref<65536x128xf32, #tpu.memory_space<hbm>> -> memref<128x128xf32, #tpu.memory_space<hbm>>
      %dma_start3A_63 = arith.constant 0 : i32
      %dma_start3A_64 = tpu.memref_slice %arg4[%add3A_55, %dma_start3A_63] : memref<65536x128xf32, #tpu.memory_space<hbm>> -> memref<128x128xf32, #tpu.memory_space<hbm>>
      %dma_start3A_65 = arith.constant 0 : i32
      %dma_start3A_66 = arith.constant 0 : i32
      %dma_start3A_67 = tpu.memref_slice %arg6[%dma_start3A_56, %dma_start3A_65, %dma_start3A_66] : memref<2x128x128xf32, #tpu.memory_space<vmem>> -> memref<1x128x128xf32, #tpu.memory_space<vmem>>
      %dma_start3A_68 = tpu.memref_squeeze %dma_start3A_67 : memref<1x128x128xf32, #tpu.memory_space<vmem>> -> memref<128x128xf32, #tpu.memory_space<vmem>>
      tpu.enqueue_dma source(%dma_start3A_68 : memref<128x128xf32, #tpu.memory_space<vmem>>) target(%dma_start3A_64 : memref<128x128xf32, #tpu.memory_space<hbm>>) target_semaphore(%arg9 : memref<!tpu.dma_semaphore, #tpu.memory_space<semaphore_mem>>)
      %dma_wait3A_69 = arith.constant 0 : i32
      %dma_wait3A_70 = arith.constant 0 : i32
      %dma_wait3A_71 = arith.constant 0 : i32
      %dma_wait3A_72 = tpu.memref_slice %arg6[%dma_wait3A_69, %dma_wait3A_70, %dma_wait3A_71] : memref<2x128x128xf32, #tpu.memory_space<vmem>> -> memref<1x128x128xf32, #tpu.memory_space<vmem>>
      %dma_wait3A_73 = tpu.memref_squeeze %dma_wait3A_72 : memref<1x128x128xf32, #tpu.memory_space<vmem>> -> memref<128x128xf32, #tpu.memory_space<vmem>>
      %dma_wait3A_74 = arith.constant 0 : i32
      %dma_wait3A_75 = tpu.memref_slice %arg4[%add3A_55, %dma_wait3A_74] : memref<65536x128xf32, #tpu.memory_space<hbm>> -> memref<128x128xf32, #tpu.memory_space<hbm>>
      %dma_wait3A_76 = arith.constant 0 : i32
      %dma_wait3A_77 = tpu.memref_slice %arg4[%add3A_55, %dma_wait3A_76] : memref<65536x128xf32, #tpu.memory_space<hbm>> -> memref<128x128xf32, #tpu.memory_space<hbm>>
      %dma_wait3A_78 = arith.constant 0 : i32
      %dma_wait3A_79 = arith.constant 0 : i32
      %dma_wait3A_80 = tpu.memref_slice %arg6[%dma_wait3A_69, %dma_wait3A_78, %dma_wait3A_79] : memref<2x128x128xf32, #tpu.memory_space<vmem>> -> memref<1x128x128xf32, #tpu.memory_space<vmem>>
      %dma_wait3A_81 = tpu.memref_squeeze %dma_wait3A_80 : memref<1x128x128xf32, #tpu.memory_space<vmem>> -> memref<128x128xf32, #tpu.memory_space<vmem>>
      tpu.wait_dma2 semaphore(%arg9 : memref<!tpu.dma_semaphore, #tpu.memory_space<semaphore_mem>>) src(%dma_wait3A_81 : memref<128x128xf32, #tpu.memory_space<vmem>>) dst(%dma_wait3A_77 : memref<128x128xf32, #tpu.memory_space<hbm>>)
      %add3A_82 = arith.constant 2 : i32
      %add3A_83 = arith.addi %mul3A_23, %add3A_82 : i32
      %lt3A = arith.constant 16 : i32
      %lt3A_84 = arith.cmpi slt, %add3A_83, %lt3A : i32
      %convert_element_type3A = arith.extui %lt3A_84 : i1 to i32
      %cond3A = arith.constant 0 : i32
      %cond3A_85 = arith.cmpi ne, %convert_element_type3A, %cond3A : i32
      scf.if %cond3A_85 {
        %add3A_129 = arith.constant 2 : i32
        %add3A_130 = arith.addi %mul3A_23, %add3A_129 : i32
        %mul3A_131 = arith.constant 128 : i32
        %mul3A_132 = arith.muli %add3A_130, %mul3A_131 : i32
        %add3A_133 = arith.addi %mul3A_2, %mul3A_132 : i32
        %run_scoped3A_134 = arith.constant 0 : i32
        "tpu.region"() ({
          %run_scoped3A_147 = tpu.sem_alloc : memref<!tpu.dma_semaphore, #tpu.memory_space<semaphore_mem>>
          %dma_start3A_148 = arith.constant 0 : i32
          %dma_start3A_149 = tpu.memref_slice %arg5[%run_scoped3A_134, %dma_start3A_148] : memref<2x128xi32, #tpu.memory_space<vmem>> -> memref<1x128xi32, #tpu.memory_space<vmem>>
          %dma_start3A_150 = tpu.memref_squeeze %dma_start3A_149 : memref<1x128xi32, #tpu.memory_space<vmem>> -> memref<128xi32, #tpu.memory_space<vmem>>
          %dma_start3A_151 = tpu.memref_slice %arg2[%add3A_133] : memref<65536xi32, #tpu.memory_space<hbm>> -> memref<128xi32, #tpu.memory_space<hbm>>
          %dma_start3A_152 = arith.constant 0 : i32
          %dma_start3A_153 = tpu.memref_slice %arg5[%run_scoped3A_134, %dma_start3A_152] : memref<2x128xi32, #tpu.memory_space<vmem>> -> memref<1x128xi32, #tpu.memory_space<vmem>>
          %dma_start3A_154 = tpu.memref_squeeze %dma_start3A_153 : memref<1x128xi32, #tpu.memory_space<vmem>> -> memref<128xi32, #tpu.memory_space<vmem>>
          %dma_start3A_155 = tpu.memref_slice %arg2[%add3A_133] : memref<65536xi32, #tpu.memory_space<hbm>> -> memref<128xi32, #tpu.memory_space<hbm>>
          tpu.enqueue_dma source(%dma_start3A_155 : memref<128xi32, #tpu.memory_space<hbm>>) target(%dma_start3A_154 : memref<128xi32, #tpu.memory_space<vmem>>) target_semaphore(%run_scoped3A_147 : memref<!tpu.dma_semaphore, #tpu.memory_space<semaphore_mem>>)
          %dma_wait3A_156 = arith.constant 0 : i32
          %dma_wait3A_157 = tpu.memref_slice %arg5[%run_scoped3A_134, %dma_wait3A_156] : memref<2x128xi32, #tpu.memory_space<vmem>> -> memref<1x128xi32, #tpu.memory_space<vmem>>
          %dma_wait3A_158 = tpu.memref_squeeze %dma_wait3A_157 : memref<1x128xi32, #tpu.memory_space<vmem>> -> memref<128xi32, #tpu.memory_space<vmem>>
          %dma_wait3A_159 = tpu.memref_slice %arg2[%add3A_133] : memref<65536xi32, #tpu.memory_space<hbm>> -> memref<128xi32, #tpu.memory_space<hbm>>
          %dma_wait3A_160 = arith.constant 0 : i32
          %dma_wait3A_161 = tpu.memref_slice %arg5[%run_scoped3A_134, %dma_wait3A_160] : memref<2x128xi32, #tpu.memory_space<vmem>> -> memref<1x128xi32, #tpu.memory_space<vmem>>
          %dma_wait3A_162 = tpu.memref_squeeze %dma_wait3A_161 : memref<1x128xi32, #tpu.memory_space<vmem>> -> memref<128xi32, #tpu.memory_space<vmem>>
          %dma_wait3A_163 = tpu.memref_slice %arg2[%add3A_133] : memref<65536xi32, #tpu.memory_space<hbm>> -> memref<128xi32, #tpu.memory_space<hbm>>
          tpu.wait_dma2 semaphore(%run_scoped3A_147 : memref<!tpu.dma_semaphore, #tpu.memory_space<semaphore_mem>>) src(%dma_wait3A_163 : memref<128xi32, #tpu.memory_space<hbm>>) dst(%dma_wait3A_162 : memref<128xi32, #tpu.memory_space<vmem>>)
          tpu.yield
        }) : () -> ()
        %dma_start3A_135 = arith.constant 0 : i32
        %dma_start3A_136 = arith.constant 0 : i32
        %dma_start3A_137 = arith.constant 0 : i32
        %dma_start3A_138 = arith.constant 0 : i32
        %dma_start3A_139 = tpu.memref_slice %arg6[%dma_start3A_136, %dma_start3A_137, %dma_start3A_138] : memref<2x128x128xf32, #tpu.memory_space<vmem>> -> memref<1x128x128xf32, #tpu.memory_space<vmem>>
        %dma_start3A_140 = tpu.memref_squeeze %dma_start3A_139 : memref<1x128x128xf32, #tpu.memory_space<vmem>> -> memref<128x128xf32, #tpu.memory_space<vmem>>
        %dma_start3A_141 = arith.constant 0 : i32
        %dma_start3A_142 = tpu.memref_slice %arg5[%dma_start3A_135, %dma_start3A_141] : memref<2x128xi32, #tpu.memory_space<vmem>> -> memref<1x128xi32, #tpu.memory_space<vmem>>
        %dma_start3A_143 = tpu.memref_squeeze %dma_start3A_142 : memref<1x128xi32, #tpu.memory_space<vmem>> -> memref<128xi32, #tpu.memory_space<vmem>>
        %dma_start3A_144 = arith.constant 0 : i32
        %dma_start3A_145 = arith.constant 0 : i32
        %dma_start3A_146 = tpu.memref_slice %arg3[%dma_start3A_144, %dma_start3A_145] : memref<8192x128xf32, #tpu.memory_space<hbm>> -> memref<8192x128xf32, #tpu.memory_space<hbm>>
        tpu.enqueue_indirect_dma source(%dma_start3A_146 : memref<8192x128xf32, #tpu.memory_space<hbm>>) target(%dma_start3A_140 : memref<128x128xf32, #tpu.memory_space<vmem>>) offsets(%dma_start3A_143 : memref<128xi32, #tpu.memory_space<vmem>>) semaphore(%arg7 : memref<!tpu.dma_semaphore, #tpu.memory_space<semaphore_mem>>)
      } else {
      }
      %add3A_86 = arith.constant 1 : i32
      %add3A_87 = arith.addi %mul3A_23, %add3A_86 : i32
      %dma_wait3A_88 = arith.constant 1 : i32
      %dma_wait3A_89 = arith.constant 1 : i32
      %dma_wait3A_90 = arith.constant 0 : i32
      %dma_wait3A_91 = arith.constant 0 : i32
      %dma_wait3A_92 = tpu.memref_slice %arg6[%dma_wait3A_89, %dma_wait3A_90, %dma_wait3A_91] : memref<2x128x128xf32, #tpu.memory_space<vmem>> -> memref<1x128x128xf32, #tpu.memory_space<vmem>>
      %dma_wait3A_93 = tpu.memref_squeeze %dma_wait3A_92 : memref<1x128x128xf32, #tpu.memory_space<vmem>> -> memref<128x128xf32, #tpu.memory_space<vmem>>
      %dma_wait3A_94 = arith.constant 0 : i32
      %dma_wait3A_95 = tpu.memref_slice %arg5[%dma_wait3A_88, %dma_wait3A_94] : memref<2x128xi32, #tpu.memory_space<vmem>> -> memref<1x128xi32, #tpu.memory_space<vmem>>
      %dma_wait3A_96 = tpu.memref_squeeze %dma_wait3A_95 : memref<1x128xi32, #tpu.memory_space<vmem>> -> memref<128xi32, #tpu.memory_space<vmem>>
      %dma_wait3A_97 = arith.constant 0 : i32
      %dma_wait3A_98 = arith.constant 0 : i32
      %dma_wait3A_99 = tpu.memref_slice %arg3[%dma_wait3A_97, %dma_wait3A_98] : memref<8192x128xf32, #tpu.memory_space<hbm>> -> memref<8192x128xf32, #tpu.memory_space<hbm>>
      tpu.wait_indirect_dma semaphore(%arg8 : memref<!tpu.dma_semaphore, #tpu.memory_space<semaphore_mem>>) src(%dma_wait3A_99 : memref<8192x128xf32, #tpu.memory_space<hbm>>) dst(%dma_wait3A_93 : memref<128x128xf32, #tpu.memory_space<vmem>>)
      %mul3A_100 = arith.constant 128 : i32
      %mul3A_101 = arith.muli %add3A_87, %mul3A_100 : i32
      %add3A_102 = arith.addi %mul3A_2, %mul3A_101 : i32
      %dma_start3A_103 = arith.constant 1 : i32
      %dma_start3A_104 = arith.constant 0 : i32
      %dma_start3A_105 = arith.constant 0 : i32
      %dma_start3A_106 = tpu.memref_slice %arg6[%dma_start3A_103, %dma_start3A_104, %dma_start3A_105] : memref<2x128x128xf32, #tpu.memory_space<vmem>> -> memref<1x128x128xf32, #tpu.memory_space<vmem>>
      %dma_start3A_107 = tpu.memref_squeeze %dma_start3A_106 : memref<1x128x128xf32, #tpu.memory_space<vmem>> -> memref<128x128xf32, #tpu.memory_space<vmem>>
      %dma_start3A_108 = arith.constant 0 : i32
      %dma_start3A_109 = tpu.memref_slice %arg4[%add3A_102, %dma_start3A_108] : memref<65536x128xf32, #tpu.memory_space<hbm>> -> memref<128x128xf32, #tpu.memory_space<hbm>>
      %dma_start3A_110 = arith.constant 0 : i32
      %dma_start3A_111 = tpu.memref_slice %arg4[%add3A_102, %dma_start3A_110] : memref<65536x128xf32, #tpu.memory_space<hbm>> -> memref<128x128xf32, #tpu.memory_space<hbm>>
      %dma_start3A_112 = arith.constant 0 : i32
      %dma_start3A_113 = arith.constant 0 : i32
      %dma_start3A_114 = tpu.memref_slice %arg6[%dma_start3A_103, %dma_start3A_112, %dma_start3A_113] : memref<2x128x128xf32, #tpu.memory_space<vmem>> -> memref<1x128x128xf32, #tpu.memory_space<vmem>>
      %dma_start3A_115 = tpu.memref_squeeze %dma_start3A_114 : memref<1x128x128xf32, #tpu.memory_space<vmem>> -> memref<128x128xf32, #tpu.memory_space<vmem>>
      tpu.enqueue_dma source(%dma_start3A_115 : memref<128x128xf32, #tpu.memory_space<vmem>>) target(%dma_start3A_111 : memref<128x128xf32, #tpu.memory_space<hbm>>) target_semaphore(%arg9 : memref<!tpu.dma_semaphore, #tpu.memory_space<semaphore_mem>>)
      %dma_wait3A_116 = arith.constant 1 : i32
      %dma_wait3A_117 = arith.constant 0 : i32
      %dma_wait3A_118 = arith.constant 0 : i32
      %dma_wait3A_119 = tpu.memref_slice %arg6[%dma_wait3A_116, %dma_wait3A_117, %dma_wait3A_118] : memref<2x128x128xf32, #tpu.memory_space<vmem>> -> memref<1x128x128xf32, #tpu.memory_space<vmem>>
      %dma_wait3A_120 = tpu.memref_squeeze %dma_wait3A_119 : memref<1x128x128xf32, #tpu.memory_space<vmem>> -> memref<128x128xf32, #tpu.memory_space<vmem>>
      %dma_wait3A_121 = arith.constant 0 : i32
      %dma_wait3A_122 = tpu.memref_slice %arg4[%add3A_102, %dma_wait3A_121] : memref<65536x128xf32, #tpu.memory_space<hbm>> -> memref<128x128xf32, #tpu.memory_space<hbm>>
      %dma_wait3A_123 = arith.constant 0 : i32
      %dma_wait3A_124 = tpu.memref_slice %arg4[%add3A_102, %dma_wait3A_123] : memref<65536x128xf32, #tpu.memory_space<hbm>> -> memref<128x128xf32, #tpu.memory_space<hbm>>
      %dma_wait3A_125 = arith.constant 0 : i32
      %dma_wait3A_126 = arith.constant 0 : i32
      %dma_wait3A_127 = tpu.memref_slice %arg6[%dma_wait3A_116, %dma_wait3A_125, %dma_wait3A_126] : memref<2x128x128xf32, #tpu.memory_space<vmem>> -> memref<1x128x128xf32, #tpu.memory_space<vmem>>
      %dma_wait3A_128 = tpu.memref_squeeze %dma_wait3A_127 : memref<1x128x128xf32, #tpu.memory_space<vmem>> -> memref<128x128xf32, #tpu.memory_space<vmem>>
      tpu.wait_dma2 semaphore(%arg9 : memref<!tpu.dma_semaphore, #tpu.memory_space<semaphore_mem>>) src(%dma_wait3A_128 : memref<128x128xf32, #tpu.memory_space<vmem>>) dst(%dma_wait3A_124 : memref<128x128xf32, #tpu.memory_space<hbm>>)
    }
    %scan3A_20 = arith.constant 8 : i32
    return
  }
}

module attributes {stable_mosaic.version = 14 : i64} {
  func.func @_topk_body(%arg0: i32, %arg1: i32, %arg2: memref<1x256x3xf32, #tpu.memory_space<vmem>>, %arg3: memref<1x3x4096xf32, #tpu.memory_space<vmem>>, %arg4: memref<1x4096x3xf32, #tpu.memory_space<vmem>>, %arg5: memref<1x256x16xi32, #tpu.memory_space<vmem>>, %arg6: memref<1x256x48xf32, #tpu.memory_space<vmem>>) attributes {dimension_semantics = [#tpu.dimension_semantics<arbitrary>, #tpu.dimension_semantics<arbitrary>], iteration_bounds = array<i64: 2, 8>, scalar_prefetch = 0 : i64, scratch_operands = 0 : i64, tpu.core_type = #tpu.core_type<tc>, window_params = [{transform_indices = @transform_0, window_bounds = array<i64: 1, 256, 3>}, {transform_indices = @transform_1, window_bounds = array<i64: 1, 3, 4096>}, {transform_indices = @transform_2, window_bounds = array<i64: 1, 4096, 3>}, {transform_indices = @transform_3, window_bounds = array<i64: 1, 256, 16>}, {transform_indices = @transform_4, window_bounds = array<i64: 1, 256, 48>}]} {
    %get3A = arith.constant 0 : index
    %get3A_0 = arith.constant 0 : index
    %get3A_1 = arith.constant 0 : index
    %get3A_2 = vector.load %arg2[%get3A, %get3A_0, %get3A_1] : memref<1x256x3xf32, #tpu.memory_space<vmem>>, vector<1x256x3xf32>
    %get3A_3 = vector.shape_cast %get3A_2 : vector<1x256x3xf32> to vector<256x3xf32>
    %get3A_4 = arith.constant 0 : index
    %get3A_5 = arith.constant 0 : index
    %get3A_6 = arith.constant 0 : index
    %get3A_7 = vector.load %arg3[%get3A_4, %get3A_5, %get3A_6] : memref<1x3x4096xf32, #tpu.memory_space<vmem>>, vector<1x3x4096xf32>
    %get3A_8 = vector.shape_cast %get3A_7 : vector<1x3x4096xf32> to vector<3x4096xf32>
    %get3A_9 = arith.constant 0 : index
    %get3A_10 = arith.constant 0 : index
    %get3A_11 = arith.constant 0 : index
    %get3A_12 = vector.load %arg4[%get3A_9, %get3A_10, %get3A_11] : memref<1x4096x3xf32, #tpu.memory_space<vmem>>, vector<1x4096x3xf32>
    %get3A_13 = vector.shape_cast %get3A_12 : vector<1x4096x3xf32> to vector<4096x3xf32>
    %slice3A = vector.extract_strided_slice %get3A_8 {offsets = [0, 0], sizes = [1, 4096], strides = [1, 1]} : vector<3x4096xf32> to vector<1x4096xf32>
    %slice3A_14 = vector.extract_strided_slice %get3A_8 {offsets = [1, 0], sizes = [1, 4096], strides = [1, 1]} : vector<3x4096xf32> to vector<1x4096xf32>
    %slice3A_15 = vector.extract_strided_slice %get3A_8 {offsets = [2, 0], sizes = [1, 4096], strides = [1, 1]} : vector<3x4096xf32> to vector<1x4096xf32>
    %slice3A_16 = vector.extract_strided_slice %get3A_3 {offsets = [0, 0], sizes = [256, 1], strides = [1, 1]} : vector<256x3xf32> to vector<256x1xf32>
    %slice3A_17 = vector.extract_strided_slice %get3A_3 {offsets = [0, 1], sizes = [256, 1], strides = [1, 1]} : vector<256x3xf32> to vector<256x1xf32>
    %slice3A_18 = vector.extract_strided_slice %get3A_3 {offsets = [0, 2], sizes = [256, 1], strides = [1, 1]} : vector<256x3xf32> to vector<256x1xf32>
    %mul3A = arith.mulf %slice3A, %slice3A : vector<1x4096xf32>
    %mul3A_19 = arith.mulf %slice3A_14, %slice3A_14 : vector<1x4096xf32>
    %add3A = arith.addf %mul3A, %mul3A_19 : vector<1x4096xf32>
    %mul3A_20 = arith.mulf %slice3A_15, %slice3A_15 : vector<1x4096xf32>
    %add3A_21 = arith.addf %add3A, %mul3A_20 : vector<1x4096xf32>
    %mul3A_22 = arith.mulf %slice3A_16, %slice3A_16 : vector<256x1xf32>
    %mul3A_23 = arith.mulf %slice3A_17, %slice3A_17 : vector<256x1xf32>
    %add3A_24 = arith.addf %mul3A_22, %mul3A_23 : vector<256x1xf32>
    %mul3A_25 = arith.mulf %slice3A_18, %slice3A_18 : vector<256x1xf32>
    %add3A_26 = arith.addf %add3A_24, %mul3A_25 : vector<256x1xf32>
    %convert_element_type3A = arith.truncf %get3A_3 : vector<256x3xf32> to vector<256x3xbf16>
    %convert_element_type3A_27 = arith.truncf %get3A_8 : vector<3x4096xf32> to vector<3x4096xbf16>
    %dot_general3A = arith.constant dense<0.000000e+00> : vector<256x4096xf32>
    %dot_general3A_28 = tpu.matmul %convert_element_type3A, %convert_element_type3A_27, %dot_general3A {dimension_numbers = #tpu.dot_dimension_numbers<[1], [0], [0], [1], [0, 0, 1, 1], [], []>, transpose_lhs_hint = false} : vector<256x3xbf16>, vector<3x4096xbf16>, vector<256x4096xf32> -> vector<256x4096xf32>
    %mul3A_29 = arith.constant -2.000000e+00 : f32
    %mul3A_30 = vector.broadcast %mul3A_29 : f32 to vector<256x4096xf32>
    %mul3A_31 = arith.mulf %mul3A_30, %dot_general3A_28 : vector<256x4096xf32>
    %add3A_32 = vector.broadcast %add3A_26 : vector<256x1xf32> to vector<256x4096xf32>
    %add3A_33 = arith.addf %mul3A_31, %add3A_32 : vector<256x4096xf32>
    %add3A_34 = vector.broadcast %add3A_21 : vector<1x4096xf32> to vector<256x4096xf32>
    %add3A_35 = arith.addf %add3A_33, %add3A_34 : vector<256x4096xf32>
    %iota3A = tpu.iota {dimensions = array<i32: 1>} : vector<256x4096xi32>
    %convert_element_type3A_36 = arith.truncf %get3A_13 : vector<4096x3xf32> to vector<4096x3xbf16>
    %convert_element_type3A_37 = arith.extf %convert_element_type3A_36 : vector<4096x3xbf16> to vector<4096x3xf32>
    %sub3A = arith.subf %get3A_13, %convert_element_type3A_37 : vector<4096x3xf32>
    %convert_element_type3A_38 = arith.truncf %sub3A : vector<4096x3xf32> to vector<4096x3xbf16>
    %iota3A_39 = tpu.iota {dimensions = array<i32: 0>} : vector<4096x1xi32>
    %jit3A = arith.constant 64 : i32
    %div3A = vector.broadcast %jit3A : i32 to vector<4096x1xi32>
    %div3A_40 = arith.divsi %iota3A_39, %div3A : vector<4096x1xi32>
    %sign3A = arith.constant 0 : i32
    %sign3A_41 = vector.broadcast %sign3A : i32 to vector<4096x1xi32>
    %sign3A_42 = arith.cmpi sgt, %iota3A_39, %sign3A_41 : vector<4096x1xi32>
    %sign3A_43 = arith.extui %sign3A_42 : vector<4096x1xi1> to vector<4096x1xi32>
    %sign3A_44 = arith.constant 0 : i32
    %sign3A_45 = vector.broadcast %sign3A_44 : i32 to vector<4096x1xi32>
    %sign3A_46 = arith.cmpi slt, %iota3A_39, %sign3A_45 : vector<4096x1xi32>
    %sign3A_47 = arith.extui %sign3A_46 : vector<4096x1xi1> to vector<4096x1xi32>
    %sign3A_48 = arith.subi %sign3A_43, %sign3A_47 : vector<4096x1xi32>
    %sign3A_49 = arith.constant 0 : i32
    %sign3A_50 = arith.cmpi sgt, %jit3A, %sign3A_49 : i32
    %sign3A_51 = arith.extui %sign3A_50 : i1 to i32
    %sign3A_52 = arith.constant 0 : i32
    %sign3A_53 = arith.cmpi slt, %jit3A, %sign3A_52 : i32
    %sign3A_54 = arith.extui %sign3A_53 : i1 to i32
    %sign3A_55 = arith.subi %sign3A_51, %sign3A_54 : i32
    %ne3A = vector.broadcast %sign3A_55 : i32 to vector<4096x1xi32>
    %ne3A_56 = arith.cmpi ne, %sign3A_48, %ne3A : vector<4096x1xi32>
    %rem3A = vector.broadcast %jit3A : i32 to vector<4096x1xi32>
    %rem3A_57 = arith.remsi %iota3A_39, %rem3A : vector<4096x1xi32>
    %ne3A_58 = arith.constant 0 : i32
    %ne3A_59 = vector.broadcast %ne3A_58 : i32 to vector<4096x1xi32>
    %ne3A_60 = arith.cmpi ne, %rem3A_57, %ne3A_59 : vector<4096x1xi32>
    %and3A = arith.andi %ne3A_56, %ne3A_60 : vector<4096x1xi1>
    %sub3A_61 = arith.constant 1 : i32
    %sub3A_62 = vector.broadcast %sub3A_61 : i32 to vector<4096x1xi32>
    %sub3A_63 = arith.subi %div3A_40, %sub3A_62 : vector<4096x1xi32>
    %select_n3A = arith.select %and3A, %sub3A_63, %div3A_40 : vector<4096x1xi1>, vector<4096x1xi32>
    %convert_element_type3A_64 = arith.sitofp %select_n3A : vector<4096x1xi32> to vector<4096x1xbf16>
    %jit3A_65 = arith.constant 64 : i32
    %eq3A = arith.constant 0 : i32
    %eq3A_66 = arith.cmpi eq, %jit3A_65, %eq3A : i32
    %jit3A_67 = arith.constant 1 : i32
    %select_n3A_68 = arith.select %eq3A_66, %jit3A_67, %jit3A_65 : i32
    %rem3A_69 = vector.broadcast %select_n3A_68 : i32 to vector<4096x1xi32>
    %rem3A_70 = arith.remsi %iota3A_39, %rem3A_69 : vector<4096x1xi32>
    %ne3A_71 = arith.constant 0 : i32
    %ne3A_72 = vector.broadcast %ne3A_71 : i32 to vector<4096x1xi32>
    %ne3A_73 = arith.cmpi ne, %rem3A_70, %ne3A_72 : vector<4096x1xi32>
    %lt3A = arith.constant 0 : i32
    %lt3A_74 = vector.broadcast %lt3A : i32 to vector<4096x1xi32>
    %lt3A_75 = arith.cmpi slt, %rem3A_70, %lt3A_74 : vector<4096x1xi32>
    %lt3A_76 = arith.constant 0 : i32
    %lt3A_77 = arith.cmpi slt, %select_n3A_68, %lt3A_76 : i32
    %ne3A_78 = vector.broadcast %lt3A_77 : i1 to vector<4096x1xi1>
    %ne3A_79 = vector.broadcast %ne3A_78 : vector<4096x1xi1> to vector<4096x1xi1>
    %ne3A_80 = arith.xori %lt3A_75, %ne3A_79 : vector<4096x1xi1>
    %and3A_81 = arith.andi %ne3A_80, %ne3A_73 : vector<4096x1xi1>
    %add3A_82 = vector.broadcast %select_n3A_68 : i32 to vector<4096x1xi32>
    %add3A_83 = arith.addi %rem3A_70, %add3A_82 : vector<4096x1xi32>
    %select_n3A_84 = arith.select %and3A_81, %add3A_83, %rem3A_70 : vector<4096x1xi1>, vector<4096x1xi32>
    %convert_element_type3A_85 = arith.sitofp %select_n3A_84 : vector<4096x1xi32> to vector<4096x1xbf16>
    %broadcast_in_dim3A = arith.constant 1.000000e+00 : bf16
    %broadcast_in_dim3A_86 = vector.broadcast %broadcast_in_dim3A : bf16 to vector<4096x1xbf16>
    %concatenate3A = tpu.concatenate %convert_element_type3A_36, %convert_element_type3A_38, %convert_element_type3A_64, %convert_element_type3A_85, %broadcast_in_dim3A_86 in 1 : vector<4096x3xbf16>, vector<4096x3xbf16>, vector<4096x1xbf16>, vector<4096x1xbf16>, vector<4096x1xbf16> -> vector<4096x9xbf16>
    %broadcast_in_dim3A_87 = arith.constant 0.000000e+00 : f32
    %broadcast_in_dim3A_88 = vector.broadcast %broadcast_in_dim3A_87 : f32 to vector<256x1xf32>
    %reduce_min3A = arith.constant dense<0x7F800000> : vector<256xf32>
    %reduce_min3A_89 = vector.multi_reduction <minimumf>, %add3A_35, %reduce_min3A [1] : vector<256x4096xf32> to vector<256xf32>
    %broadcast_in_dim3A_90 = vector.shape_cast %reduce_min3A_89 : vector<256xf32> to vector<256x1xf32>
    %eq3A_91 = vector.broadcast %broadcast_in_dim3A_90 : vector<256x1xf32> to vector<256x4096xf32>
    %eq3A_92 = arith.cmpf oeq, %add3A_35, %eq3A_91 : vector<256x4096xf32>
    %jit3A_93 = arith.constant 1.000000e+00 : f32
    %jit3A_94 = arith.constant 0.000000e+00 : f32
    %broadcast_in_dim3A_95 = vector.broadcast %jit3A_93 : f32 to vector<256x4096xf32>
    %broadcast_in_dim3A_96 = vector.broadcast %jit3A_94 : f32 to vector<256x4096xf32>
    %select_n3A_97 = arith.select %eq3A_92, %broadcast_in_dim3A_95, %broadcast_in_dim3A_96 : vector<256x4096xi1>, vector<256x4096xf32>
    %convert_element_type3A_98 = arith.truncf %select_n3A_97 : vector<256x4096xf32> to vector<256x4096xbf16>
    %dot_general3A_99 = arith.constant dense<0.000000e+00> : vector<256x9xf32>
    %dot_general3A_100 = tpu.matmul %convert_element_type3A_98, %concatenate3A, %dot_general3A_99 {dimension_numbers = #tpu.dot_dimension_numbers<[1], [0], [0], [1], [0, 0, 1, 1], [], []>, transpose_lhs_hint = false} : vector<256x4096xbf16>, vector<4096x9xbf16>, vector<256x9xf32> -> vector<256x9xf32>
    %slice3A_101 = vector.extract_strided_slice %dot_general3A_100 {offsets = [0, 6], sizes = [256, 1], strides = [1, 1]} : vector<256x9xf32> to vector<256x1xf32>
    %mul3A_102 = arith.constant 6.400000e+01 : f32
    %mul3A_103 = vector.broadcast %mul3A_102 : f32 to vector<256x1xf32>
    %mul3A_104 = arith.mulf %slice3A_101, %mul3A_103 : vector<256x1xf32>
    %slice3A_105 = vector.extract_strided_slice %dot_general3A_100 {offsets = [0, 7], sizes = [256, 1], strides = [1, 1]} : vector<256x9xf32> to vector<256x1xf32>
    %add3A_106 = arith.addf %mul3A_104, %slice3A_105 : vector<256x1xf32>
    %convert_element_type3A_107 = arith.fptosi %add3A_106 : vector<256x1xf32> to vector<256x1xi32>
    %slice3A_108 = vector.extract_strided_slice %dot_general3A_100 {offsets = [0, 8], sizes = [256, 1], strides = [1, 1]} : vector<256x9xf32> to vector<256x1xf32>
    %max3A = arith.maximumf %broadcast_in_dim3A_88, %slice3A_108 : vector<256x1xf32>
    %slice3A_109 = vector.extract_strided_slice %dot_general3A_100 {offsets = [0, 0], sizes = [256, 3], strides = [1, 1]} : vector<256x9xf32> to vector<256x3xf32>
    %slice3A_110 = vector.extract_strided_slice %dot_general3A_100 {offsets = [0, 3], sizes = [256, 3], strides = [1, 1]} : vector<256x9xf32> to vector<256x3xf32>
    %add3A_111 = arith.addf %slice3A_109, %slice3A_110 : vector<256x3xf32>
    %sub3A_112 = arith.subf %add3A_111, %get3A_3 : vector<256x3xf32>
    %eq3A_113 = vector.broadcast %convert_element_type3A_107 : vector<256x1xi32> to vector<256x4096xi32>
    %eq3A_114 = arith.cmpi eq, %iota3A, %eq3A_113 : vector<256x4096xi32>
    %jit3A_115 = arith.constant 3.000000e+38 : f32
    %broadcast_in_dim3A_116 = vector.broadcast %jit3A_115 : f32 to vector<256x4096xf32>
    %select_n3A_117 = arith.select %eq3A_114, %broadcast_in_dim3A_116, %add3A_35 : vector<256x4096xi1>, vector<256x4096xf32>
    %reduce_min3A_118 = arith.constant dense<0x7F800000> : vector<256xf32>
    %reduce_min3A_119 = vector.multi_reduction <minimumf>, %select_n3A_117, %reduce_min3A_118 [1] : vector<256x4096xf32> to vector<256xf32>
    %broadcast_in_dim3A_120 = vector.shape_cast %reduce_min3A_119 : vector<256xf32> to vector<256x1xf32>
    %eq3A_121 = vector.broadcast %broadcast_in_dim3A_120 : vector<256x1xf32> to vector<256x4096xf32>
    %eq3A_122 = arith.cmpf oeq, %select_n3A_117, %eq3A_121 : vector<256x4096xf32>
    %jit3A_123 = arith.constant 1.000000e+00 : f32
    %jit3A_124 = arith.constant 0.000000e+00 : f32
    %broadcast_in_dim3A_125 = vector.broadcast %jit3A_123 : f32 to vector<256x4096xf32>
    %broadcast_in_dim3A_126 = vector.broadcast %jit3A_124 : f32 to vector<256x4096xf32>
    %select_n3A_127 = arith.select %eq3A_122, %broadcast_in_dim3A_125, %broadcast_in_dim3A_126 : vector<256x4096xi1>, vector<256x4096xf32>
    %convert_element_type3A_128 = arith.truncf %select_n3A_127 : vector<256x4096xf32> to vector<256x4096xbf16>
    %dot_general3A_129 = arith.constant dense<0.000000e+00> : vector<256x9xf32>
    %dot_general3A_130 = tpu.matmul %convert_element_type3A_128, %concatenate3A, %dot_general3A_129 {dimension_numbers = #tpu.dot_dimension_numbers<[1], [0], [0], [1], [0, 0, 1, 1], [], []>, transpose_lhs_hint = false} : vector<256x4096xbf16>, vector<4096x9xbf16>, vector<256x9xf32> -> vector<256x9xf32>
    %slice3A_131 = vector.extract_strided_slice %dot_general3A_130 {offsets = [0, 6], sizes = [256, 1], strides = [1, 1]} : vector<256x9xf32> to vector<256x1xf32>
    %mul3A_132 = arith.constant 6.400000e+01 : f32
    %mul3A_133 = vector.broadcast %mul3A_132 : f32 to vector<256x1xf32>
    %mul3A_134 = arith.mulf %slice3A_131, %mul3A_133 : vector<256x1xf32>
    %slice3A_135 = vector.extract_strided_slice %dot_general3A_130 {offsets = [0, 7], sizes = [256, 1], strides = [1, 1]} : vector<256x9xf32> to vector<256x1xf32>
    %add3A_136 = arith.addf %mul3A_134, %slice3A_135 : vector<256x1xf32>
    %convert_element_type3A_137 = arith.fptosi %add3A_136 : vector<256x1xf32> to vector<256x1xi32>
    %slice3A_138 = vector.extract_strided_slice %dot_general3A_130 {offsets = [0, 8], sizes = [256, 1], strides = [1, 1]} : vector<256x9xf32> to vector<256x1xf32>
    %max3A_139 = arith.maximumf %max3A, %slice3A_138 : vector<256x1xf32>
    %slice3A_140 = vector.extract_strided_slice %dot_general3A_130 {offsets = [0, 0], sizes = [256, 3], strides = [1, 1]} : vector<256x9xf32> to vector<256x3xf32>
    %slice3A_141 = vector.extract_strided_slice %dot_general3A_130 {offsets = [0, 3], sizes = [256, 3], strides = [1, 1]} : vector<256x9xf32> to vector<256x3xf32>
    %add3A_142 = arith.addf %slice3A_140, %slice3A_141 : vector<256x3xf32>
    %sub3A_143 = arith.subf %add3A_142, %get3A_3 : vector<256x3xf32>
    %eq3A_144 = vector.broadcast %convert_element_type3A_137 : vector<256x1xi32> to vector<256x4096xi32>
    %eq3A_145 = arith.cmpi eq, %iota3A, %eq3A_144 : vector<256x4096xi32>
    %jit3A_146 = arith.constant 3.000000e+38 : f32
    %broadcast_in_dim3A_147 = vector.broadcast %jit3A_146 : f32 to vector<256x4096xf32>
    %select_n3A_148 = arith.select %eq3A_145, %broadcast_in_dim3A_147, %select_n3A_117 : vector<256x4096xi1>, vector<256x4096xf32>
    %reduce_min3A_149 = arith.constant dense<0x7F800000> : vector<256xf32>
    %reduce_min3A_150 = vector.multi_reduction <minimumf>, %select_n3A_148, %reduce_min3A_149 [1] : vector<256x4096xf32> to vector<256xf32>
    %broadcast_in_dim3A_151 = vector.shape_cast %reduce_min3A_150 : vector<256xf32> to vector<256x1xf32>
    %eq3A_152 = vector.broadcast %broadcast_in_dim3A_151 : vector<256x1xf32> to vector<256x4096xf32>
    %eq3A_153 = arith.cmpf oeq, %select_n3A_148, %eq3A_152 : vector<256x4096xf32>
    %jit3A_154 = arith.constant 1.000000e+00 : f32
    %jit3A_155 = arith.constant 0.000000e+00 : f32
    %broadcast_in_dim3A_156 = vector.broadcast %jit3A_154 : f32 to vector<256x4096xf32>
    %broadcast_in_dim3A_157 = vector.broadcast %jit3A_155 : f32 to vector<256x4096xf32>
    %select_n3A_158 = arith.select %eq3A_153, %broadcast_in_dim3A_156, %broadcast_in_dim3A_157 : vector<256x4096xi1>, vector<256x4096xf32>
    %convert_element_type3A_159 = arith.truncf %select_n3A_158 : vector<256x4096xf32> to vector<256x4096xbf16>
    %dot_general3A_160 = arith.constant dense<0.000000e+00> : vector<256x9xf32>
    %dot_general3A_161 = tpu.matmul %convert_element_type3A_159, %concatenate3A, %dot_general3A_160 {dimension_numbers = #tpu.dot_dimension_numbers<[1], [0], [0], [1], [0, 0, 1, 1], [], []>, transpose_lhs_hint = false} : vector<256x4096xbf16>, vector<4096x9xbf16>, vector<256x9xf32> -> vector<256x9xf32>
    %slice3A_162 = vector.extract_strided_slice %dot_general3A_161 {offsets = [0, 6], sizes = [256, 1], strides = [1, 1]} : vector<256x9xf32> to vector<256x1xf32>
    %mul3A_163 = arith.constant 6.400000e+01 : f32
    %mul3A_164 = vector.broadcast %mul3A_163 : f32 to vector<256x1xf32>
    %mul3A_165 = arith.mulf %slice3A_162, %mul3A_164 : vector<256x1xf32>
    %slice3A_166 = vector.extract_strided_slice %dot_general3A_161 {offsets = [0, 7], sizes = [256, 1], strides = [1, 1]} : vector<256x9xf32> to vector<256x1xf32>
    %add3A_167 = arith.addf %mul3A_165, %slice3A_166 : vector<256x1xf32>
    %convert_element_type3A_168 = arith.fptosi %add3A_167 : vector<256x1xf32> to vector<256x1xi32>
    %slice3A_169 = vector.extract_strided_slice %dot_general3A_161 {offsets = [0, 8], sizes = [256, 1], strides = [1, 1]} : vector<256x9xf32> to vector<256x1xf32>
    %max3A_170 = arith.maximumf %max3A_139, %slice3A_169 : vector<256x1xf32>
    %slice3A_171 = vector.extract_strided_slice %dot_general3A_161 {offsets = [0, 0], sizes = [256, 3], strides = [1, 1]} : vector<256x9xf32> to vector<256x3xf32>
    %slice3A_172 = vector.extract_strided_slice %dot_general3A_161 {offsets = [0, 3], sizes = [256, 3], strides = [1, 1]} : vector<256x9xf32> to vector<256x3xf32>
    %add3A_173 = arith.addf %slice3A_171, %slice3A_172 : vector<256x3xf32>
    %sub3A_174 = arith.subf %add3A_173, %get3A_3 : vector<256x3xf32>
    %eq3A_175 = vector.broadcast %convert_element_type3A_168 : vector<256x1xi32> to vector<256x4096xi32>
    %eq3A_176 = arith.cmpi eq, %iota3A, %eq3A_175 : vector<256x4096xi32>
    %jit3A_177 = arith.constant 3.000000e+38 : f32
    %broadcast_in_dim3A_178 = vector.broadcast %jit3A_177 : f32 to vector<256x4096xf32>
    %select_n3A_179 = arith.select %eq3A_176, %broadcast_in_dim3A_178, %select_n3A_148 : vector<256x4096xi1>, vector<256x4096xf32>
    %reduce_min3A_180 = arith.constant dense<0x7F800000> : vector<256xf32>
    %reduce_min3A_181 = vector.multi_reduction <minimumf>, %select_n3A_179, %reduce_min3A_180 [1] : vector<256x4096xf32> to vector<256xf32>
    %broadcast_in_dim3A_182 = vector.shape_cast %reduce_min3A_181 : vector<256xf32> to vector<256x1xf32>
    %eq3A_183 = vector.broadcast %broadcast_in_dim3A_182 : vector<256x1xf32> to vector<256x4096xf32>
    %eq3A_184 = arith.cmpf oeq, %select_n3A_179, %eq3A_183 : vector<256x4096xf32>
    %jit3A_185 = arith.constant 1.000000e+00 : f32
    %jit3A_186 = arith.constant 0.000000e+00 : f32
    %broadcast_in_dim3A_187 = vector.broadcast %jit3A_185 : f32 to vector<256x4096xf32>
    %broadcast_in_dim3A_188 = vector.broadcast %jit3A_186 : f32 to vector<256x4096xf32>
    %select_n3A_189 = arith.select %eq3A_184, %broadcast_in_dim3A_187, %broadcast_in_dim3A_188 : vector<256x4096xi1>, vector<256x4096xf32>
    %convert_element_type3A_190 = arith.truncf %select_n3A_189 : vector<256x4096xf32> to vector<256x4096xbf16>
    %dot_general3A_191 = arith.constant dense<0.000000e+00> : vector<256x9xf32>
    %dot_general3A_192 = tpu.matmul %convert_element_type3A_190, %concatenate3A, %dot_general3A_191 {dimension_numbers = #tpu.dot_dimension_numbers<[1], [0], [0], [1], [0, 0, 1, 1], [], []>, transpose_lhs_hint = false} : vector<256x4096xbf16>, vector<4096x9xbf16>, vector<256x9xf32> -> vector<256x9xf32>
    %slice3A_193 = vector.extract_strided_slice %dot_general3A_192 {offsets = [0, 6], sizes = [256, 1], strides = [1, 1]} : vector<256x9xf32> to vector<256x1xf32>
    %mul3A_194 = arith.constant 6.400000e+01 : f32
    %mul3A_195 = vector.broadcast %mul3A_194 : f32 to vector<256x1xf32>
    %mul3A_196 = arith.mulf %slice3A_193, %mul3A_195 : vector<256x1xf32>
    %slice3A_197 = vector.extract_strided_slice %dot_general3A_192 {offsets = [0, 7], sizes = [256, 1], strides = [1, 1]} : vector<256x9xf32> to vector<256x1xf32>
    %add3A_198 = arith.addf %mul3A_196, %slice3A_197 : vector<256x1xf32>
    %convert_element_type3A_199 = arith.fptosi %add3A_198 : vector<256x1xf32> to vector<256x1xi32>
    %slice3A_200 = vector.extract_strided_slice %dot_general3A_192 {offsets = [0, 8], sizes = [256, 1], strides = [1, 1]} : vector<256x9xf32> to vector<256x1xf32>
    %max3A_201 = arith.maximumf %max3A_170, %slice3A_200 : vector<256x1xf32>
    %slice3A_202 = vector.extract_strided_slice %dot_general3A_192 {offsets = [0, 0], sizes = [256, 3], strides = [1, 1]} : vector<256x9xf32> to vector<256x3xf32>
    %slice3A_203 = vector.extract_strided_slice %dot_general3A_192 {offsets = [0, 3], sizes = [256, 3], strides = [1, 1]} : vector<256x9xf32> to vector<256x3xf32>
    %add3A_204 = arith.addf %slice3A_202, %slice3A_203 : vector<256x3xf32>
    %sub3A_205 = arith.subf %add3A_204, %get3A_3 : vector<256x3xf32>
    %eq3A_206 = vector.broadcast %convert_element_type3A_199 : vector<256x1xi32> to vector<256x4096xi32>
    %eq3A_207 = arith.cmpi eq, %iota3A, %eq3A_206 : vector<256x4096xi32>
    %jit3A_208 = arith.constant 3.000000e+38 : f32
    %broadcast_in_dim3A_209 = vector.broadcast %jit3A_208 : f32 to vector<256x4096xf32>
    %select_n3A_210 = arith.select %eq3A_207, %broadcast_in_dim3A_209, %select_n3A_179 : vector<256x4096xi1>, vector<256x4096xf32>
    %reduce_min3A_211 = arith.constant dense<0x7F800000> : vector<256xf32>
    %reduce_min3A_212 = vector.multi_reduction <minimumf>, %select_n3A_210, %reduce_min3A_211 [1] : vector<256x4096xf32> to vector<256xf32>
    %broadcast_in_dim3A_213 = vector.shape_cast %reduce_min3A_212 : vector<256xf32> to vector<256x1xf32>
    %eq3A_214 = vector.broadcast %broadcast_in_dim3A_213 : vector<256x1xf32> to vector<256x4096xf32>
    %eq3A_215 = arith.cmpf oeq, %select_n3A_210, %eq3A_214 : vector<256x4096xf32>
    %jit3A_216 = arith.constant 1.000000e+00 : f32
    %jit3A_217 = arith.constant 0.000000e+00 : f32
    %broadcast_in_dim3A_218 = vector.broadcast %jit3A_216 : f32 to vector<256x4096xf32>
    %broadcast_in_dim3A_219 = vector.broadcast %jit3A_217 : f32 to vector<256x4096xf32>
    %select_n3A_220 = arith.select %eq3A_215, %broadcast_in_dim3A_218, %broadcast_in_dim3A_219 : vector<256x4096xi1>, vector<256x4096xf32>
    %convert_element_type3A_221 = arith.truncf %select_n3A_220 : vector<256x4096xf32> to vector<256x4096xbf16>
    %dot_general3A_222 = arith.constant dense<0.000000e+00> : vector<256x9xf32>
    %dot_general3A_223 = tpu.matmul %convert_element_type3A_221, %concatenate3A, %dot_general3A_222 {dimension_numbers = #tpu.dot_dimension_numbers<[1], [0], [0], [1], [0, 0, 1, 1], [], []>, transpose_lhs_hint = false} : vector<256x4096xbf16>, vector<4096x9xbf16>, vector<256x9xf32> -> vector<256x9xf32>
    %slice3A_224 = vector.extract_strided_slice %dot_general3A_223 {offsets = [0, 6], sizes = [256, 1], strides = [1, 1]} : vector<256x9xf32> to vector<256x1xf32>
    %mul3A_225 = arith.constant 6.400000e+01 : f32
    %mul3A_226 = vector.broadcast %mul3A_225 : f32 to vector<256x1xf32>
    %mul3A_227 = arith.mulf %slice3A_224, %mul3A_226 : vector<256x1xf32>
    %slice3A_228 = vector.extract_strided_slice %dot_general3A_223 {offsets = [0, 7], sizes = [256, 1], strides = [1, 1]} : vector<256x9xf32> to vector<256x1xf32>
    %add3A_229 = arith.addf %mul3A_227, %slice3A_228 : vector<256x1xf32>
    %convert_element_type3A_230 = arith.fptosi %add3A_229 : vector<256x1xf32> to vector<256x1xi32>
    %slice3A_231 = vector.extract_strided_slice %dot_general3A_223 {offsets = [0, 8], sizes = [256, 1], strides = [1, 1]} : vector<256x9xf32> to vector<256x1xf32>
    %max3A_232 = arith.maximumf %max3A_201, %slice3A_231 : vector<256x1xf32>
    %slice3A_233 = vector.extract_strided_slice %dot_general3A_223 {offsets = [0, 0], sizes = [256, 3], strides = [1, 1]} : vector<256x9xf32> to vector<256x3xf32>
    %slice3A_234 = vector.extract_strided_slice %dot_general3A_223 {offsets = [0, 3], sizes = [256, 3], strides = [1, 1]} : vector<256x9xf32> to vector<256x3xf32>
    %add3A_235 = arith.addf %slice3A_233, %slice3A_234 : vector<256x3xf32>
    %sub3A_236 = arith.subf %add3A_235, %get3A_3 : vector<256x3xf32>
    %eq3A_237 = vector.broadcast %convert_element_type3A_230 : vector<256x1xi32> to vector<256x4096xi32>
    %eq3A_238 = arith.cmpi eq, %iota3A, %eq3A_237 : vector<256x4096xi32>
    %jit3A_239 = arith.constant 3.000000e+38 : f32
    %broadcast_in_dim3A_240 = vector.broadcast %jit3A_239 : f32 to vector<256x4096xf32>
    %select_n3A_241 = arith.select %eq3A_238, %broadcast_in_dim3A_240, %select_n3A_210 : vector<256x4096xi1>, vector<256x4096xf32>
    %reduce_min3A_242 = arith.constant dense<0x7F800000> : vector<256xf32>
    %reduce_min3A_243 = vector.multi_reduction <minimumf>, %select_n3A_241, %reduce_min3A_242 [1] : vector<256x4096xf32> to vector<256xf32>
    %broadcast_in_dim3A_244 = vector.shape_cast %reduce_min3A_243 : vector<256xf32> to vector<256x1xf32>
    %eq3A_245 = vector.broadcast %broadcast_in_dim3A_244 : vector<256x1xf32> to vector<256x4096xf32>
    %eq3A_246 = arith.cmpf oeq, %select_n3A_241, %eq3A_245 : vector<256x4096xf32>
    %jit3A_247 = arith.constant 1.000000e+00 : f32
    %jit3A_248 = arith.constant 0.000000e+00 : f32
    %broadcast_in_dim3A_249 = vector.broadcast %jit3A_247 : f32 to vector<256x4096xf32>
    %broadcast_in_dim3A_250 = vector.broadcast %jit3A_248 : f32 to vector<256x4096xf32>
    %select_n3A_251 = arith.select %eq3A_246, %broadcast_in_dim3A_249, %broadcast_in_dim3A_250 : vector<256x4096xi1>, vector<256x4096xf32>
    %convert_element_type3A_252 = arith.truncf %select_n3A_251 : vector<256x4096xf32> to vector<256x4096xbf16>
    %dot_general3A_253 = arith.constant dense<0.000000e+00> : vector<256x9xf32>
    %dot_general3A_254 = tpu.matmul %convert_element_type3A_252, %concatenate3A, %dot_general3A_253 {dimension_numbers = #tpu.dot_dimension_numbers<[1], [0], [0], [1], [0, 0, 1, 1], [], []>, transpose_lhs_hint = false} : vector<256x4096xbf16>, vector<4096x9xbf16>, vector<256x9xf32> -> vector<256x9xf32>
    %slice3A_255 = vector.extract_strided_slice %dot_general3A_254 {offsets = [0, 6], sizes = [256, 1], strides = [1, 1]} : vector<256x9xf32> to vector<256x1xf32>
    %mul3A_256 = arith.constant 6.400000e+01 : f32
    %mul3A_257 = vector.broadcast %mul3A_256 : f32 to vector<256x1xf32>
    %mul3A_258 = arith.mulf %slice3A_255, %mul3A_257 : vector<256x1xf32>
    %slice3A_259 = vector.extract_strided_slice %dot_general3A_254 {offsets = [0, 7], sizes = [256, 1], strides = [1, 1]} : vector<256x9xf32> to vector<256x1xf32>
    %add3A_260 = arith.addf %mul3A_258, %slice3A_259 : vector<256x1xf32>
    %convert_element_type3A_261 = arith.fptosi %add3A_260 : vector<256x1xf32> to vector<256x1xi32>
    %slice3A_262 = vector.extract_strided_slice %dot_general3A_254 {offsets = [0, 8], sizes = [256, 1], strides = [1, 1]} : vector<256x9xf32> to vector<256x1xf32>
    %max3A_263 = arith.maximumf %max3A_232, %slice3A_262 : vector<256x1xf32>
    %slice3A_264 = vector.extract_strided_slice %dot_general3A_254 {offsets = [0, 0], sizes = [256, 3], strides = [1, 1]} : vector<256x9xf32> to vector<256x3xf32>
    %slice3A_265 = vector.extract_strided_slice %dot_general3A_254 {offsets = [0, 3], sizes = [256, 3], strides = [1, 1]} : vector<256x9xf32> to vector<256x3xf32>
    %add3A_266 = arith.addf %slice3A_264, %slice3A_265 : vector<256x3xf32>
    %sub3A_267 = arith.subf %add3A_266, %get3A_3 : vector<256x3xf32>
    %eq3A_268 = vector.broadcast %convert_element_type3A_261 : vector<256x1xi32> to vector<256x4096xi32>
    %eq3A_269 = arith.cmpi eq, %iota3A, %eq3A_268 : vector<256x4096xi32>
    %jit3A_270 = arith.constant 3.000000e+38 : f32
    %broadcast_in_dim3A_271 = vector.broadcast %jit3A_270 : f32 to vector<256x4096xf32>
    %select_n3A_272 = arith.select %eq3A_269, %broadcast_in_dim3A_271, %select_n3A_241 : vector<256x4096xi1>, vector<256x4096xf32>
    %reduce_min3A_273 = arith.constant dense<0x7F800000> : vector<256xf32>
    %reduce_min3A_274 = vector.multi_reduction <minimumf>, %select_n3A_272, %reduce_min3A_273 [1] : vector<256x4096xf32> to vector<256xf32>
    %broadcast_in_dim3A_275 = vector.shape_cast %reduce_min3A_274 : vector<256xf32> to vector<256x1xf32>
    %eq3A_276 = vector.broadcast %broadcast_in_dim3A_275 : vector<256x1xf32> to vector<256x4096xf32>
    %eq3A_277 = arith.cmpf oeq, %select_n3A_272, %eq3A_276 : vector<256x4096xf32>
    %jit3A_278 = arith.constant 1.000000e+00 : f32
    %jit3A_279 = arith.constant 0.000000e+00 : f32
    %broadcast_in_dim3A_280 = vector.broadcast %jit3A_278 : f32 to vector<256x4096xf32>
    %broadcast_in_dim3A_281 = vector.broadcast %jit3A_279 : f32 to vector<256x4096xf32>
    %select_n3A_282 = arith.select %eq3A_277, %broadcast_in_dim3A_280, %broadcast_in_dim3A_281 : vector<256x4096xi1>, vector<256x4096xf32>
    %convert_element_type3A_283 = arith.truncf %select_n3A_282 : vector<256x4096xf32> to vector<256x4096xbf16>
    %dot_general3A_284 = arith.constant dense<0.000000e+00> : vector<256x9xf32>
    %dot_general3A_285 = tpu.matmul %convert_element_type3A_283, %concatenate3A, %dot_general3A_284 {dimension_numbers = #tpu.dot_dimension_numbers<[1], [0], [0], [1], [0, 0, 1, 1], [], []>, transpose_lhs_hint = false} : vector<256x4096xbf16>, vector<4096x9xbf16>, vector<256x9xf32> -> vector<256x9xf32>
    %slice3A_286 = vector.extract_strided_slice %dot_general3A_285 {offsets = [0, 6], sizes = [256, 1], strides = [1, 1]} : vector<256x9xf32> to vector<256x1xf32>
    %mul3A_287 = arith.constant 6.400000e+01 : f32
    %mul3A_288 = vector.broadcast %mul3A_287 : f32 to vector<256x1xf32>
    %mul3A_289 = arith.mulf %slice3A_286, %mul3A_288 : vector<256x1xf32>
    %slice3A_290 = vector.extract_strided_slice %dot_general3A_285 {offsets = [0, 7], sizes = [256, 1], strides = [1, 1]} : vector<256x9xf32> to vector<256x1xf32>
    %add3A_291 = arith.addf %mul3A_289, %slice3A_290 : vector<256x1xf32>
    %convert_element_type3A_292 = arith.fptosi %add3A_291 : vector<256x1xf32> to vector<256x1xi32>
    %slice3A_293 = vector.extract_strided_slice %dot_general3A_285 {offsets = [0, 8], sizes = [256, 1], strides = [1, 1]} : vector<256x9xf32> to vector<256x1xf32>
    %max3A_294 = arith.maximumf %max3A_263, %slice3A_293 : vector<256x1xf32>
    %slice3A_295 = vector.extract_strided_slice %dot_general3A_285 {offsets = [0, 0], sizes = [256, 3], strides = [1, 1]} : vector<256x9xf32> to vector<256x3xf32>
    %slice3A_296 = vector.extract_strided_slice %dot_general3A_285 {offsets = [0, 3], sizes = [256, 3], strides = [1, 1]} : vector<256x9xf32> to vector<256x3xf32>
    %add3A_297 = arith.addf %slice3A_295, %slice3A_296 : vector<256x3xf32>
    %sub3A_298 = arith.subf %add3A_297, %get3A_3 : vector<256x3xf32>
    %eq3A_299 = vector.broadcast %convert_element_type3A_292 : vector<256x1xi32> to vector<256x4096xi32>
    %eq3A_300 = arith.cmpi eq, %iota3A, %eq3A_299 : vector<256x4096xi32>
    %jit3A_301 = arith.constant 3.000000e+38 : f32
    %broadcast_in_dim3A_302 = vector.broadcast %jit3A_301 : f32 to vector<256x4096xf32>
    %select_n3A_303 = arith.select %eq3A_300, %broadcast_in_dim3A_302, %select_n3A_272 : vector<256x4096xi1>, vector<256x4096xf32>
    %reduce_min3A_304 = arith.constant dense<0x7F800000> : vector<256xf32>
    %reduce_min3A_305 = vector.multi_reduction <minimumf>, %select_n3A_303, %reduce_min3A_304 [1] : vector<256x4096xf32> to vector<256xf32>
    %broadcast_in_dim3A_306 = vector.shape_cast %reduce_min3A_305 : vector<256xf32> to vector<256x1xf32>
    %eq3A_307 = vector.broadcast %broadcast_in_dim3A_306 : vector<256x1xf32> to vector<256x4096xf32>
    %eq3A_308 = arith.cmpf oeq, %select_n3A_303, %eq3A_307 : vector<256x4096xf32>
    %jit3A_309 = arith.constant 1.000000e+00 : f32
    %jit3A_310 = arith.constant 0.000000e+00 : f32
    %broadcast_in_dim3A_311 = vector.broadcast %jit3A_309 : f32 to vector<256x4096xf32>
    %broadcast_in_dim3A_312 = vector.broadcast %jit3A_310 : f32 to vector<256x4096xf32>
    %select_n3A_313 = arith.select %eq3A_308, %broadcast_in_dim3A_311, %broadcast_in_dim3A_312 : vector<256x4096xi1>, vector<256x4096xf32>
    %convert_element_type3A_314 = arith.truncf %select_n3A_313 : vector<256x4096xf32> to vector<256x4096xbf16>
    %dot_general3A_315 = arith.constant dense<0.000000e+00> : vector<256x9xf32>
    %dot_general3A_316 = tpu.matmul %convert_element_type3A_314, %concatenate3A, %dot_general3A_315 {dimension_numbers = #tpu.dot_dimension_numbers<[1], [0], [0], [1], [0, 0, 1, 1], [], []>, transpose_lhs_hint = false} : vector<256x4096xbf16>, vector<4096x9xbf16>, vector<256x9xf32> -> vector<256x9xf32>
    %slice3A_317 = vector.extract_strided_slice %dot_general3A_316 {offsets = [0, 6], sizes = [256, 1], strides = [1, 1]} : vector<256x9xf32> to vector<256x1xf32>
    %mul3A_318 = arith.constant 6.400000e+01 : f32
    %mul3A_319 = vector.broadcast %mul3A_318 : f32 to vector<256x1xf32>
    %mul3A_320 = arith.mulf %slice3A_317, %mul3A_319 : vector<256x1xf32>
    %slice3A_321 = vector.extract_strided_slice %dot_general3A_316 {offsets = [0, 7], sizes = [256, 1], strides = [1, 1]} : vector<256x9xf32> to vector<256x1xf32>
    %add3A_322 = arith.addf %mul3A_320, %slice3A_321 : vector<256x1xf32>
    %convert_element_type3A_323 = arith.fptosi %add3A_322 : vector<256x1xf32> to vector<256x1xi32>
    %slice3A_324 = vector.extract_strided_slice %dot_general3A_316 {offsets = [0, 8], sizes = [256, 1], strides = [1, 1]} : vector<256x9xf32> to vector<256x1xf32>
    %max3A_325 = arith.maximumf %max3A_294, %slice3A_324 : vector<256x1xf32>
    %slice3A_326 = vector.extract_strided_slice %dot_general3A_316 {offsets = [0, 0], sizes = [256, 3], strides = [1, 1]} : vector<256x9xf32> to vector<256x3xf32>
    %slice3A_327 = vector.extract_strided_slice %dot_general3A_316 {offsets = [0, 3], sizes = [256, 3], strides = [1, 1]} : vector<256x9xf32> to vector<256x3xf32>
    %add3A_328 = arith.addf %slice3A_326, %slice3A_327 : vector<256x3xf32>
    %sub3A_329 = arith.subf %add3A_328, %get3A_3 : vector<256x3xf32>
    %eq3A_330 = vector.broadcast %convert_element_type3A_323 : vector<256x1xi32> to vector<256x4096xi32>
    %eq3A_331 = arith.cmpi eq, %iota3A, %eq3A_330 : vector<256x4096xi32>
    %jit3A_332 = arith.constant 3.000000e+38 : f32
    %broadcast_in_dim3A_333 = vector.broadcast %jit3A_332 : f32 to vector<256x4096xf32>
    %select_n3A_334 = arith.select %eq3A_331, %broadcast_in_dim3A_333, %select_n3A_303 : vector<256x4096xi1>, vector<256x4096xf32>
    %reduce_min3A_335 = arith.constant dense<0x7F800000> : vector<256xf32>
    %reduce_min3A_336 = vector.multi_reduction <minimumf>, %select_n3A_334, %reduce_min3A_335 [1] : vector<256x4096xf32> to vector<256xf32>
    %broadcast_in_dim3A_337 = vector.shape_cast %reduce_min3A_336 : vector<256xf32> to vector<256x1xf32>
    %eq3A_338 = vector.broadcast %broadcast_in_dim3A_337 : vector<256x1xf32> to vector<256x4096xf32>
    %eq3A_339 = arith.cmpf oeq, %select_n3A_334, %eq3A_338 : vector<256x4096xf32>
    %jit3A_340 = arith.constant 1.000000e+00 : f32
    %jit3A_341 = arith.constant 0.000000e+00 : f32
    %broadcast_in_dim3A_342 = vector.broadcast %jit3A_340 : f32 to vector<256x4096xf32>
    %broadcast_in_dim3A_343 = vector.broadcast %jit3A_341 : f32 to vector<256x4096xf32>
    %select_n3A_344 = arith.select %eq3A_339, %broadcast_in_dim3A_342, %broadcast_in_dim3A_343 : vector<256x4096xi1>, vector<256x4096xf32>
    %convert_element_type3A_345 = arith.truncf %select_n3A_344 : vector<256x4096xf32> to vector<256x4096xbf16>
    %dot_general3A_346 = arith.constant dense<0.000000e+00> : vector<256x9xf32>
    %dot_general3A_347 = tpu.matmul %convert_element_type3A_345, %concatenate3A, %dot_general3A_346 {dimension_numbers = #tpu.dot_dimension_numbers<[1], [0], [0], [1], [0, 0, 1, 1], [], []>, transpose_lhs_hint = false} : vector<256x4096xbf16>, vector<4096x9xbf16>, vector<256x9xf32> -> vector<256x9xf32>
    %slice3A_348 = vector.extract_strided_slice %dot_general3A_347 {offsets = [0, 6], sizes = [256, 1], strides = [1, 1]} : vector<256x9xf32> to vector<256x1xf32>
    %mul3A_349 = arith.constant 6.400000e+01 : f32
    %mul3A_350 = vector.broadcast %mul3A_349 : f32 to vector<256x1xf32>
    %mul3A_351 = arith.mulf %slice3A_348, %mul3A_350 : vector<256x1xf32>
    %slice3A_352 = vector.extract_strided_slice %dot_general3A_347 {offsets = [0, 7], sizes = [256, 1], strides = [1, 1]} : vector<256x9xf32> to vector<256x1xf32>
    %add3A_353 = arith.addf %mul3A_351, %slice3A_352 : vector<256x1xf32>
    %convert_element_type3A_354 = arith.fptosi %add3A_353 : vector<256x1xf32> to vector<256x1xi32>
    %slice3A_355 = vector.extract_strided_slice %dot_general3A_347 {offsets = [0, 8], sizes = [256, 1], strides = [1, 1]} : vector<256x9xf32> to vector<256x1xf32>
    %max3A_356 = arith.maximumf %max3A_325, %slice3A_355 : vector<256x1xf32>
    %slice3A_357 = vector.extract_strided_slice %dot_general3A_347 {offsets = [0, 0], sizes = [256, 3], strides = [1, 1]} : vector<256x9xf32> to vector<256x3xf32>
    %slice3A_358 = vector.extract_strided_slice %dot_general3A_347 {offsets = [0, 3], sizes = [256, 3], strides = [1, 1]} : vector<256x9xf32> to vector<256x3xf32>
    %add3A_359 = arith.addf %slice3A_357, %slice3A_358 : vector<256x3xf32>
    %sub3A_360 = arith.subf %add3A_359, %get3A_3 : vector<256x3xf32>
    %eq3A_361 = vector.broadcast %convert_element_type3A_354 : vector<256x1xi32> to vector<256x4096xi32>
    %eq3A_362 = arith.cmpi eq, %iota3A, %eq3A_361 : vector<256x4096xi32>
    %jit3A_363 = arith.constant 3.000000e+38 : f32
    %broadcast_in_dim3A_364 = vector.broadcast %jit3A_363 : f32 to vector<256x4096xf32>
    %select_n3A_365 = arith.select %eq3A_362, %broadcast_in_dim3A_364, %select_n3A_334 : vector<256x4096xi1>, vector<256x4096xf32>
    %reduce_min3A_366 = arith.constant dense<0x7F800000> : vector<256xf32>
    %reduce_min3A_367 = vector.multi_reduction <minimumf>, %select_n3A_365, %reduce_min3A_366 [1] : vector<256x4096xf32> to vector<256xf32>
    %broadcast_in_dim3A_368 = vector.shape_cast %reduce_min3A_367 : vector<256xf32> to vector<256x1xf32>
    %eq3A_369 = vector.broadcast %broadcast_in_dim3A_368 : vector<256x1xf32> to vector<256x4096xf32>
    %eq3A_370 = arith.cmpf oeq, %select_n3A_365, %eq3A_369 : vector<256x4096xf32>
    %jit3A_371 = arith.constant 1.000000e+00 : f32
    %jit3A_372 = arith.constant 0.000000e+00 : f32
    %broadcast_in_dim3A_373 = vector.broadcast %jit3A_371 : f32 to vector<256x4096xf32>
    %broadcast_in_dim3A_374 = vector.broadcast %jit3A_372 : f32 to vector<256x4096xf32>
    %select_n3A_375 = arith.select %eq3A_370, %broadcast_in_dim3A_373, %broadcast_in_dim3A_374 : vector<256x4096xi1>, vector<256x4096xf32>
    %convert_element_type3A_376 = arith.truncf %select_n3A_375 : vector<256x4096xf32> to vector<256x4096xbf16>
    %dot_general3A_377 = arith.constant dense<0.000000e+00> : vector<256x9xf32>
    %dot_general3A_378 = tpu.matmul %convert_element_type3A_376, %concatenate3A, %dot_general3A_377 {dimension_numbers = #tpu.dot_dimension_numbers<[1], [0], [0], [1], [0, 0, 1, 1], [], []>, transpose_lhs_hint = false} : vector<256x4096xbf16>, vector<4096x9xbf16>, vector<256x9xf32> -> vector<256x9xf32>
    %slice3A_379 = vector.extract_strided_slice %dot_general3A_378 {offsets = [0, 6], sizes = [256, 1], strides = [1, 1]} : vector<256x9xf32> to vector<256x1xf32>
    %mul3A_380 = arith.constant 6.400000e+01 : f32
    %mul3A_381 = vector.broadcast %mul3A_380 : f32 to vector<256x1xf32>
    %mul3A_382 = arith.mulf %slice3A_379, %mul3A_381 : vector<256x1xf32>
    %slice3A_383 = vector.extract_strided_slice %dot_general3A_378 {offsets = [0, 7], sizes = [256, 1], strides = [1, 1]} : vector<256x9xf32> to vector<256x1xf32>
    %add3A_384 = arith.addf %mul3A_382, %slice3A_383 : vector<256x1xf32>
    %convert_element_type3A_385 = arith.fptosi %add3A_384 : vector<256x1xf32> to vector<256x1xi32>
    %slice3A_386 = vector.extract_strided_slice %dot_general3A_378 {offsets = [0, 8], sizes = [256, 1], strides = [1, 1]} : vector<256x9xf32> to vector<256x1xf32>
    %max3A_387 = arith.maximumf %max3A_356, %slice3A_386 : vector<256x1xf32>
    %slice3A_388 = vector.extract_strided_slice %dot_general3A_378 {offsets = [0, 0], sizes = [256, 3], strides = [1, 1]} : vector<256x9xf32> to vector<256x3xf32>
    %slice3A_389 = vector.extract_strided_slice %dot_general3A_378 {offsets = [0, 3], sizes = [256, 3], strides = [1, 1]} : vector<256x9xf32> to vector<256x3xf32>
    %add3A_390 = arith.addf %slice3A_388, %slice3A_389 : vector<256x3xf32>
    %sub3A_391 = arith.subf %add3A_390, %get3A_3 : vector<256x3xf32>
    %eq3A_392 = vector.broadcast %convert_element_type3A_385 : vector<256x1xi32> to vector<256x4096xi32>
    %eq3A_393 = arith.cmpi eq, %iota3A, %eq3A_392 : vector<256x4096xi32>
    %jit3A_394 = arith.constant 3.000000e+38 : f32
    %broadcast_in_dim3A_395 = vector.broadcast %jit3A_394 : f32 to vector<256x4096xf32>
    %select_n3A_396 = arith.select %eq3A_393, %broadcast_in_dim3A_395, %select_n3A_365 : vector<256x4096xi1>, vector<256x4096xf32>
    %reduce_min3A_397 = arith.constant dense<0x7F800000> : vector<256xf32>
    %reduce_min3A_398 = vector.multi_reduction <minimumf>, %select_n3A_396, %reduce_min3A_397 [1] : vector<256x4096xf32> to vector<256xf32>
    %broadcast_in_dim3A_399 = vector.shape_cast %reduce_min3A_398 : vector<256xf32> to vector<256x1xf32>
    %eq3A_400 = vector.broadcast %broadcast_in_dim3A_399 : vector<256x1xf32> to vector<256x4096xf32>
    %eq3A_401 = arith.cmpf oeq, %select_n3A_396, %eq3A_400 : vector<256x4096xf32>
    %jit3A_402 = arith.constant 1.000000e+00 : f32
    %jit3A_403 = arith.constant 0.000000e+00 : f32
    %broadcast_in_dim3A_404 = vector.broadcast %jit3A_402 : f32 to vector<256x4096xf32>
    %broadcast_in_dim3A_405 = vector.broadcast %jit3A_403 : f32 to vector<256x4096xf32>
    %select_n3A_406 = arith.select %eq3A_401, %broadcast_in_dim3A_404, %broadcast_in_dim3A_405 : vector<256x4096xi1>, vector<256x4096xf32>
    %convert_element_type3A_407 = arith.truncf %select_n3A_406 : vector<256x4096xf32> to vector<256x4096xbf16>
    %dot_general3A_408 = arith.constant dense<0.000000e+00> : vector<256x9xf32>
    %dot_general3A_409 = tpu.matmul %convert_element_type3A_407, %concatenate3A, %dot_general3A_408 {dimension_numbers = #tpu.dot_dimension_numbers<[1], [0], [0], [1], [0, 0, 1, 1], [], []>, transpose_lhs_hint = false} : vector<256x4096xbf16>, vector<4096x9xbf16>, vector<256x9xf32> -> vector<256x9xf32>
    %slice3A_410 = vector.extract_strided_slice %dot_general3A_409 {offsets = [0, 6], sizes = [256, 1], strides = [1, 1]} : vector<256x9xf32> to vector<256x1xf32>
    %mul3A_411 = arith.constant 6.400000e+01 : f32
    %mul3A_412 = vector.broadcast %mul3A_411 : f32 to vector<256x1xf32>
    %mul3A_413 = arith.mulf %slice3A_410, %mul3A_412 : vector<256x1xf32>
    %slice3A_414 = vector.extract_strided_slice %dot_general3A_409 {offsets = [0, 7], sizes = [256, 1], strides = [1, 1]} : vector<256x9xf32> to vector<256x1xf32>
    %add3A_415 = arith.addf %mul3A_413, %slice3A_414 : vector<256x1xf32>
    %convert_element_type3A_416 = arith.fptosi %add3A_415 : vector<256x1xf32> to vector<256x1xi32>
    %slice3A_417 = vector.extract_strided_slice %dot_general3A_409 {offsets = [0, 8], sizes = [256, 1], strides = [1, 1]} : vector<256x9xf32> to vector<256x1xf32>
    %max3A_418 = arith.maximumf %max3A_387, %slice3A_417 : vector<256x1xf32>
    %slice3A_419 = vector.extract_strided_slice %dot_general3A_409 {offsets = [0, 0], sizes = [256, 3], strides = [1, 1]} : vector<256x9xf32> to vector<256x3xf32>
    %slice3A_420 = vector.extract_strided_slice %dot_general3A_409 {offsets = [0, 3], sizes = [256, 3], strides = [1, 1]} : vector<256x9xf32> to vector<256x3xf32>
    %add3A_421 = arith.addf %slice3A_419, %slice3A_420 : vector<256x3xf32>
    %sub3A_422 = arith.subf %add3A_421, %get3A_3 : vector<256x3xf32>
    %eq3A_423 = vector.broadcast %convert_element_type3A_416 : vector<256x1xi32> to vector<256x4096xi32>
    %eq3A_424 = arith.cmpi eq, %iota3A, %eq3A_423 : vector<256x4096xi32>
    %jit3A_425 = arith.constant 3.000000e+38 : f32
    %broadcast_in_dim3A_426 = vector.broadcast %jit3A_425 : f32 to vector<256x4096xf32>
    %select_n3A_427 = arith.select %eq3A_424, %broadcast_in_dim3A_426, %select_n3A_396 : vector<256x4096xi1>, vector<256x4096xf32>
    %reduce_min3A_428 = arith.constant dense<0x7F800000> : vector<256xf32>
    %reduce_min3A_429 = vector.multi_reduction <minimumf>, %select_n3A_427, %reduce_min3A_428 [1] : vector<256x4096xf32> to vector<256xf32>
    %broadcast_in_dim3A_430 = vector.shape_cast %reduce_min3A_429 : vector<256xf32> to vector<256x1xf32>
    %eq3A_431 = vector.broadcast %broadcast_in_dim3A_430 : vector<256x1xf32> to vector<256x4096xf32>
    %eq3A_432 = arith.cmpf oeq, %select_n3A_427, %eq3A_431 : vector<256x4096xf32>
    %jit3A_433 = arith.constant 1.000000e+00 : f32
    %jit3A_434 = arith.constant 0.000000e+00 : f32
    %broadcast_in_dim3A_435 = vector.broadcast %jit3A_433 : f32 to vector<256x4096xf32>
    %broadcast_in_dim3A_436 = vector.broadcast %jit3A_434 : f32 to vector<256x4096xf32>
    %select_n3A_437 = arith.select %eq3A_432, %broadcast_in_dim3A_435, %broadcast_in_dim3A_436 : vector<256x4096xi1>, vector<256x4096xf32>
    %convert_element_type3A_438 = arith.truncf %select_n3A_437 : vector<256x4096xf32> to vector<256x4096xbf16>
    %dot_general3A_439 = arith.constant dense<0.000000e+00> : vector<256x9xf32>
    %dot_general3A_440 = tpu.matmul %convert_element_type3A_438, %concatenate3A, %dot_general3A_439 {dimension_numbers = #tpu.dot_dimension_numbers<[1], [0], [0], [1], [0, 0, 1, 1], [], []>, transpose_lhs_hint = false} : vector<256x4096xbf16>, vector<4096x9xbf16>, vector<256x9xf32> -> vector<256x9xf32>
    %slice3A_441 = vector.extract_strided_slice %dot_general3A_440 {offsets = [0, 6], sizes = [256, 1], strides = [1, 1]} : vector<256x9xf32> to vector<256x1xf32>
    %mul3A_442 = arith.constant 6.400000e+01 : f32
    %mul3A_443 = vector.broadcast %mul3A_442 : f32 to vector<256x1xf32>
    %mul3A_444 = arith.mulf %slice3A_441, %mul3A_443 : vector<256x1xf32>
    %slice3A_445 = vector.extract_strided_slice %dot_general3A_440 {offsets = [0, 7], sizes = [256, 1], strides = [1, 1]} : vector<256x9xf32> to vector<256x1xf32>
    %add3A_446 = arith.addf %mul3A_444, %slice3A_445 : vector<256x1xf32>
    %convert_element_type3A_447 = arith.fptosi %add3A_446 : vector<256x1xf32> to vector<256x1xi32>
    %slice3A_448 = vector.extract_strided_slice %dot_general3A_440 {offsets = [0, 8], sizes = [256, 1], strides = [1, 1]} : vector<256x9xf32> to vector<256x1xf32>
    %max3A_449 = arith.maximumf %max3A_418, %slice3A_448 : vector<256x1xf32>
    %slice3A_450 = vector.extract_strided_slice %dot_general3A_440 {offsets = [0, 0], sizes = [256, 3], strides = [1, 1]} : vector<256x9xf32> to vector<256x3xf32>
    %slice3A_451 = vector.extract_strided_slice %dot_general3A_440 {offsets = [0, 3], sizes = [256, 3], strides = [1, 1]} : vector<256x9xf32> to vector<256x3xf32>
    %add3A_452 = arith.addf %slice3A_450, %slice3A_451 : vector<256x3xf32>
    %sub3A_453 = arith.subf %add3A_452, %get3A_3 : vector<256x3xf32>
    %eq3A_454 = vector.broadcast %convert_element_type3A_447 : vector<256x1xi32> to vector<256x4096xi32>
    %eq3A_455 = arith.cmpi eq, %iota3A, %eq3A_454 : vector<256x4096xi32>
    %jit3A_456 = arith.constant 3.000000e+38 : f32
    %broadcast_in_dim3A_457 = vector.broadcast %jit3A_456 : f32 to vector<256x4096xf32>
    %select_n3A_458 = arith.select %eq3A_455, %broadcast_in_dim3A_457, %select_n3A_427 : vector<256x4096xi1>, vector<256x4096xf32>
    %reduce_min3A_459 = arith.constant dense<0x7F800000> : vector<256xf32>
    %reduce_min3A_460 = vector.multi_reduction <minimumf>, %select_n3A_458, %reduce_min3A_459 [1] : vector<256x4096xf32> to vector<256xf32>
    %broadcast_in_dim3A_461 = vector.shape_cast %reduce_min3A_460 : vector<256xf32> to vector<256x1xf32>
    %eq3A_462 = vector.broadcast %broadcast_in_dim3A_461 : vector<256x1xf32> to vector<256x4096xf32>
    %eq3A_463 = arith.cmpf oeq, %select_n3A_458, %eq3A_462 : vector<256x4096xf32>
    %jit3A_464 = arith.constant 1.000000e+00 : f32
    %jit3A_465 = arith.constant 0.000000e+00 : f32
    %broadcast_in_dim3A_466 = vector.broadcast %jit3A_464 : f32 to vector<256x4096xf32>
    %broadcast_in_dim3A_467 = vector.broadcast %jit3A_465 : f32 to vector<256x4096xf32>
    %select_n3A_468 = arith.select %eq3A_463, %broadcast_in_dim3A_466, %broadcast_in_dim3A_467 : vector<256x4096xi1>, vector<256x4096xf32>
    %convert_element_type3A_469 = arith.truncf %select_n3A_468 : vector<256x4096xf32> to vector<256x4096xbf16>
    %dot_general3A_470 = arith.constant dense<0.000000e+00> : vector<256x9xf32>
    %dot_general3A_471 = tpu.matmul %convert_element_type3A_469, %concatenate3A, %dot_general3A_470 {dimension_numbers = #tpu.dot_dimension_numbers<[1], [0], [0], [1], [0, 0, 1, 1], [], []>, transpose_lhs_hint = false} : vector<256x4096xbf16>, vector<4096x9xbf16>, vector<256x9xf32> -> vector<256x9xf32>
    %slice3A_472 = vector.extract_strided_slice %dot_general3A_471 {offsets = [0, 6], sizes = [256, 1], strides = [1, 1]} : vector<256x9xf32> to vector<256x1xf32>
    %mul3A_473 = arith.constant 6.400000e+01 : f32
    %mul3A_474 = vector.broadcast %mul3A_473 : f32 to vector<256x1xf32>
    %mul3A_475 = arith.mulf %slice3A_472, %mul3A_474 : vector<256x1xf32>
    %slice3A_476 = vector.extract_strided_slice %dot_general3A_471 {offsets = [0, 7], sizes = [256, 1], strides = [1, 1]} : vector<256x9xf32> to vector<256x1xf32>
    %add3A_477 = arith.addf %mul3A_475, %slice3A_476 : vector<256x1xf32>
    %convert_element_type3A_478 = arith.fptosi %add3A_477 : vector<256x1xf32> to vector<256x1xi32>
    %slice3A_479 = vector.extract_strided_slice %dot_general3A_471 {offsets = [0, 8], sizes = [256, 1], strides = [1, 1]} : vector<256x9xf32> to vector<256x1xf32>
    %max3A_480 = arith.maximumf %max3A_449, %slice3A_479 : vector<256x1xf32>
    %slice3A_481 = vector.extract_strided_slice %dot_general3A_471 {offsets = [0, 0], sizes = [256, 3], strides = [1, 1]} : vector<256x9xf32> to vector<256x3xf32>
    %slice3A_482 = vector.extract_strided_slice %dot_general3A_471 {offsets = [0, 3], sizes = [256, 3], strides = [1, 1]} : vector<256x9xf32> to vector<256x3xf32>
    %add3A_483 = arith.addf %slice3A_481, %slice3A_482 : vector<256x3xf32>
    %sub3A_484 = arith.subf %add3A_483, %get3A_3 : vector<256x3xf32>
    %eq3A_485 = vector.broadcast %convert_element_type3A_478 : vector<256x1xi32> to vector<256x4096xi32>
    %eq3A_486 = arith.cmpi eq, %iota3A, %eq3A_485 : vector<256x4096xi32>
    %jit3A_487 = arith.constant 3.000000e+38 : f32
    %broadcast_in_dim3A_488 = vector.broadcast %jit3A_487 : f32 to vector<256x4096xf32>
    %select_n3A_489 = arith.select %eq3A_486, %broadcast_in_dim3A_488, %select_n3A_458 : vector<256x4096xi1>, vector<256x4096xf32>
    %reduce_min3A_490 = arith.constant dense<0x7F800000> : vector<256xf32>
    %reduce_min3A_491 = vector.multi_reduction <minimumf>, %select_n3A_489, %reduce_min3A_490 [1] : vector<256x4096xf32> to vector<256xf32>
    %broadcast_in_dim3A_492 = vector.shape_cast %reduce_min3A_491 : vector<256xf32> to vector<256x1xf32>
    %eq3A_493 = vector.broadcast %broadcast_in_dim3A_492 : vector<256x1xf32> to vector<256x4096xf32>
    %eq3A_494 = arith.cmpf oeq, %select_n3A_489, %eq3A_493 : vector<256x4096xf32>
    %jit3A_495 = arith.constant 1.000000e+00 : f32
    %jit3A_496 = arith.constant 0.000000e+00 : f32
    %broadcast_in_dim3A_497 = vector.broadcast %jit3A_495 : f32 to vector<256x4096xf32>
    %broadcast_in_dim3A_498 = vector.broadcast %jit3A_496 : f32 to vector<256x4096xf32>
    %select_n3A_499 = arith.select %eq3A_494, %broadcast_in_dim3A_497, %broadcast_in_dim3A_498 : vector<256x4096xi1>, vector<256x4096xf32>
    %convert_element_type3A_500 = arith.truncf %select_n3A_499 : vector<256x4096xf32> to vector<256x4096xbf16>
    %dot_general3A_501 = arith.constant dense<0.000000e+00> : vector<256x9xf32>
    %dot_general3A_502 = tpu.matmul %convert_element_type3A_500, %concatenate3A, %dot_general3A_501 {dimension_numbers = #tpu.dot_dimension_numbers<[1], [0], [0], [1], [0, 0, 1, 1], [], []>, transpose_lhs_hint = false} : vector<256x4096xbf16>, vector<4096x9xbf16>, vector<256x9xf32> -> vector<256x9xf32>
    %slice3A_503 = vector.extract_strided_slice %dot_general3A_502 {offsets = [0, 6], sizes = [256, 1], strides = [1, 1]} : vector<256x9xf32> to vector<256x1xf32>
    %mul3A_504 = arith.constant 6.400000e+01 : f32
    %mul3A_505 = vector.broadcast %mul3A_504 : f32 to vector<256x1xf32>
    %mul3A_506 = arith.mulf %slice3A_503, %mul3A_505 : vector<256x1xf32>
    %slice3A_507 = vector.extract_strided_slice %dot_general3A_502 {offsets = [0, 7], sizes = [256, 1], strides = [1, 1]} : vector<256x9xf32> to vector<256x1xf32>
    %add3A_508 = arith.addf %mul3A_506, %slice3A_507 : vector<256x1xf32>
    %convert_element_type3A_509 = arith.fptosi %add3A_508 : vector<256x1xf32> to vector<256x1xi32>
    %slice3A_510 = vector.extract_strided_slice %dot_general3A_502 {offsets = [0, 8], sizes = [256, 1], strides = [1, 1]} : vector<256x9xf32> to vector<256x1xf32>
    %max3A_511 = arith.maximumf %max3A_480, %slice3A_510 : vector<256x1xf32>
    %slice3A_512 = vector.extract_strided_slice %dot_general3A_502 {offsets = [0, 0], sizes = [256, 3], strides = [1, 1]} : vector<256x9xf32> to vector<256x3xf32>
    %slice3A_513 = vector.extract_strided_slice %dot_general3A_502 {offsets = [0, 3], sizes = [256, 3], strides = [1, 1]} : vector<256x9xf32> to vector<256x3xf32>
    %add3A_514 = arith.addf %slice3A_512, %slice3A_513 : vector<256x3xf32>
    %sub3A_515 = arith.subf %add3A_514, %get3A_3 : vector<256x3xf32>
    %eq3A_516 = vector.broadcast %convert_element_type3A_509 : vector<256x1xi32> to vector<256x4096xi32>
    %eq3A_517 = arith.cmpi eq, %iota3A, %eq3A_516 : vector<256x4096xi32>
    %jit3A_518 = arith.constant 3.000000e+38 : f32
    %broadcast_in_dim3A_519 = vector.broadcast %jit3A_518 : f32 to vector<256x4096xf32>
    %select_n3A_520 = arith.select %eq3A_517, %broadcast_in_dim3A_519, %select_n3A_489 : vector<256x4096xi1>, vector<256x4096xf32>
    %reduce_min3A_521 = arith.constant dense<0x7F800000> : vector<256xf32>
    %reduce_min3A_522 = vector.multi_reduction <minimumf>, %select_n3A_520, %reduce_min3A_521 [1] : vector<256x4096xf32> to vector<256xf32>
    %broadcast_in_dim3A_523 = vector.shape_cast %reduce_min3A_522 : vector<256xf32> to vector<256x1xf32>
    %eq3A_524 = vector.broadcast %broadcast_in_dim3A_523 : vector<256x1xf32> to vector<256x4096xf32>
    %eq3A_525 = arith.cmpf oeq, %select_n3A_520, %eq3A_524 : vector<256x4096xf32>
    %jit3A_526 = arith.constant 1.000000e+00 : f32
    %jit3A_527 = arith.constant 0.000000e+00 : f32
    %broadcast_in_dim3A_528 = vector.broadcast %jit3A_526 : f32 to vector<256x4096xf32>
    %broadcast_in_dim3A_529 = vector.broadcast %jit3A_527 : f32 to vector<256x4096xf32>
    %select_n3A_530 = arith.select %eq3A_525, %broadcast_in_dim3A_528, %broadcast_in_dim3A_529 : vector<256x4096xi1>, vector<256x4096xf32>
    %convert_element_type3A_531 = arith.truncf %select_n3A_530 : vector<256x4096xf32> to vector<256x4096xbf16>
    %dot_general3A_532 = arith.constant dense<0.000000e+00> : vector<256x9xf32>
    %dot_general3A_533 = tpu.matmul %convert_element_type3A_531, %concatenate3A, %dot_general3A_532 {dimension_numbers = #tpu.dot_dimension_numbers<[1], [0], [0], [1], [0, 0, 1, 1], [], []>, transpose_lhs_hint = false} : vector<256x4096xbf16>, vector<4096x9xbf16>, vector<256x9xf32> -> vector<256x9xf32>
    %slice3A_534 = vector.extract_strided_slice %dot_general3A_533 {offsets = [0, 6], sizes = [256, 1], strides = [1, 1]} : vector<256x9xf32> to vector<256x1xf32>
    %mul3A_535 = arith.constant 6.400000e+01 : f32
    %mul3A_536 = vector.broadcast %mul3A_535 : f32 to vector<256x1xf32>
    %mul3A_537 = arith.mulf %slice3A_534, %mul3A_536 : vector<256x1xf32>
    %slice3A_538 = vector.extract_strided_slice %dot_general3A_533 {offsets = [0, 7], sizes = [256, 1], strides = [1, 1]} : vector<256x9xf32> to vector<256x1xf32>
    %add3A_539 = arith.addf %mul3A_537, %slice3A_538 : vector<256x1xf32>
    %convert_element_type3A_540 = arith.fptosi %add3A_539 : vector<256x1xf32> to vector<256x1xi32>
    %slice3A_541 = vector.extract_strided_slice %dot_general3A_533 {offsets = [0, 8], sizes = [256, 1], strides = [1, 1]} : vector<256x9xf32> to vector<256x1xf32>
    %max3A_542 = arith.maximumf %max3A_511, %slice3A_541 : vector<256x1xf32>
    %slice3A_543 = vector.extract_strided_slice %dot_general3A_533 {offsets = [0, 0], sizes = [256, 3], strides = [1, 1]} : vector<256x9xf32> to vector<256x3xf32>
    %slice3A_544 = vector.extract_strided_slice %dot_general3A_533 {offsets = [0, 3], sizes = [256, 3], strides = [1, 1]} : vector<256x9xf32> to vector<256x3xf32>
    %add3A_545 = arith.addf %slice3A_543, %slice3A_544 : vector<256x3xf32>
    %sub3A_546 = arith.subf %add3A_545, %get3A_3 : vector<256x3xf32>
    %eq3A_547 = vector.broadcast %convert_element_type3A_540 : vector<256x1xi32> to vector<256x4096xi32>
    %eq3A_548 = arith.cmpi eq, %iota3A, %eq3A_547 : vector<256x4096xi32>
    %jit3A_549 = arith.constant 3.000000e+38 : f32
    %broadcast_in_dim3A_550 = vector.broadcast %jit3A_549 : f32 to vector<256x4096xf32>
    %select_n3A_551 = arith.select %eq3A_548, %broadcast_in_dim3A_550, %select_n3A_520 : vector<256x4096xi1>, vector<256x4096xf32>
    %reduce_min3A_552 = arith.constant dense<0x7F800000> : vector<256xf32>
    %reduce_min3A_553 = vector.multi_reduction <minimumf>, %select_n3A_551, %reduce_min3A_552 [1] : vector<256x4096xf32> to vector<256xf32>
    %broadcast_in_dim3A_554 = vector.shape_cast %reduce_min3A_553 : vector<256xf32> to vector<256x1xf32>
    %eq3A_555 = vector.broadcast %broadcast_in_dim3A_554 : vector<256x1xf32> to vector<256x4096xf32>
    %eq3A_556 = arith.cmpf oeq, %select_n3A_551, %eq3A_555 : vector<256x4096xf32>
    %jit3A_557 = arith.constant 1.000000e+00 : f32
    %jit3A_558 = arith.constant 0.000000e+00 : f32
    %broadcast_in_dim3A_559 = vector.broadcast %jit3A_557 : f32 to vector<256x4096xf32>
    %broadcast_in_dim3A_560 = vector.broadcast %jit3A_558 : f32 to vector<256x4096xf32>
    %select_n3A_561 = arith.select %eq3A_556, %broadcast_in_dim3A_559, %broadcast_in_dim3A_560 : vector<256x4096xi1>, vector<256x4096xf32>
    %convert_element_type3A_562 = arith.truncf %select_n3A_561 : vector<256x4096xf32> to vector<256x4096xbf16>
    %dot_general3A_563 = arith.constant dense<0.000000e+00> : vector<256x9xf32>
    %dot_general3A_564 = tpu.matmul %convert_element_type3A_562, %concatenate3A, %dot_general3A_563 {dimension_numbers = #tpu.dot_dimension_numbers<[1], [0], [0], [1], [0, 0, 1, 1], [], []>, transpose_lhs_hint = false} : vector<256x4096xbf16>, vector<4096x9xbf16>, vector<256x9xf32> -> vector<256x9xf32>
    %slice3A_565 = vector.extract_strided_slice %dot_general3A_564 {offsets = [0, 6], sizes = [256, 1], strides = [1, 1]} : vector<256x9xf32> to vector<256x1xf32>
    %mul3A_566 = arith.constant 6.400000e+01 : f32
    %mul3A_567 = vector.broadcast %mul3A_566 : f32 to vector<256x1xf32>
    %mul3A_568 = arith.mulf %slice3A_565, %mul3A_567 : vector<256x1xf32>
    %slice3A_569 = vector.extract_strided_slice %dot_general3A_564 {offsets = [0, 7], sizes = [256, 1], strides = [1, 1]} : vector<256x9xf32> to vector<256x1xf32>
    %add3A_570 = arith.addf %mul3A_568, %slice3A_569 : vector<256x1xf32>
    %convert_element_type3A_571 = arith.fptosi %add3A_570 : vector<256x1xf32> to vector<256x1xi32>
    %slice3A_572 = vector.extract_strided_slice %dot_general3A_564 {offsets = [0, 8], sizes = [256, 1], strides = [1, 1]} : vector<256x9xf32> to vector<256x1xf32>
    %max3A_573 = arith.maximumf %max3A_542, %slice3A_572 : vector<256x1xf32>
    %slice3A_574 = vector.extract_strided_slice %dot_general3A_564 {offsets = [0, 0], sizes = [256, 3], strides = [1, 1]} : vector<256x9xf32> to vector<256x3xf32>
    %slice3A_575 = vector.extract_strided_slice %dot_general3A_564 {offsets = [0, 3], sizes = [256, 3], strides = [1, 1]} : vector<256x9xf32> to vector<256x3xf32>
    %add3A_576 = arith.addf %slice3A_574, %slice3A_575 : vector<256x3xf32>
    %sub3A_577 = arith.subf %add3A_576, %get3A_3 : vector<256x3xf32>
    %concatenate3A_578 = tpu.concatenate %convert_element_type3A_107, %convert_element_type3A_137, %convert_element_type3A_168, %convert_element_type3A_199, %convert_element_type3A_230, %convert_element_type3A_261, %convert_element_type3A_292, %convert_element_type3A_323, %convert_element_type3A_354, %convert_element_type3A_385, %convert_element_type3A_416, %convert_element_type3A_447, %convert_element_type3A_478, %convert_element_type3A_509, %convert_element_type3A_540, %convert_element_type3A_571 in 1 : vector<256x1xi32>, vector<256x1xi32>, vector<256x1xi32>, vector<256x1xi32>, vector<256x1xi32>, vector<256x1xi32>, vector<256x1xi32>, vector<256x1xi32>, vector<256x1xi32>, vector<256x1xi32>, vector<256x1xi32>, vector<256x1xi32>, vector<256x1xi32>, vector<256x1xi32>, vector<256x1xi32>, vector<256x1xi32> -> vector<256x16xi32>
    %concatenate3A_579 = tpu.concatenate %sub3A_112, %sub3A_143, %sub3A_174, %sub3A_205, %sub3A_236, %sub3A_267, %sub3A_298, %sub3A_329, %sub3A_360, %sub3A_391, %sub3A_422, %sub3A_453, %sub3A_484, %sub3A_515, %sub3A_546, %sub3A_577 in 1 : vector<256x3xf32>, vector<256x3xf32>, vector<256x3xf32>, vector<256x3xf32>, vector<256x3xf32>, vector<256x3xf32>, vector<256x3xf32>, vector<256x3xf32>, vector<256x3xf32>, vector<256x3xf32>, vector<256x3xf32>, vector<256x3xf32>, vector<256x3xf32>, vector<256x3xf32>, vector<256x3xf32>, vector<256x3xf32> -> vector<256x48xf32>
    %reduce_max3A = vector.shape_cast %max3A_573 : vector<256x1xf32> to vector<1x256x1xf32>
    %reduce_max3A_580 = arith.constant dense<0xFF800000> : vector<1xf32>
    %reduce_max3A_581 = vector.multi_reduction <maximumf>, %reduce_max3A, %reduce_max3A_580 [1, 2] : vector<1x256x1xf32> to vector<1xf32>
    %reduce_max3A_582 = vector.shape_cast %reduce_max3A_581 : vector<1xf32> to vector<1x1x1xf32>
    %reduce_max3A_583 = vector.extract %reduce_max3A_582[0, 0, 0] : f32 from vector<1x1x1xf32>
    %ge3A = arith.constant 1.500000e+00 : f32
    %ge3A_584 = arith.cmpf oge, %reduce_max3A_583, %ge3A : f32
    %convert_element_type3A_585 = arith.extui %ge3A_584 : i1 to i32
    %cond3A = arith.constant 0 : i32
    %cond3A_586 = arith.cmpi ne, %convert_element_type3A_585, %cond3A : i32
    %cond3A_587:2 = scf.if %cond3A_586 -> (vector<256x16xi32>, vector<256x48xf32>) {
      %reduce_min3A_603 = arith.constant dense<0x7F800000> : vector<256xf32>
      %reduce_min3A_604 = vector.multi_reduction <minimumf>, %add3A_35, %reduce_min3A_603 [1] : vector<256x4096xf32> to vector<256xf32>
      %broadcast_in_dim3A_605 = vector.shape_cast %reduce_min3A_604 : vector<256xf32> to vector<256x1xf32>
      %eq3A_606 = vector.broadcast %broadcast_in_dim3A_605 : vector<256x1xf32> to vector<256x4096xf32>
      %eq3A_607 = arith.cmpf oeq, %add3A_35, %eq3A_606 : vector<256x4096xf32>
      %jit3A_608 = arith.constant 4096 : i32
      %broadcast_in_dim3A_609 = vector.broadcast %jit3A_608 : i32 to vector<256x4096xi32>
      %select_n3A_610 = arith.select %eq3A_607, %iota3A, %broadcast_in_dim3A_609 : vector<256x4096xi1>, vector<256x4096xi32>
      %reduce_min3A_611 = arith.constant dense<2147483647> : vector<256xi32>
      %reduce_min3A_612 = vector.multi_reduction <minsi>, %select_n3A_610, %reduce_min3A_611 [1] : vector<256x4096xi32> to vector<256xi32>
      %broadcast_in_dim3A_613 = vector.shape_cast %reduce_min3A_612 : vector<256xi32> to vector<256x1xi32>
      %eq3A_614 = vector.broadcast %broadcast_in_dim3A_613 : vector<256x1xi32> to vector<256x4096xi32>
      %eq3A_615 = arith.cmpi eq, %iota3A, %eq3A_614 : vector<256x4096xi32>
      %jit3A_616 = arith.constant 0.000000e+00 : f32
      %broadcast_in_dim3A_617 = vector.shape_cast %slice3A : vector<1x4096xf32> to vector<1x4096xf32>
      %broadcast_in_dim3A_618 = vector.broadcast %broadcast_in_dim3A_617 : vector<1x4096xf32> to vector<256x4096xf32>
      %broadcast_in_dim3A_619 = vector.broadcast %jit3A_616 : f32 to vector<256x4096xf32>
      %select_n3A_620 = arith.select %eq3A_615, %broadcast_in_dim3A_618, %broadcast_in_dim3A_619 : vector<256x4096xi1>, vector<256x4096xf32>
      %reduce_sum3A = arith.constant dense<0.000000e+00> : vector<256xf32>
      %reduce_sum3A_621 = vector.multi_reduction <add>, %select_n3A_620, %reduce_sum3A [1] : vector<256x4096xf32> to vector<256xf32>
      %broadcast_in_dim3A_622 = vector.shape_cast %reduce_sum3A_621 : vector<256xf32> to vector<256x1xf32>
      %jit3A_623 = arith.constant 0.000000e+00 : f32
      %broadcast_in_dim3A_624 = vector.shape_cast %slice3A_14 : vector<1x4096xf32> to vector<1x4096xf32>
      %broadcast_in_dim3A_625 = vector.broadcast %broadcast_in_dim3A_624 : vector<1x4096xf32> to vector<256x4096xf32>
      %broadcast_in_dim3A_626 = vector.broadcast %jit3A_623 : f32 to vector<256x4096xf32>
      %select_n3A_627 = arith.select %eq3A_615, %broadcast_in_dim3A_625, %broadcast_in_dim3A_626 : vector<256x4096xi1>, vector<256x4096xf32>
      %reduce_sum3A_628 = arith.constant dense<0.000000e+00> : vector<256xf32>
      %reduce_sum3A_629 = vector.multi_reduction <add>, %select_n3A_627, %reduce_sum3A_628 [1] : vector<256x4096xf32> to vector<256xf32>
      %broadcast_in_dim3A_630 = vector.shape_cast %reduce_sum3A_629 : vector<256xf32> to vector<256x1xf32>
      %jit3A_631 = arith.constant 0.000000e+00 : f32
      %broadcast_in_dim3A_632 = vector.shape_cast %slice3A_15 : vector<1x4096xf32> to vector<1x4096xf32>
      %broadcast_in_dim3A_633 = vector.broadcast %broadcast_in_dim3A_632 : vector<1x4096xf32> to vector<256x4096xf32>
      %broadcast_in_dim3A_634 = vector.broadcast %jit3A_631 : f32 to vector<256x4096xf32>
      %select_n3A_635 = arith.select %eq3A_615, %broadcast_in_dim3A_633, %broadcast_in_dim3A_634 : vector<256x4096xi1>, vector<256x4096xf32>
      %reduce_sum3A_636 = arith.constant dense<0.000000e+00> : vector<256xf32>
      %reduce_sum3A_637 = vector.multi_reduction <add>, %select_n3A_635, %reduce_sum3A_636 [1] : vector<256x4096xf32> to vector<256xf32>
      %broadcast_in_dim3A_638 = vector.shape_cast %reduce_sum3A_637 : vector<256xf32> to vector<256x1xf32>
      %concatenate3A_639 = tpu.concatenate %broadcast_in_dim3A_622, %broadcast_in_dim3A_630, %broadcast_in_dim3A_638 in 1 : vector<256x1xf32>, vector<256x1xf32>, vector<256x1xf32> -> vector<256x3xf32>
      %sub3A_640 = arith.subf %concatenate3A_639, %get3A_3 : vector<256x3xf32>
      %jit3A_641 = arith.constant 3.000000e+38 : f32
      %broadcast_in_dim3A_642 = vector.broadcast %jit3A_641 : f32 to vector<256x4096xf32>
      %select_n3A_643 = arith.select %eq3A_615, %broadcast_in_dim3A_642, %add3A_35 : vector<256x4096xi1>, vector<256x4096xf32>
      %reduce_min3A_644 = arith.constant dense<0x7F800000> : vector<256xf32>
      %reduce_min3A_645 = vector.multi_reduction <minimumf>, %select_n3A_643, %reduce_min3A_644 [1] : vector<256x4096xf32> to vector<256xf32>
      %broadcast_in_dim3A_646 = vector.shape_cast %reduce_min3A_645 : vector<256xf32> to vector<256x1xf32>
      %eq3A_647 = vector.broadcast %broadcast_in_dim3A_646 : vector<256x1xf32> to vector<256x4096xf32>
      %eq3A_648 = arith.cmpf oeq, %select_n3A_643, %eq3A_647 : vector<256x4096xf32>
      %jit3A_649 = arith.constant 4096 : i32
      %broadcast_in_dim3A_650 = vector.broadcast %jit3A_649 : i32 to vector<256x4096xi32>
      %select_n3A_651 = arith.select %eq3A_648, %iota3A, %broadcast_in_dim3A_650 : vector<256x4096xi1>, vector<256x4096xi32>
      %reduce_min3A_652 = arith.constant dense<2147483647> : vector<256xi32>
      %reduce_min3A_653 = vector.multi_reduction <minsi>, %select_n3A_651, %reduce_min3A_652 [1] : vector<256x4096xi32> to vector<256xi32>
      %broadcast_in_dim3A_654 = vector.shape_cast %reduce_min3A_653 : vector<256xi32> to vector<256x1xi32>
      %eq3A_655 = vector.broadcast %broadcast_in_dim3A_654 : vector<256x1xi32> to vector<256x4096xi32>
      %eq3A_656 = arith.cmpi eq, %iota3A, %eq3A_655 : vector<256x4096xi32>
      %jit3A_657 = arith.constant 0.000000e+00 : f32
      %broadcast_in_dim3A_658 = vector.shape_cast %slice3A : vector<1x4096xf32> to vector<1x4096xf32>
      %broadcast_in_dim3A_659 = vector.broadcast %broadcast_in_dim3A_658 : vector<1x4096xf32> to vector<256x4096xf32>
      %broadcast_in_dim3A_660 = vector.broadcast %jit3A_657 : f32 to vector<256x4096xf32>
      %select_n3A_661 = arith.select %eq3A_656, %broadcast_in_dim3A_659, %broadcast_in_dim3A_660 : vector<256x4096xi1>, vector<256x4096xf32>
      %reduce_sum3A_662 = arith.constant dense<0.000000e+00> : vector<256xf32>
      %reduce_sum3A_663 = vector.multi_reduction <add>, %select_n3A_661, %reduce_sum3A_662 [1] : vector<256x4096xf32> to vector<256xf32>
      %broadcast_in_dim3A_664 = vector.shape_cast %reduce_sum3A_663 : vector<256xf32> to vector<256x1xf32>
      %jit3A_665 = arith.constant 0.000000e+00 : f32
      %broadcast_in_dim3A_666 = vector.shape_cast %slice3A_14 : vector<1x4096xf32> to vector<1x4096xf32>
      %broadcast_in_dim3A_667 = vector.broadcast %broadcast_in_dim3A_666 : vector<1x4096xf32> to vector<256x4096xf32>
      %broadcast_in_dim3A_668 = vector.broadcast %jit3A_665 : f32 to vector<256x4096xf32>
      %select_n3A_669 = arith.select %eq3A_656, %broadcast_in_dim3A_667, %broadcast_in_dim3A_668 : vector<256x4096xi1>, vector<256x4096xf32>
      %reduce_sum3A_670 = arith.constant dense<0.000000e+00> : vector<256xf32>
      %reduce_sum3A_671 = vector.multi_reduction <add>, %select_n3A_669, %reduce_sum3A_670 [1] : vector<256x4096xf32> to vector<256xf32>
      %broadcast_in_dim3A_672 = vector.shape_cast %reduce_sum3A_671 : vector<256xf32> to vector<256x1xf32>
      %jit3A_673 = arith.constant 0.000000e+00 : f32
      %broadcast_in_dim3A_674 = vector.shape_cast %slice3A_15 : vector<1x4096xf32> to vector<1x4096xf32>
      %broadcast_in_dim3A_675 = vector.broadcast %broadcast_in_dim3A_674 : vector<1x4096xf32> to vector<256x4096xf32>
      %broadcast_in_dim3A_676 = vector.broadcast %jit3A_673 : f32 to vector<256x4096xf32>
      %select_n3A_677 = arith.select %eq3A_656, %broadcast_in_dim3A_675, %broadcast_in_dim3A_676 : vector<256x4096xi1>, vector<256x4096xf32>
      %reduce_sum3A_678 = arith.constant dense<0.000000e+00> : vector<256xf32>
      %reduce_sum3A_679 = vector.multi_reduction <add>, %select_n3A_677, %reduce_sum3A_678 [1] : vector<256x4096xf32> to vector<256xf32>
      %broadcast_in_dim3A_680 = vector.shape_cast %reduce_sum3A_679 : vector<256xf32> to vector<256x1xf32>
      %concatenate3A_681 = tpu.concatenate %broadcast_in_dim3A_664, %broadcast_in_dim3A_672, %broadcast_in_dim3A_680 in 1 : vector<256x1xf32>, vector<256x1xf32>, vector<256x1xf32> -> vector<256x3xf32>
      %sub3A_682 = arith.subf %concatenate3A_681, %get3A_3 : vector<256x3xf32>
      %jit3A_683 = arith.constant 3.000000e+38 : f32
      %broadcast_in_dim3A_684 = vector.broadcast %jit3A_683 : f32 to vector<256x4096xf32>
      %select_n3A_685 = arith.select %eq3A_656, %broadcast_in_dim3A_684, %select_n3A_643 : vector<256x4096xi1>, vector<256x4096xf32>
      %reduce_min3A_686 = arith.constant dense<0x7F800000> : vector<256xf32>
      %reduce_min3A_687 = vector.multi_reduction <minimumf>, %select_n3A_685, %reduce_min3A_686 [1] : vector<256x4096xf32> to vector<256xf32>
      %broadcast_in_dim3A_688 = vector.shape_cast %reduce_min3A_687 : vector<256xf32> to vector<256x1xf32>
      %eq3A_689 = vector.broadcast %broadcast_in_dim3A_688 : vector<256x1xf32> to vector<256x4096xf32>
      %eq3A_690 = arith.cmpf oeq, %select_n3A_685, %eq3A_689 : vector<256x4096xf32>
      %jit3A_691 = arith.constant 4096 : i32
      %broadcast_in_dim3A_692 = vector.broadcast %jit3A_691 : i32 to vector<256x4096xi32>
      %select_n3A_693 = arith.select %eq3A_690, %iota3A, %broadcast_in_dim3A_692 : vector<256x4096xi1>, vector<256x4096xi32>
      %reduce_min3A_694 = arith.constant dense<2147483647> : vector<256xi32>
      %reduce_min3A_695 = vector.multi_reduction <minsi>, %select_n3A_693, %reduce_min3A_694 [1] : vector<256x4096xi32> to vector<256xi32>
      %broadcast_in_dim3A_696 = vector.shape_cast %reduce_min3A_695 : vector<256xi32> to vector<256x1xi32>
      %eq3A_697 = vector.broadcast %broadcast_in_dim3A_696 : vector<256x1xi32> to vector<256x4096xi32>
      %eq3A_698 = arith.cmpi eq, %iota3A, %eq3A_697 : vector<256x4096xi32>
      %jit3A_699 = arith.constant 0.000000e+00 : f32
      %broadcast_in_dim3A_700 = vector.shape_cast %slice3A : vector<1x4096xf32> to vector<1x4096xf32>
      %broadcast_in_dim3A_701 = vector.broadcast %broadcast_in_dim3A_700 : vector<1x4096xf32> to vector<256x4096xf32>
      %broadcast_in_dim3A_702 = vector.broadcast %jit3A_699 : f32 to vector<256x4096xf32>
      %select_n3A_703 = arith.select %eq3A_698, %broadcast_in_dim3A_701, %broadcast_in_dim3A_702 : vector<256x4096xi1>, vector<256x4096xf32>
      %reduce_sum3A_704 = arith.constant dense<0.000000e+00> : vector<256xf32>
      %reduce_sum3A_705 = vector.multi_reduction <add>, %select_n3A_703, %reduce_sum3A_704 [1] : vector<256x4096xf32> to vector<256xf32>
      %broadcast_in_dim3A_706 = vector.shape_cast %reduce_sum3A_705 : vector<256xf32> to vector<256x1xf32>
      %jit3A_707 = arith.constant 0.000000e+00 : f32
      %broadcast_in_dim3A_708 = vector.shape_cast %slice3A_14 : vector<1x4096xf32> to vector<1x4096xf32>
      %broadcast_in_dim3A_709 = vector.broadcast %broadcast_in_dim3A_708 : vector<1x4096xf32> to vector<256x4096xf32>
      %broadcast_in_dim3A_710 = vector.broadcast %jit3A_707 : f32 to vector<256x4096xf32>
      %select_n3A_711 = arith.select %eq3A_698, %broadcast_in_dim3A_709, %broadcast_in_dim3A_710 : vector<256x4096xi1>, vector<256x4096xf32>
      %reduce_sum3A_712 = arith.constant dense<0.000000e+00> : vector<256xf32>
      %reduce_sum3A_713 = vector.multi_reduction <add>, %select_n3A_711, %reduce_sum3A_712 [1] : vector<256x4096xf32> to vector<256xf32>
      %broadcast_in_dim3A_714 = vector.shape_cast %reduce_sum3A_713 : vector<256xf32> to vector<256x1xf32>
      %jit3A_715 = arith.constant 0.000000e+00 : f32
      %broadcast_in_dim3A_716 = vector.shape_cast %slice3A_15 : vector<1x4096xf32> to vector<1x4096xf32>
      %broadcast_in_dim3A_717 = vector.broadcast %broadcast_in_dim3A_716 : vector<1x4096xf32> to vector<256x4096xf32>
      %broadcast_in_dim3A_718 = vector.broadcast %jit3A_715 : f32 to vector<256x4096xf32>
      %select_n3A_719 = arith.select %eq3A_698, %broadcast_in_dim3A_717, %broadcast_in_dim3A_718 : vector<256x4096xi1>, vector<256x4096xf32>
      %reduce_sum3A_720 = arith.constant dense<0.000000e+00> : vector<256xf32>
      %reduce_sum3A_721 = vector.multi_reduction <add>, %select_n3A_719, %reduce_sum3A_720 [1] : vector<256x4096xf32> to vector<256xf32>
      %broadcast_in_dim3A_722 = vector.shape_cast %reduce_sum3A_721 : vector<256xf32> to vector<256x1xf32>
      %concatenate3A_723 = tpu.concatenate %broadcast_in_dim3A_706, %broadcast_in_dim3A_714, %broadcast_in_dim3A_722 in 1 : vector<256x1xf32>, vector<256x1xf32>, vector<256x1xf32> -> vector<256x3xf32>
      %sub3A_724 = arith.subf %concatenate3A_723, %get3A_3 : vector<256x3xf32>
      %jit3A_725 = arith.constant 3.000000e+38 : f32
      %broadcast_in_dim3A_726 = vector.broadcast %jit3A_725 : f32 to vector<256x4096xf32>
      %select_n3A_727 = arith.select %eq3A_698, %broadcast_in_dim3A_726, %select_n3A_685 : vector<256x4096xi1>, vector<256x4096xf32>
      %reduce_min3A_728 = arith.constant dense<0x7F800000> : vector<256xf32>
      %reduce_min3A_729 = vector.multi_reduction <minimumf>, %select_n3A_727, %reduce_min3A_728 [1] : vector<256x4096xf32> to vector<256xf32>
      %broadcast_in_dim3A_730 = vector.shape_cast %reduce_min3A_729 : vector<256xf32> to vector<256x1xf32>
      %eq3A_731 = vector.broadcast %broadcast_in_dim3A_730 : vector<256x1xf32> to vector<256x4096xf32>
      %eq3A_732 = arith.cmpf oeq, %select_n3A_727, %eq3A_731 : vector<256x4096xf32>
      %jit3A_733 = arith.constant 4096 : i32
      %broadcast_in_dim3A_734 = vector.broadcast %jit3A_733 : i32 to vector<256x4096xi32>
      %select_n3A_735 = arith.select %eq3A_732, %iota3A, %broadcast_in_dim3A_734 : vector<256x4096xi1>, vector<256x4096xi32>
      %reduce_min3A_736 = arith.constant dense<2147483647> : vector<256xi32>
      %reduce_min3A_737 = vector.multi_reduction <minsi>, %select_n3A_735, %reduce_min3A_736 [1] : vector<256x4096xi32> to vector<256xi32>
      %broadcast_in_dim3A_738 = vector.shape_cast %reduce_min3A_737 : vector<256xi32> to vector<256x1xi32>
      %eq3A_739 = vector.broadcast %broadcast_in_dim3A_738 : vector<256x1xi32> to vector<256x4096xi32>
      %eq3A_740 = arith.cmpi eq, %iota3A, %eq3A_739 : vector<256x4096xi32>
      %jit3A_741 = arith.constant 0.000000e+00 : f32
      %broadcast_in_dim3A_742 = vector.shape_cast %slice3A : vector<1x4096xf32> to vector<1x4096xf32>
      %broadcast_in_dim3A_743 = vector.broadcast %broadcast_in_dim3A_742 : vector<1x4096xf32> to vector<256x4096xf32>
      %broadcast_in_dim3A_744 = vector.broadcast %jit3A_741 : f32 to vector<256x4096xf32>
      %select_n3A_745 = arith.select %eq3A_740, %broadcast_in_dim3A_743, %broadcast_in_dim3A_744 : vector<256x4096xi1>, vector<256x4096xf32>
      %reduce_sum3A_746 = arith.constant dense<0.000000e+00> : vector<256xf32>
      %reduce_sum3A_747 = vector.multi_reduction <add>, %select_n3A_745, %reduce_sum3A_746 [1] : vector<256x4096xf32> to vector<256xf32>
      %broadcast_in_dim3A_748 = vector.shape_cast %reduce_sum3A_747 : vector<256xf32> to vector<256x1xf32>
      %jit3A_749 = arith.constant 0.000000e+00 : f32
      %broadcast_in_dim3A_750 = vector.shape_cast %slice3A_14 : vector<1x4096xf32> to vector<1x4096xf32>
      %broadcast_in_dim3A_751 = vector.broadcast %broadcast_in_dim3A_750 : vector<1x4096xf32> to vector<256x4096xf32>
      %broadcast_in_dim3A_752 = vector.broadcast %jit3A_749 : f32 to vector<256x4096xf32>
      %select_n3A_753 = arith.select %eq3A_740, %broadcast_in_dim3A_751, %broadcast_in_dim3A_752 : vector<256x4096xi1>, vector<256x4096xf32>
      %reduce_sum3A_754 = arith.constant dense<0.000000e+00> : vector<256xf32>
      %reduce_sum3A_755 = vector.multi_reduction <add>, %select_n3A_753, %reduce_sum3A_754 [1] : vector<256x4096xf32> to vector<256xf32>
      %broadcast_in_dim3A_756 = vector.shape_cast %reduce_sum3A_755 : vector<256xf32> to vector<256x1xf32>
      %jit3A_757 = arith.constant 0.000000e+00 : f32
      %broadcast_in_dim3A_758 = vector.shape_cast %slice3A_15 : vector<1x4096xf32> to vector<1x4096xf32>
      %broadcast_in_dim3A_759 = vector.broadcast %broadcast_in_dim3A_758 : vector<1x4096xf32> to vector<256x4096xf32>
      %broadcast_in_dim3A_760 = vector.broadcast %jit3A_757 : f32 to vector<256x4096xf32>
      %select_n3A_761 = arith.select %eq3A_740, %broadcast_in_dim3A_759, %broadcast_in_dim3A_760 : vector<256x4096xi1>, vector<256x4096xf32>
      %reduce_sum3A_762 = arith.constant dense<0.000000e+00> : vector<256xf32>
      %reduce_sum3A_763 = vector.multi_reduction <add>, %select_n3A_761, %reduce_sum3A_762 [1] : vector<256x4096xf32> to vector<256xf32>
      %broadcast_in_dim3A_764 = vector.shape_cast %reduce_sum3A_763 : vector<256xf32> to vector<256x1xf32>
      %concatenate3A_765 = tpu.concatenate %broadcast_in_dim3A_748, %broadcast_in_dim3A_756, %broadcast_in_dim3A_764 in 1 : vector<256x1xf32>, vector<256x1xf32>, vector<256x1xf32> -> vector<256x3xf32>
      %sub3A_766 = arith.subf %concatenate3A_765, %get3A_3 : vector<256x3xf32>
      %jit3A_767 = arith.constant 3.000000e+38 : f32
      %broadcast_in_dim3A_768 = vector.broadcast %jit3A_767 : f32 to vector<256x4096xf32>
      %select_n3A_769 = arith.select %eq3A_740, %broadcast_in_dim3A_768, %select_n3A_727 : vector<256x4096xi1>, vector<256x4096xf32>
      %reduce_min3A_770 = arith.constant dense<0x7F800000> : vector<256xf32>
      %reduce_min3A_771 = vector.multi_reduction <minimumf>, %select_n3A_769, %reduce_min3A_770 [1] : vector<256x4096xf32> to vector<256xf32>
      %broadcast_in_dim3A_772 = vector.shape_cast %reduce_min3A_771 : vector<256xf32> to vector<256x1xf32>
      %eq3A_773 = vector.broadcast %broadcast_in_dim3A_772 : vector<256x1xf32> to vector<256x4096xf32>
      %eq3A_774 = arith.cmpf oeq, %select_n3A_769, %eq3A_773 : vector<256x4096xf32>
      %jit3A_775 = arith.constant 4096 : i32
      %broadcast_in_dim3A_776 = vector.broadcast %jit3A_775 : i32 to vector<256x4096xi32>
      %select_n3A_777 = arith.select %eq3A_774, %iota3A, %broadcast_in_dim3A_776 : vector<256x4096xi1>, vector<256x4096xi32>
      %reduce_min3A_778 = arith.constant dense<2147483647> : vector<256xi32>
      %reduce_min3A_779 = vector.multi_reduction <minsi>, %select_n3A_777, %reduce_min3A_778 [1] : vector<256x4096xi32> to vector<256xi32>
      %broadcast_in_dim3A_780 = vector.shape_cast %reduce_min3A_779 : vector<256xi32> to vector<256x1xi32>
      %eq3A_781 = vector.broadcast %broadcast_in_dim3A_780 : vector<256x1xi32> to vector<256x4096xi32>
      %eq3A_782 = arith.cmpi eq, %iota3A, %eq3A_781 : vector<256x4096xi32>
      %jit3A_783 = arith.constant 0.000000e+00 : f32
      %broadcast_in_dim3A_784 = vector.shape_cast %slice3A : vector<1x4096xf32> to vector<1x4096xf32>
      %broadcast_in_dim3A_785 = vector.broadcast %broadcast_in_dim3A_784 : vector<1x4096xf32> to vector<256x4096xf32>
      %broadcast_in_dim3A_786 = vector.broadcast %jit3A_783 : f32 to vector<256x4096xf32>
      %select_n3A_787 = arith.select %eq3A_782, %broadcast_in_dim3A_785, %broadcast_in_dim3A_786 : vector<256x4096xi1>, vector<256x4096xf32>
      %reduce_sum3A_788 = arith.constant dense<0.000000e+00> : vector<256xf32>
      %reduce_sum3A_789 = vector.multi_reduction <add>, %select_n3A_787, %reduce_sum3A_788 [1] : vector<256x4096xf32> to vector<256xf32>
      %broadcast_in_dim3A_790 = vector.shape_cast %reduce_sum3A_789 : vector<256xf32> to vector<256x1xf32>
      %jit3A_791 = arith.constant 0.000000e+00 : f32
      %broadcast_in_dim3A_792 = vector.shape_cast %slice3A_14 : vector<1x4096xf32> to vector<1x4096xf32>
      %broadcast_in_dim3A_793 = vector.broadcast %broadcast_in_dim3A_792 : vector<1x4096xf32> to vector<256x4096xf32>
      %broadcast_in_dim3A_794 = vector.broadcast %jit3A_791 : f32 to vector<256x4096xf32>
      %select_n3A_795 = arith.select %eq3A_782, %broadcast_in_dim3A_793, %broadcast_in_dim3A_794 : vector<256x4096xi1>, vector<256x4096xf32>
      %reduce_sum3A_796 = arith.constant dense<0.000000e+00> : vector<256xf32>
      %reduce_sum3A_797 = vector.multi_reduction <add>, %select_n3A_795, %reduce_sum3A_796 [1] : vector<256x4096xf32> to vector<256xf32>
      %broadcast_in_dim3A_798 = vector.shape_cast %reduce_sum3A_797 : vector<256xf32> to vector<256x1xf32>
      %jit3A_799 = arith.constant 0.000000e+00 : f32
      %broadcast_in_dim3A_800 = vector.shape_cast %slice3A_15 : vector<1x4096xf32> to vector<1x4096xf32>
      %broadcast_in_dim3A_801 = vector.broadcast %broadcast_in_dim3A_800 : vector<1x4096xf32> to vector<256x4096xf32>
      %broadcast_in_dim3A_802 = vector.broadcast %jit3A_799 : f32 to vector<256x4096xf32>
      %select_n3A_803 = arith.select %eq3A_782, %broadcast_in_dim3A_801, %broadcast_in_dim3A_802 : vector<256x4096xi1>, vector<256x4096xf32>
      %reduce_sum3A_804 = arith.constant dense<0.000000e+00> : vector<256xf32>
      %reduce_sum3A_805 = vector.multi_reduction <add>, %select_n3A_803, %reduce_sum3A_804 [1] : vector<256x4096xf32> to vector<256xf32>
      %broadcast_in_dim3A_806 = vector.shape_cast %reduce_sum3A_805 : vector<256xf32> to vector<256x1xf32>
      %concatenate3A_807 = tpu.concatenate %broadcast_in_dim3A_790, %broadcast_in_dim3A_798, %broadcast_in_dim3A_806 in 1 : vector<256x1xf32>, vector<256x1xf32>, vector<256x1xf32> -> vector<256x3xf32>
      %sub3A_808 = arith.subf %concatenate3A_807, %get3A_3 : vector<256x3xf32>
      %jit3A_809 = arith.constant 3.000000e+38 : f32
      %broadcast_in_dim3A_810 = vector.broadcast %jit3A_809 : f32 to vector<256x4096xf32>
      %select_n3A_811 = arith.select %eq3A_782, %broadcast_in_dim3A_810, %select_n3A_769 : vector<256x4096xi1>, vector<256x4096xf32>
      %reduce_min3A_812 = arith.constant dense<0x7F800000> : vector<256xf32>
      %reduce_min3A_813 = vector.multi_reduction <minimumf>, %select_n3A_811, %reduce_min3A_812 [1] : vector<256x4096xf32> to vector<256xf32>
      %broadcast_in_dim3A_814 = vector.shape_cast %reduce_min3A_813 : vector<256xf32> to vector<256x1xf32>
      %eq3A_815 = vector.broadcast %broadcast_in_dim3A_814 : vector<256x1xf32> to vector<256x4096xf32>
      %eq3A_816 = arith.cmpf oeq, %select_n3A_811, %eq3A_815 : vector<256x4096xf32>
      %jit3A_817 = arith.constant 4096 : i32
      %broadcast_in_dim3A_818 = vector.broadcast %jit3A_817 : i32 to vector<256x4096xi32>
      %select_n3A_819 = arith.select %eq3A_816, %iota3A, %broadcast_in_dim3A_818 : vector<256x4096xi1>, vector<256x4096xi32>
      %reduce_min3A_820 = arith.constant dense<2147483647> : vector<256xi32>
      %reduce_min3A_821 = vector.multi_reduction <minsi>, %select_n3A_819, %reduce_min3A_820 [1] : vector<256x4096xi32> to vector<256xi32>
      %broadcast_in_dim3A_822 = vector.shape_cast %reduce_min3A_821 : vector<256xi32> to vector<256x1xi32>
      %eq3A_823 = vector.broadcast %broadcast_in_dim3A_822 : vector<256x1xi32> to vector<256x4096xi32>
      %eq3A_824 = arith.cmpi eq, %iota3A, %eq3A_823 : vector<256x4096xi32>
      %jit3A_825 = arith.constant 0.000000e+00 : f32
      %broadcast_in_dim3A_826 = vector.shape_cast %slice3A : vector<1x4096xf32> to vector<1x4096xf32>
      %broadcast_in_dim3A_827 = vector.broadcast %broadcast_in_dim3A_826 : vector<1x4096xf32> to vector<256x4096xf32>
      %broadcast_in_dim3A_828 = vector.broadcast %jit3A_825 : f32 to vector<256x4096xf32>
      %select_n3A_829 = arith.select %eq3A_824, %broadcast_in_dim3A_827, %broadcast_in_dim3A_828 : vector<256x4096xi1>, vector<256x4096xf32>
      %reduce_sum3A_830 = arith.constant dense<0.000000e+00> : vector<256xf32>
      %reduce_sum3A_831 = vector.multi_reduction <add>, %select_n3A_829, %reduce_sum3A_830 [1] : vector<256x4096xf32> to vector<256xf32>
      %broadcast_in_dim3A_832 = vector.shape_cast %reduce_sum3A_831 : vector<256xf32> to vector<256x1xf32>
      %jit3A_833 = arith.constant 0.000000e+00 : f32
      %broadcast_in_dim3A_834 = vector.shape_cast %slice3A_14 : vector<1x4096xf32> to vector<1x4096xf32>
      %broadcast_in_dim3A_835 = vector.broadcast %broadcast_in_dim3A_834 : vector<1x4096xf32> to vector<256x4096xf32>
      %broadcast_in_dim3A_836 = vector.broadcast %jit3A_833 : f32 to vector<256x4096xf32>
      %select_n3A_837 = arith.select %eq3A_824, %broadcast_in_dim3A_835, %broadcast_in_dim3A_836 : vector<256x4096xi1>, vector<256x4096xf32>
      %reduce_sum3A_838 = arith.constant dense<0.000000e+00> : vector<256xf32>
      %reduce_sum3A_839 = vector.multi_reduction <add>, %select_n3A_837, %reduce_sum3A_838 [1] : vector<256x4096xf32> to vector<256xf32>
      %broadcast_in_dim3A_840 = vector.shape_cast %reduce_sum3A_839 : vector<256xf32> to vector<256x1xf32>
      %jit3A_841 = arith.constant 0.000000e+00 : f32
      %broadcast_in_dim3A_842 = vector.shape_cast %slice3A_15 : vector<1x4096xf32> to vector<1x4096xf32>
      %broadcast_in_dim3A_843 = vector.broadcast %broadcast_in_dim3A_842 : vector<1x4096xf32> to vector<256x4096xf32>
      %broadcast_in_dim3A_844 = vector.broadcast %jit3A_841 : f32 to vector<256x4096xf32>
      %select_n3A_845 = arith.select %eq3A_824, %broadcast_in_dim3A_843, %broadcast_in_dim3A_844 : vector<256x4096xi1>, vector<256x4096xf32>
      %reduce_sum3A_846 = arith.constant dense<0.000000e+00> : vector<256xf32>
      %reduce_sum3A_847 = vector.multi_reduction <add>, %select_n3A_845, %reduce_sum3A_846 [1] : vector<256x4096xf32> to vector<256xf32>
      %broadcast_in_dim3A_848 = vector.shape_cast %reduce_sum3A_847 : vector<256xf32> to vector<256x1xf32>
      %concatenate3A_849 = tpu.concatenate %broadcast_in_dim3A_832, %broadcast_in_dim3A_840, %broadcast_in_dim3A_848 in 1 : vector<256x1xf32>, vector<256x1xf32>, vector<256x1xf32> -> vector<256x3xf32>
      %sub3A_850 = arith.subf %concatenate3A_849, %get3A_3 : vector<256x3xf32>
      %jit3A_851 = arith.constant 3.000000e+38 : f32
      %broadcast_in_dim3A_852 = vector.broadcast %jit3A_851 : f32 to vector<256x4096xf32>
      %select_n3A_853 = arith.select %eq3A_824, %broadcast_in_dim3A_852, %select_n3A_811 : vector<256x4096xi1>, vector<256x4096xf32>
      %reduce_min3A_854 = arith.constant dense<0x7F800000> : vector<256xf32>
      %reduce_min3A_855 = vector.multi_reduction <minimumf>, %select_n3A_853, %reduce_min3A_854 [1] : vector<256x4096xf32> to vector<256xf32>
      %broadcast_in_dim3A_856 = vector.shape_cast %reduce_min3A_855 : vector<256xf32> to vector<256x1xf32>
      %eq3A_857 = vector.broadcast %broadcast_in_dim3A_856 : vector<256x1xf32> to vector<256x4096xf32>
      %eq3A_858 = arith.cmpf oeq, %select_n3A_853, %eq3A_857 : vector<256x4096xf32>
      %jit3A_859 = arith.constant 4096 : i32
      %broadcast_in_dim3A_860 = vector.broadcast %jit3A_859 : i32 to vector<256x4096xi32>
      %select_n3A_861 = arith.select %eq3A_858, %iota3A, %broadcast_in_dim3A_860 : vector<256x4096xi1>, vector<256x4096xi32>
      %reduce_min3A_862 = arith.constant dense<2147483647> : vector<256xi32>
      %reduce_min3A_863 = vector.multi_reduction <minsi>, %select_n3A_861, %reduce_min3A_862 [1] : vector<256x4096xi32> to vector<256xi32>
      %broadcast_in_dim3A_864 = vector.shape_cast %reduce_min3A_863 : vector<256xi32> to vector<256x1xi32>
      %eq3A_865 = vector.broadcast %broadcast_in_dim3A_864 : vector<256x1xi32> to vector<256x4096xi32>
      %eq3A_866 = arith.cmpi eq, %iota3A, %eq3A_865 : vector<256x4096xi32>
      %jit3A_867 = arith.constant 0.000000e+00 : f32
      %broadcast_in_dim3A_868 = vector.shape_cast %slice3A : vector<1x4096xf32> to vector<1x4096xf32>
      %broadcast_in_dim3A_869 = vector.broadcast %broadcast_in_dim3A_868 : vector<1x4096xf32> to vector<256x4096xf32>
      %broadcast_in_dim3A_870 = vector.broadcast %jit3A_867 : f32 to vector<256x4096xf32>
      %select_n3A_871 = arith.select %eq3A_866, %broadcast_in_dim3A_869, %broadcast_in_dim3A_870 : vector<256x4096xi1>, vector<256x4096xf32>
      %reduce_sum3A_872 = arith.constant dense<0.000000e+00> : vector<256xf32>
      %reduce_sum3A_873 = vector.multi_reduction <add>, %select_n3A_871, %reduce_sum3A_872 [1] : vector<256x4096xf32> to vector<256xf32>
      %broadcast_in_dim3A_874 = vector.shape_cast %reduce_sum3A_873 : vector<256xf32> to vector<256x1xf32>
      %jit3A_875 = arith.constant 0.000000e+00 : f32
      %broadcast_in_dim3A_876 = vector.shape_cast %slice3A_14 : vector<1x4096xf32> to vector<1x4096xf32>
      %broadcast_in_dim3A_877 = vector.broadcast %broadcast_in_dim3A_876 : vector<1x4096xf32> to vector<256x4096xf32>
      %broadcast_in_dim3A_878 = vector.broadcast %jit3A_875 : f32 to vector<256x4096xf32>
      %select_n3A_879 = arith.select %eq3A_866, %broadcast_in_dim3A_877, %broadcast_in_dim3A_878 : vector<256x4096xi1>, vector<256x4096xf32>
      %reduce_sum3A_880 = arith.constant dense<0.000000e+00> : vector<256xf32>
      %reduce_sum3A_881 = vector.multi_reduction <add>, %select_n3A_879, %reduce_sum3A_880 [1] : vector<256x4096xf32> to vector<256xf32>
      %broadcast_in_dim3A_882 = vector.shape_cast %reduce_sum3A_881 : vector<256xf32> to vector<256x1xf32>
      %jit3A_883 = arith.constant 0.000000e+00 : f32
      %broadcast_in_dim3A_884 = vector.shape_cast %slice3A_15 : vector<1x4096xf32> to vector<1x4096xf32>
      %broadcast_in_dim3A_885 = vector.broadcast %broadcast_in_dim3A_884 : vector<1x4096xf32> to vector<256x4096xf32>
      %broadcast_in_dim3A_886 = vector.broadcast %jit3A_883 : f32 to vector<256x4096xf32>
      %select_n3A_887 = arith.select %eq3A_866, %broadcast_in_dim3A_885, %broadcast_in_dim3A_886 : vector<256x4096xi1>, vector<256x4096xf32>
      %reduce_sum3A_888 = arith.constant dense<0.000000e+00> : vector<256xf32>
      %reduce_sum3A_889 = vector.multi_reduction <add>, %select_n3A_887, %reduce_sum3A_888 [1] : vector<256x4096xf32> to vector<256xf32>
      %broadcast_in_dim3A_890 = vector.shape_cast %reduce_sum3A_889 : vector<256xf32> to vector<256x1xf32>
      %concatenate3A_891 = tpu.concatenate %broadcast_in_dim3A_874, %broadcast_in_dim3A_882, %broadcast_in_dim3A_890 in 1 : vector<256x1xf32>, vector<256x1xf32>, vector<256x1xf32> -> vector<256x3xf32>
      %sub3A_892 = arith.subf %concatenate3A_891, %get3A_3 : vector<256x3xf32>
      %jit3A_893 = arith.constant 3.000000e+38 : f32
      %broadcast_in_dim3A_894 = vector.broadcast %jit3A_893 : f32 to vector<256x4096xf32>
      %select_n3A_895 = arith.select %eq3A_866, %broadcast_in_dim3A_894, %select_n3A_853 : vector<256x4096xi1>, vector<256x4096xf32>
      %reduce_min3A_896 = arith.constant dense<0x7F800000> : vector<256xf32>
      %reduce_min3A_897 = vector.multi_reduction <minimumf>, %select_n3A_895, %reduce_min3A_896 [1] : vector<256x4096xf32> to vector<256xf32>
      %broadcast_in_dim3A_898 = vector.shape_cast %reduce_min3A_897 : vector<256xf32> to vector<256x1xf32>
      %eq3A_899 = vector.broadcast %broadcast_in_dim3A_898 : vector<256x1xf32> to vector<256x4096xf32>
      %eq3A_900 = arith.cmpf oeq, %select_n3A_895, %eq3A_899 : vector<256x4096xf32>
      %jit3A_901 = arith.constant 4096 : i32
      %broadcast_in_dim3A_902 = vector.broadcast %jit3A_901 : i32 to vector<256x4096xi32>
      %select_n3A_903 = arith.select %eq3A_900, %iota3A, %broadcast_in_dim3A_902 : vector<256x4096xi1>, vector<256x4096xi32>
      %reduce_min3A_904 = arith.constant dense<2147483647> : vector<256xi32>
      %reduce_min3A_905 = vector.multi_reduction <minsi>, %select_n3A_903, %reduce_min3A_904 [1] : vector<256x4096xi32> to vector<256xi32>
      %broadcast_in_dim3A_906 = vector.shape_cast %reduce_min3A_905 : vector<256xi32> to vector<256x1xi32>
      %eq3A_907 = vector.broadcast %broadcast_in_dim3A_906 : vector<256x1xi32> to vector<256x4096xi32>
      %eq3A_908 = arith.cmpi eq, %iota3A, %eq3A_907 : vector<256x4096xi32>
      %jit3A_909 = arith.constant 0.000000e+00 : f32
      %broadcast_in_dim3A_910 = vector.shape_cast %slice3A : vector<1x4096xf32> to vector<1x4096xf32>
      %broadcast_in_dim3A_911 = vector.broadcast %broadcast_in_dim3A_910 : vector<1x4096xf32> to vector<256x4096xf32>
      %broadcast_in_dim3A_912 = vector.broadcast %jit3A_909 : f32 to vector<256x4096xf32>
      %select_n3A_913 = arith.select %eq3A_908, %broadcast_in_dim3A_911, %broadcast_in_dim3A_912 : vector<256x4096xi1>, vector<256x4096xf32>
      %reduce_sum3A_914 = arith.constant dense<0.000000e+00> : vector<256xf32>
      %reduce_sum3A_915 = vector.multi_reduction <add>, %select_n3A_913, %reduce_sum3A_914 [1] : vector<256x4096xf32> to vector<256xf32>
      %broadcast_in_dim3A_916 = vector.shape_cast %reduce_sum3A_915 : vector<256xf32> to vector<256x1xf32>
      %jit3A_917 = arith.constant 0.000000e+00 : f32
      %broadcast_in_dim3A_918 = vector.shape_cast %slice3A_14 : vector<1x4096xf32> to vector<1x4096xf32>
      %broadcast_in_dim3A_919 = vector.broadcast %broadcast_in_dim3A_918 : vector<1x4096xf32> to vector<256x4096xf32>
      %broadcast_in_dim3A_920 = vector.broadcast %jit3A_917 : f32 to vector<256x4096xf32>
      %select_n3A_921 = arith.select %eq3A_908, %broadcast_in_dim3A_919, %broadcast_in_dim3A_920 : vector<256x4096xi1>, vector<256x4096xf32>
      %reduce_sum3A_922 = arith.constant dense<0.000000e+00> : vector<256xf32>
      %reduce_sum3A_923 = vector.multi_reduction <add>, %select_n3A_921, %reduce_sum3A_922 [1] : vector<256x4096xf32> to vector<256xf32>
      %broadcast_in_dim3A_924 = vector.shape_cast %reduce_sum3A_923 : vector<256xf32> to vector<256x1xf32>
      %jit3A_925 = arith.constant 0.000000e+00 : f32
      %broadcast_in_dim3A_926 = vector.shape_cast %slice3A_15 : vector<1x4096xf32> to vector<1x4096xf32>
      %broadcast_in_dim3A_927 = vector.broadcast %broadcast_in_dim3A_926 : vector<1x4096xf32> to vector<256x4096xf32>
      %broadcast_in_dim3A_928 = vector.broadcast %jit3A_925 : f32 to vector<256x4096xf32>
      %select_n3A_929 = arith.select %eq3A_908, %broadcast_in_dim3A_927, %broadcast_in_dim3A_928 : vector<256x4096xi1>, vector<256x4096xf32>
      %reduce_sum3A_930 = arith.constant dense<0.000000e+00> : vector<256xf32>
      %reduce_sum3A_931 = vector.multi_reduction <add>, %select_n3A_929, %reduce_sum3A_930 [1] : vector<256x4096xf32> to vector<256xf32>
      %broadcast_in_dim3A_932 = vector.shape_cast %reduce_sum3A_931 : vector<256xf32> to vector<256x1xf32>
      %concatenate3A_933 = tpu.concatenate %broadcast_in_dim3A_916, %broadcast_in_dim3A_924, %broadcast_in_dim3A_932 in 1 : vector<256x1xf32>, vector<256x1xf32>, vector<256x1xf32> -> vector<256x3xf32>
      %sub3A_934 = arith.subf %concatenate3A_933, %get3A_3 : vector<256x3xf32>
      %jit3A_935 = arith.constant 3.000000e+38 : f32
      %broadcast_in_dim3A_936 = vector.broadcast %jit3A_935 : f32 to vector<256x4096xf32>
      %select_n3A_937 = arith.select %eq3A_908, %broadcast_in_dim3A_936, %select_n3A_895 : vector<256x4096xi1>, vector<256x4096xf32>
      %reduce_min3A_938 = arith.constant dense<0x7F800000> : vector<256xf32>
      %reduce_min3A_939 = vector.multi_reduction <minimumf>, %select_n3A_937, %reduce_min3A_938 [1] : vector<256x4096xf32> to vector<256xf32>
      %broadcast_in_dim3A_940 = vector.shape_cast %reduce_min3A_939 : vector<256xf32> to vector<256x1xf32>
      %eq3A_941 = vector.broadcast %broadcast_in_dim3A_940 : vector<256x1xf32> to vector<256x4096xf32>
      %eq3A_942 = arith.cmpf oeq, %select_n3A_937, %eq3A_941 : vector<256x4096xf32>
      %jit3A_943 = arith.constant 4096 : i32
      %broadcast_in_dim3A_944 = vector.broadcast %jit3A_943 : i32 to vector<256x4096xi32>
      %select_n3A_945 = arith.select %eq3A_942, %iota3A, %broadcast_in_dim3A_944 : vector<256x4096xi1>, vector<256x4096xi32>
      %reduce_min3A_946 = arith.constant dense<2147483647> : vector<256xi32>
      %reduce_min3A_947 = vector.multi_reduction <minsi>, %select_n3A_945, %reduce_min3A_946 [1] : vector<256x4096xi32> to vector<256xi32>
      %broadcast_in_dim3A_948 = vector.shape_cast %reduce_min3A_947 : vector<256xi32> to vector<256x1xi32>
      %eq3A_949 = vector.broadcast %broadcast_in_dim3A_948 : vector<256x1xi32> to vector<256x4096xi32>
      %eq3A_950 = arith.cmpi eq, %iota3A, %eq3A_949 : vector<256x4096xi32>
      %jit3A_951 = arith.constant 0.000000e+00 : f32
      %broadcast_in_dim3A_952 = vector.shape_cast %slice3A : vector<1x4096xf32> to vector<1x4096xf32>
      %broadcast_in_dim3A_953 = vector.broadcast %broadcast_in_dim3A_952 : vector<1x4096xf32> to vector<256x4096xf32>
      %broadcast_in_dim3A_954 = vector.broadcast %jit3A_951 : f32 to vector<256x4096xf32>
      %select_n3A_955 = arith.select %eq3A_950, %broadcast_in_dim3A_953, %broadcast_in_dim3A_954 : vector<256x4096xi1>, vector<256x4096xf32>
      %reduce_sum3A_956 = arith.constant dense<0.000000e+00> : vector<256xf32>
      %reduce_sum3A_957 = vector.multi_reduction <add>, %select_n3A_955, %reduce_sum3A_956 [1] : vector<256x4096xf32> to vector<256xf32>
      %broadcast_in_dim3A_958 = vector.shape_cast %reduce_sum3A_957 : vector<256xf32> to vector<256x1xf32>
      %jit3A_959 = arith.constant 0.000000e+00 : f32
      %broadcast_in_dim3A_960 = vector.shape_cast %slice3A_14 : vector<1x4096xf32> to vector<1x4096xf32>
      %broadcast_in_dim3A_961 = vector.broadcast %broadcast_in_dim3A_960 : vector<1x4096xf32> to vector<256x4096xf32>
      %broadcast_in_dim3A_962 = vector.broadcast %jit3A_959 : f32 to vector<256x4096xf32>
      %select_n3A_963 = arith.select %eq3A_950, %broadcast_in_dim3A_961, %broadcast_in_dim3A_962 : vector<256x4096xi1>, vector<256x4096xf32>
      %reduce_sum3A_964 = arith.constant dense<0.000000e+00> : vector<256xf32>
      %reduce_sum3A_965 = vector.multi_reduction <add>, %select_n3A_963, %reduce_sum3A_964 [1] : vector<256x4096xf32> to vector<256xf32>
      %broadcast_in_dim3A_966 = vector.shape_cast %reduce_sum3A_965 : vector<256xf32> to vector<256x1xf32>
      %jit3A_967 = arith.constant 0.000000e+00 : f32
      %broadcast_in_dim3A_968 = vector.shape_cast %slice3A_15 : vector<1x4096xf32> to vector<1x4096xf32>
      %broadcast_in_dim3A_969 = vector.broadcast %broadcast_in_dim3A_968 : vector<1x4096xf32> to vector<256x4096xf32>
      %broadcast_in_dim3A_970 = vector.broadcast %jit3A_967 : f32 to vector<256x4096xf32>
      %select_n3A_971 = arith.select %eq3A_950, %broadcast_in_dim3A_969, %broadcast_in_dim3A_970 : vector<256x4096xi1>, vector<256x4096xf32>
      %reduce_sum3A_972 = arith.constant dense<0.000000e+00> : vector<256xf32>
      %reduce_sum3A_973 = vector.multi_reduction <add>, %select_n3A_971, %reduce_sum3A_972 [1] : vector<256x4096xf32> to vector<256xf32>
      %broadcast_in_dim3A_974 = vector.shape_cast %reduce_sum3A_973 : vector<256xf32> to vector<256x1xf32>
      %concatenate3A_975 = tpu.concatenate %broadcast_in_dim3A_958, %broadcast_in_dim3A_966, %broadcast_in_dim3A_974 in 1 : vector<256x1xf32>, vector<256x1xf32>, vector<256x1xf32> -> vector<256x3xf32>
      %sub3A_976 = arith.subf %concatenate3A_975, %get3A_3 : vector<256x3xf32>
      %jit3A_977 = arith.constant 3.000000e+38 : f32
      %broadcast_in_dim3A_978 = vector.broadcast %jit3A_977 : f32 to vector<256x4096xf32>
      %select_n3A_979 = arith.select %eq3A_950, %broadcast_in_dim3A_978, %select_n3A_937 : vector<256x4096xi1>, vector<256x4096xf32>
      %reduce_min3A_980 = arith.constant dense<0x7F800000> : vector<256xf32>
      %reduce_min3A_981 = vector.multi_reduction <minimumf>, %select_n3A_979, %reduce_min3A_980 [1] : vector<256x4096xf32> to vector<256xf32>
      %broadcast_in_dim3A_982 = vector.shape_cast %reduce_min3A_981 : vector<256xf32> to vector<256x1xf32>
      %eq3A_983 = vector.broadcast %broadcast_in_dim3A_982 : vector<256x1xf32> to vector<256x4096xf32>
      %eq3A_984 = arith.cmpf oeq, %select_n3A_979, %eq3A_983 : vector<256x4096xf32>
      %jit3A_985 = arith.constant 4096 : i32
      %broadcast_in_dim3A_986 = vector.broadcast %jit3A_985 : i32 to vector<256x4096xi32>
      %select_n3A_987 = arith.select %eq3A_984, %iota3A, %broadcast_in_dim3A_986 : vector<256x4096xi1>, vector<256x4096xi32>
      %reduce_min3A_988 = arith.constant dense<2147483647> : vector<256xi32>
      %reduce_min3A_989 = vector.multi_reduction <minsi>, %select_n3A_987, %reduce_min3A_988 [1] : vector<256x4096xi32> to vector<256xi32>
      %broadcast_in_dim3A_990 = vector.shape_cast %reduce_min3A_989 : vector<256xi32> to vector<256x1xi32>
      %eq3A_991 = vector.broadcast %broadcast_in_dim3A_990 : vector<256x1xi32> to vector<256x4096xi32>
      %eq3A_992 = arith.cmpi eq, %iota3A, %eq3A_991 : vector<256x4096xi32>
      %jit3A_993 = arith.constant 0.000000e+00 : f32
      %broadcast_in_dim3A_994 = vector.shape_cast %slice3A : vector<1x4096xf32> to vector<1x4096xf32>
      %broadcast_in_dim3A_995 = vector.broadcast %broadcast_in_dim3A_994 : vector<1x4096xf32> to vector<256x4096xf32>
      %broadcast_in_dim3A_996 = vector.broadcast %jit3A_993 : f32 to vector<256x4096xf32>
      %select_n3A_997 = arith.select %eq3A_992, %broadcast_in_dim3A_995, %broadcast_in_dim3A_996 : vector<256x4096xi1>, vector<256x4096xf32>
      %reduce_sum3A_998 = arith.constant dense<0.000000e+00> : vector<256xf32>
      %reduce_sum3A_999 = vector.multi_reduction <add>, %select_n3A_997, %reduce_sum3A_998 [1] : vector<256x4096xf32> to vector<256xf32>
      %broadcast_in_dim3A_1000 = vector.shape_cast %reduce_sum3A_999 : vector<256xf32> to vector<256x1xf32>
      %jit3A_1001 = arith.constant 0.000000e+00 : f32
      %broadcast_in_dim3A_1002 = vector.shape_cast %slice3A_14 : vector<1x4096xf32> to vector<1x4096xf32>
      %broadcast_in_dim3A_1003 = vector.broadcast %broadcast_in_dim3A_1002 : vector<1x4096xf32> to vector<256x4096xf32>
      %broadcast_in_dim3A_1004 = vector.broadcast %jit3A_1001 : f32 to vector<256x4096xf32>
      %select_n3A_1005 = arith.select %eq3A_992, %broadcast_in_dim3A_1003, %broadcast_in_dim3A_1004 : vector<256x4096xi1>, vector<256x4096xf32>
      %reduce_sum3A_1006 = arith.constant dense<0.000000e+00> : vector<256xf32>
      %reduce_sum3A_1007 = vector.multi_reduction <add>, %select_n3A_1005, %reduce_sum3A_1006 [1] : vector<256x4096xf32> to vector<256xf32>
      %broadcast_in_dim3A_1008 = vector.shape_cast %reduce_sum3A_1007 : vector<256xf32> to vector<256x1xf32>
      %jit3A_1009 = arith.constant 0.000000e+00 : f32
      %broadcast_in_dim3A_1010 = vector.shape_cast %slice3A_15 : vector<1x4096xf32> to vector<1x4096xf32>
      %broadcast_in_dim3A_1011 = vector.broadcast %broadcast_in_dim3A_1010 : vector<1x4096xf32> to vector<256x4096xf32>
      %broadcast_in_dim3A_1012 = vector.broadcast %jit3A_1009 : f32 to vector<256x4096xf32>
      %select_n3A_1013 = arith.select %eq3A_992, %broadcast_in_dim3A_1011, %broadcast_in_dim3A_1012 : vector<256x4096xi1>, vector<256x4096xf32>
      %reduce_sum3A_1014 = arith.constant dense<0.000000e+00> : vector<256xf32>
      %reduce_sum3A_1015 = vector.multi_reduction <add>, %select_n3A_1013, %reduce_sum3A_1014 [1] : vector<256x4096xf32> to vector<256xf32>
      %broadcast_in_dim3A_1016 = vector.shape_cast %reduce_sum3A_1015 : vector<256xf32> to vector<256x1xf32>
      %concatenate3A_1017 = tpu.concatenate %broadcast_in_dim3A_1000, %broadcast_in_dim3A_1008, %broadcast_in_dim3A_1016 in 1 : vector<256x1xf32>, vector<256x1xf32>, vector<256x1xf32> -> vector<256x3xf32>
      %sub3A_1018 = arith.subf %concatenate3A_1017, %get3A_3 : vector<256x3xf32>
      %jit3A_1019 = arith.constant 3.000000e+38 : f32
      %broadcast_in_dim3A_1020 = vector.broadcast %jit3A_1019 : f32 to vector<256x4096xf32>
      %select_n3A_1021 = arith.select %eq3A_992, %broadcast_in_dim3A_1020, %select_n3A_979 : vector<256x4096xi1>, vector<256x4096xf32>
      %reduce_min3A_1022 = arith.constant dense<0x7F800000> : vector<256xf32>
      %reduce_min3A_1023 = vector.multi_reduction <minimumf>, %select_n3A_1021, %reduce_min3A_1022 [1] : vector<256x4096xf32> to vector<256xf32>
      %broadcast_in_dim3A_1024 = vector.shape_cast %reduce_min3A_1023 : vector<256xf32> to vector<256x1xf32>
      %eq3A_1025 = vector.broadcast %broadcast_in_dim3A_1024 : vector<256x1xf32> to vector<256x4096xf32>
      %eq3A_1026 = arith.cmpf oeq, %select_n3A_1021, %eq3A_1025 : vector<256x4096xf32>
      %jit3A_1027 = arith.constant 4096 : i32
      %broadcast_in_dim3A_1028 = vector.broadcast %jit3A_1027 : i32 to vector<256x4096xi32>
      %select_n3A_1029 = arith.select %eq3A_1026, %iota3A, %broadcast_in_dim3A_1028 : vector<256x4096xi1>, vector<256x4096xi32>
      %reduce_min3A_1030 = arith.constant dense<2147483647> : vector<256xi32>
      %reduce_min3A_1031 = vector.multi_reduction <minsi>, %select_n3A_1029, %reduce_min3A_1030 [1] : vector<256x4096xi32> to vector<256xi32>
      %broadcast_in_dim3A_1032 = vector.shape_cast %reduce_min3A_1031 : vector<256xi32> to vector<256x1xi32>
      %eq3A_1033 = vector.broadcast %broadcast_in_dim3A_1032 : vector<256x1xi32> to vector<256x4096xi32>
      %eq3A_1034 = arith.cmpi eq, %iota3A, %eq3A_1033 : vector<256x4096xi32>
      %jit3A_1035 = arith.constant 0.000000e+00 : f32
      %broadcast_in_dim3A_1036 = vector.shape_cast %slice3A : vector<1x4096xf32> to vector<1x4096xf32>
      %broadcast_in_dim3A_1037 = vector.broadcast %broadcast_in_dim3A_1036 : vector<1x4096xf32> to vector<256x4096xf32>
      %broadcast_in_dim3A_1038 = vector.broadcast %jit3A_1035 : f32 to vector<256x4096xf32>
      %select_n3A_1039 = arith.select %eq3A_1034, %broadcast_in_dim3A_1037, %broadcast_in_dim3A_1038 : vector<256x4096xi1>, vector<256x4096xf32>
      %reduce_sum3A_1040 = arith.constant dense<0.000000e+00> : vector<256xf32>
      %reduce_sum3A_1041 = vector.multi_reduction <add>, %select_n3A_1039, %reduce_sum3A_1040 [1] : vector<256x4096xf32> to vector<256xf32>
      %broadcast_in_dim3A_1042 = vector.shape_cast %reduce_sum3A_1041 : vector<256xf32> to vector<256x1xf32>
      %jit3A_1043 = arith.constant 0.000000e+00 : f32
      %broadcast_in_dim3A_1044 = vector.shape_cast %slice3A_14 : vector<1x4096xf32> to vector<1x4096xf32>
      %broadcast_in_dim3A_1045 = vector.broadcast %broadcast_in_dim3A_1044 : vector<1x4096xf32> to vector<256x4096xf32>
      %broadcast_in_dim3A_1046 = vector.broadcast %jit3A_1043 : f32 to vector<256x4096xf32>
      %select_n3A_1047 = arith.select %eq3A_1034, %broadcast_in_dim3A_1045, %broadcast_in_dim3A_1046 : vector<256x4096xi1>, vector<256x4096xf32>
      %reduce_sum3A_1048 = arith.constant dense<0.000000e+00> : vector<256xf32>
      %reduce_sum3A_1049 = vector.multi_reduction <add>, %select_n3A_1047, %reduce_sum3A_1048 [1] : vector<256x4096xf32> to vector<256xf32>
      %broadcast_in_dim3A_1050 = vector.shape_cast %reduce_sum3A_1049 : vector<256xf32> to vector<256x1xf32>
      %jit3A_1051 = arith.constant 0.000000e+00 : f32
      %broadcast_in_dim3A_1052 = vector.shape_cast %slice3A_15 : vector<1x4096xf32> to vector<1x4096xf32>
      %broadcast_in_dim3A_1053 = vector.broadcast %broadcast_in_dim3A_1052 : vector<1x4096xf32> to vector<256x4096xf32>
      %broadcast_in_dim3A_1054 = vector.broadcast %jit3A_1051 : f32 to vector<256x4096xf32>
      %select_n3A_1055 = arith.select %eq3A_1034, %broadcast_in_dim3A_1053, %broadcast_in_dim3A_1054 : vector<256x4096xi1>, vector<256x4096xf32>
      %reduce_sum3A_1056 = arith.constant dense<0.000000e+00> : vector<256xf32>
      %reduce_sum3A_1057 = vector.multi_reduction <add>, %select_n3A_1055, %reduce_sum3A_1056 [1] : vector<256x4096xf32> to vector<256xf32>
      %broadcast_in_dim3A_1058 = vector.shape_cast %reduce_sum3A_1057 : vector<256xf32> to vector<256x1xf32>
      %concatenate3A_1059 = tpu.concatenate %broadcast_in_dim3A_1042, %broadcast_in_dim3A_1050, %broadcast_in_dim3A_1058 in 1 : vector<256x1xf32>, vector<256x1xf32>, vector<256x1xf32> -> vector<256x3xf32>
      %sub3A_1060 = arith.subf %concatenate3A_1059, %get3A_3 : vector<256x3xf32>
      %jit3A_1061 = arith.constant 3.000000e+38 : f32
      %broadcast_in_dim3A_1062 = vector.broadcast %jit3A_1061 : f32 to vector<256x4096xf32>
      %select_n3A_1063 = arith.select %eq3A_1034, %broadcast_in_dim3A_1062, %select_n3A_1021 : vector<256x4096xi1>, vector<256x4096xf32>
      %reduce_min3A_1064 = arith.constant dense<0x7F800000> : vector<256xf32>
      %reduce_min3A_1065 = vector.multi_reduction <minimumf>, %select_n3A_1063, %reduce_min3A_1064 [1] : vector<256x4096xf32> to vector<256xf32>
      %broadcast_in_dim3A_1066 = vector.shape_cast %reduce_min3A_1065 : vector<256xf32> to vector<256x1xf32>
      %eq3A_1067 = vector.broadcast %broadcast_in_dim3A_1066 : vector<256x1xf32> to vector<256x4096xf32>
      %eq3A_1068 = arith.cmpf oeq, %select_n3A_1063, %eq3A_1067 : vector<256x4096xf32>
      %jit3A_1069 = arith.constant 4096 : i32
      %broadcast_in_dim3A_1070 = vector.broadcast %jit3A_1069 : i32 to vector<256x4096xi32>
      %select_n3A_1071 = arith.select %eq3A_1068, %iota3A, %broadcast_in_dim3A_1070 : vector<256x4096xi1>, vector<256x4096xi32>
      %reduce_min3A_1072 = arith.constant dense<2147483647> : vector<256xi32>
      %reduce_min3A_1073 = vector.multi_reduction <minsi>, %select_n3A_1071, %reduce_min3A_1072 [1] : vector<256x4096xi32> to vector<256xi32>
      %broadcast_in_dim3A_1074 = vector.shape_cast %reduce_min3A_1073 : vector<256xi32> to vector<256x1xi32>
      %eq3A_1075 = vector.broadcast %broadcast_in_dim3A_1074 : vector<256x1xi32> to vector<256x4096xi32>
      %eq3A_1076 = arith.cmpi eq, %iota3A, %eq3A_1075 : vector<256x4096xi32>
      %jit3A_1077 = arith.constant 0.000000e+00 : f32
      %broadcast_in_dim3A_1078 = vector.shape_cast %slice3A : vector<1x4096xf32> to vector<1x4096xf32>
      %broadcast_in_dim3A_1079 = vector.broadcast %broadcast_in_dim3A_1078 : vector<1x4096xf32> to vector<256x4096xf32>
      %broadcast_in_dim3A_1080 = vector.broadcast %jit3A_1077 : f32 to vector<256x4096xf32>
      %select_n3A_1081 = arith.select %eq3A_1076, %broadcast_in_dim3A_1079, %broadcast_in_dim3A_1080 : vector<256x4096xi1>, vector<256x4096xf32>
      %reduce_sum3A_1082 = arith.constant dense<0.000000e+00> : vector<256xf32>
      %reduce_sum3A_1083 = vector.multi_reduction <add>, %select_n3A_1081, %reduce_sum3A_1082 [1] : vector<256x4096xf32> to vector<256xf32>
      %broadcast_in_dim3A_1084 = vector.shape_cast %reduce_sum3A_1083 : vector<256xf32> to vector<256x1xf32>
      %jit3A_1085 = arith.constant 0.000000e+00 : f32
      %broadcast_in_dim3A_1086 = vector.shape_cast %slice3A_14 : vector<1x4096xf32> to vector<1x4096xf32>
      %broadcast_in_dim3A_1087 = vector.broadcast %broadcast_in_dim3A_1086 : vector<1x4096xf32> to vector<256x4096xf32>
      %broadcast_in_dim3A_1088 = vector.broadcast %jit3A_1085 : f32 to vector<256x4096xf32>
      %select_n3A_1089 = arith.select %eq3A_1076, %broadcast_in_dim3A_1087, %broadcast_in_dim3A_1088 : vector<256x4096xi1>, vector<256x4096xf32>
      %reduce_sum3A_1090 = arith.constant dense<0.000000e+00> : vector<256xf32>
      %reduce_sum3A_1091 = vector.multi_reduction <add>, %select_n3A_1089, %reduce_sum3A_1090 [1] : vector<256x4096xf32> to vector<256xf32>
      %broadcast_in_dim3A_1092 = vector.shape_cast %reduce_sum3A_1091 : vector<256xf32> to vector<256x1xf32>
      %jit3A_1093 = arith.constant 0.000000e+00 : f32
      %broadcast_in_dim3A_1094 = vector.shape_cast %slice3A_15 : vector<1x4096xf32> to vector<1x4096xf32>
      %broadcast_in_dim3A_1095 = vector.broadcast %broadcast_in_dim3A_1094 : vector<1x4096xf32> to vector<256x4096xf32>
      %broadcast_in_dim3A_1096 = vector.broadcast %jit3A_1093 : f32 to vector<256x4096xf32>
      %select_n3A_1097 = arith.select %eq3A_1076, %broadcast_in_dim3A_1095, %broadcast_in_dim3A_1096 : vector<256x4096xi1>, vector<256x4096xf32>
      %reduce_sum3A_1098 = arith.constant dense<0.000000e+00> : vector<256xf32>
      %reduce_sum3A_1099 = vector.multi_reduction <add>, %select_n3A_1097, %reduce_sum3A_1098 [1] : vector<256x4096xf32> to vector<256xf32>
      %broadcast_in_dim3A_1100 = vector.shape_cast %reduce_sum3A_1099 : vector<256xf32> to vector<256x1xf32>
      %concatenate3A_1101 = tpu.concatenate %broadcast_in_dim3A_1084, %broadcast_in_dim3A_1092, %broadcast_in_dim3A_1100 in 1 : vector<256x1xf32>, vector<256x1xf32>, vector<256x1xf32> -> vector<256x3xf32>
      %sub3A_1102 = arith.subf %concatenate3A_1101, %get3A_3 : vector<256x3xf32>
      %jit3A_1103 = arith.constant 3.000000e+38 : f32
      %broadcast_in_dim3A_1104 = vector.broadcast %jit3A_1103 : f32 to vector<256x4096xf32>
      %select_n3A_1105 = arith.select %eq3A_1076, %broadcast_in_dim3A_1104, %select_n3A_1063 : vector<256x4096xi1>, vector<256x4096xf32>
      %reduce_min3A_1106 = arith.constant dense<0x7F800000> : vector<256xf32>
      %reduce_min3A_1107 = vector.multi_reduction <minimumf>, %select_n3A_1105, %reduce_min3A_1106 [1] : vector<256x4096xf32> to vector<256xf32>
      %broadcast_in_dim3A_1108 = vector.shape_cast %reduce_min3A_1107 : vector<256xf32> to vector<256x1xf32>
      %eq3A_1109 = vector.broadcast %broadcast_in_dim3A_1108 : vector<256x1xf32> to vector<256x4096xf32>
      %eq3A_1110 = arith.cmpf oeq, %select_n3A_1105, %eq3A_1109 : vector<256x4096xf32>
      %jit3A_1111 = arith.constant 4096 : i32
      %broadcast_in_dim3A_1112 = vector.broadcast %jit3A_1111 : i32 to vector<256x4096xi32>
      %select_n3A_1113 = arith.select %eq3A_1110, %iota3A, %broadcast_in_dim3A_1112 : vector<256x4096xi1>, vector<256x4096xi32>
      %reduce_min3A_1114 = arith.constant dense<2147483647> : vector<256xi32>
      %reduce_min3A_1115 = vector.multi_reduction <minsi>, %select_n3A_1113, %reduce_min3A_1114 [1] : vector<256x4096xi32> to vector<256xi32>
      %broadcast_in_dim3A_1116 = vector.shape_cast %reduce_min3A_1115 : vector<256xi32> to vector<256x1xi32>
      %eq3A_1117 = vector.broadcast %broadcast_in_dim3A_1116 : vector<256x1xi32> to vector<256x4096xi32>
      %eq3A_1118 = arith.cmpi eq, %iota3A, %eq3A_1117 : vector<256x4096xi32>
      %jit3A_1119 = arith.constant 0.000000e+00 : f32
      %broadcast_in_dim3A_1120 = vector.shape_cast %slice3A : vector<1x4096xf32> to vector<1x4096xf32>
      %broadcast_in_dim3A_1121 = vector.broadcast %broadcast_in_dim3A_1120 : vector<1x4096xf32> to vector<256x4096xf32>
      %broadcast_in_dim3A_1122 = vector.broadcast %jit3A_1119 : f32 to vector<256x4096xf32>
      %select_n3A_1123 = arith.select %eq3A_1118, %broadcast_in_dim3A_1121, %broadcast_in_dim3A_1122 : vector<256x4096xi1>, vector<256x4096xf32>
      %reduce_sum3A_1124 = arith.constant dense<0.000000e+00> : vector<256xf32>
      %reduce_sum3A_1125 = vector.multi_reduction <add>, %select_n3A_1123, %reduce_sum3A_1124 [1] : vector<256x4096xf32> to vector<256xf32>
      %broadcast_in_dim3A_1126 = vector.shape_cast %reduce_sum3A_1125 : vector<256xf32> to vector<256x1xf32>
      %jit3A_1127 = arith.constant 0.000000e+00 : f32
      %broadcast_in_dim3A_1128 = vector.shape_cast %slice3A_14 : vector<1x4096xf32> to vector<1x4096xf32>
      %broadcast_in_dim3A_1129 = vector.broadcast %broadcast_in_dim3A_1128 : vector<1x4096xf32> to vector<256x4096xf32>
      %broadcast_in_dim3A_1130 = vector.broadcast %jit3A_1127 : f32 to vector<256x4096xf32>
      %select_n3A_1131 = arith.select %eq3A_1118, %broadcast_in_dim3A_1129, %broadcast_in_dim3A_1130 : vector<256x4096xi1>, vector<256x4096xf32>
      %reduce_sum3A_1132 = arith.constant dense<0.000000e+00> : vector<256xf32>
      %reduce_sum3A_1133 = vector.multi_reduction <add>, %select_n3A_1131, %reduce_sum3A_1132 [1] : vector<256x4096xf32> to vector<256xf32>
      %broadcast_in_dim3A_1134 = vector.shape_cast %reduce_sum3A_1133 : vector<256xf32> to vector<256x1xf32>
      %jit3A_1135 = arith.constant 0.000000e+00 : f32
      %broadcast_in_dim3A_1136 = vector.shape_cast %slice3A_15 : vector<1x4096xf32> to vector<1x4096xf32>
      %broadcast_in_dim3A_1137 = vector.broadcast %broadcast_in_dim3A_1136 : vector<1x4096xf32> to vector<256x4096xf32>
      %broadcast_in_dim3A_1138 = vector.broadcast %jit3A_1135 : f32 to vector<256x4096xf32>
      %select_n3A_1139 = arith.select %eq3A_1118, %broadcast_in_dim3A_1137, %broadcast_in_dim3A_1138 : vector<256x4096xi1>, vector<256x4096xf32>
      %reduce_sum3A_1140 = arith.constant dense<0.000000e+00> : vector<256xf32>
      %reduce_sum3A_1141 = vector.multi_reduction <add>, %select_n3A_1139, %reduce_sum3A_1140 [1] : vector<256x4096xf32> to vector<256xf32>
      %broadcast_in_dim3A_1142 = vector.shape_cast %reduce_sum3A_1141 : vector<256xf32> to vector<256x1xf32>
      %concatenate3A_1143 = tpu.concatenate %broadcast_in_dim3A_1126, %broadcast_in_dim3A_1134, %broadcast_in_dim3A_1142 in 1 : vector<256x1xf32>, vector<256x1xf32>, vector<256x1xf32> -> vector<256x3xf32>
      %sub3A_1144 = arith.subf %concatenate3A_1143, %get3A_3 : vector<256x3xf32>
      %jit3A_1145 = arith.constant 3.000000e+38 : f32
      %broadcast_in_dim3A_1146 = vector.broadcast %jit3A_1145 : f32 to vector<256x4096xf32>
      %select_n3A_1147 = arith.select %eq3A_1118, %broadcast_in_dim3A_1146, %select_n3A_1105 : vector<256x4096xi1>, vector<256x4096xf32>
      %reduce_min3A_1148 = arith.constant dense<0x7F800000> : vector<256xf32>
      %reduce_min3A_1149 = vector.multi_reduction <minimumf>, %select_n3A_1147, %reduce_min3A_1148 [1] : vector<256x4096xf32> to vector<256xf32>
      %broadcast_in_dim3A_1150 = vector.shape_cast %reduce_min3A_1149 : vector<256xf32> to vector<256x1xf32>
      %eq3A_1151 = vector.broadcast %broadcast_in_dim3A_1150 : vector<256x1xf32> to vector<256x4096xf32>
      %eq3A_1152 = arith.cmpf oeq, %select_n3A_1147, %eq3A_1151 : vector<256x4096xf32>
      %jit3A_1153 = arith.constant 4096 : i32
      %broadcast_in_dim3A_1154 = vector.broadcast %jit3A_1153 : i32 to vector<256x4096xi32>
      %select_n3A_1155 = arith.select %eq3A_1152, %iota3A, %broadcast_in_dim3A_1154 : vector<256x4096xi1>, vector<256x4096xi32>
      %reduce_min3A_1156 = arith.constant dense<2147483647> : vector<256xi32>
      %reduce_min3A_1157 = vector.multi_reduction <minsi>, %select_n3A_1155, %reduce_min3A_1156 [1] : vector<256x4096xi32> to vector<256xi32>
      %broadcast_in_dim3A_1158 = vector.shape_cast %reduce_min3A_1157 : vector<256xi32> to vector<256x1xi32>
      %eq3A_1159 = vector.broadcast %broadcast_in_dim3A_1158 : vector<256x1xi32> to vector<256x4096xi32>
      %eq3A_1160 = arith.cmpi eq, %iota3A, %eq3A_1159 : vector<256x4096xi32>
      %jit3A_1161 = arith.constant 0.000000e+00 : f32
      %broadcast_in_dim3A_1162 = vector.shape_cast %slice3A : vector<1x4096xf32> to vector<1x4096xf32>
      %broadcast_in_dim3A_1163 = vector.broadcast %broadcast_in_dim3A_1162 : vector<1x4096xf32> to vector<256x4096xf32>
      %broadcast_in_dim3A_1164 = vector.broadcast %jit3A_1161 : f32 to vector<256x4096xf32>
      %select_n3A_1165 = arith.select %eq3A_1160, %broadcast_in_dim3A_1163, %broadcast_in_dim3A_1164 : vector<256x4096xi1>, vector<256x4096xf32>
      %reduce_sum3A_1166 = arith.constant dense<0.000000e+00> : vector<256xf32>
      %reduce_sum3A_1167 = vector.multi_reduction <add>, %select_n3A_1165, %reduce_sum3A_1166 [1] : vector<256x4096xf32> to vector<256xf32>
      %broadcast_in_dim3A_1168 = vector.shape_cast %reduce_sum3A_1167 : vector<256xf32> to vector<256x1xf32>
      %jit3A_1169 = arith.constant 0.000000e+00 : f32
      %broadcast_in_dim3A_1170 = vector.shape_cast %slice3A_14 : vector<1x4096xf32> to vector<1x4096xf32>
      %broadcast_in_dim3A_1171 = vector.broadcast %broadcast_in_dim3A_1170 : vector<1x4096xf32> to vector<256x4096xf32>
      %broadcast_in_dim3A_1172 = vector.broadcast %jit3A_1169 : f32 to vector<256x4096xf32>
      %select_n3A_1173 = arith.select %eq3A_1160, %broadcast_in_dim3A_1171, %broadcast_in_dim3A_1172 : vector<256x4096xi1>, vector<256x4096xf32>
      %reduce_sum3A_1174 = arith.constant dense<0.000000e+00> : vector<256xf32>
      %reduce_sum3A_1175 = vector.multi_reduction <add>, %select_n3A_1173, %reduce_sum3A_1174 [1] : vector<256x4096xf32> to vector<256xf32>
      %broadcast_in_dim3A_1176 = vector.shape_cast %reduce_sum3A_1175 : vector<256xf32> to vector<256x1xf32>
      %jit3A_1177 = arith.constant 0.000000e+00 : f32
      %broadcast_in_dim3A_1178 = vector.shape_cast %slice3A_15 : vector<1x4096xf32> to vector<1x4096xf32>
      %broadcast_in_dim3A_1179 = vector.broadcast %broadcast_in_dim3A_1178 : vector<1x4096xf32> to vector<256x4096xf32>
      %broadcast_in_dim3A_1180 = vector.broadcast %jit3A_1177 : f32 to vector<256x4096xf32>
      %select_n3A_1181 = arith.select %eq3A_1160, %broadcast_in_dim3A_1179, %broadcast_in_dim3A_1180 : vector<256x4096xi1>, vector<256x4096xf32>
      %reduce_sum3A_1182 = arith.constant dense<0.000000e+00> : vector<256xf32>
      %reduce_sum3A_1183 = vector.multi_reduction <add>, %select_n3A_1181, %reduce_sum3A_1182 [1] : vector<256x4096xf32> to vector<256xf32>
      %broadcast_in_dim3A_1184 = vector.shape_cast %reduce_sum3A_1183 : vector<256xf32> to vector<256x1xf32>
      %concatenate3A_1185 = tpu.concatenate %broadcast_in_dim3A_1168, %broadcast_in_dim3A_1176, %broadcast_in_dim3A_1184 in 1 : vector<256x1xf32>, vector<256x1xf32>, vector<256x1xf32> -> vector<256x3xf32>
      %sub3A_1186 = arith.subf %concatenate3A_1185, %get3A_3 : vector<256x3xf32>
      %jit3A_1187 = arith.constant 3.000000e+38 : f32
      %broadcast_in_dim3A_1188 = vector.broadcast %jit3A_1187 : f32 to vector<256x4096xf32>
      %select_n3A_1189 = arith.select %eq3A_1160, %broadcast_in_dim3A_1188, %select_n3A_1147 : vector<256x4096xi1>, vector<256x4096xf32>
      %reduce_min3A_1190 = arith.constant dense<0x7F800000> : vector<256xf32>
      %reduce_min3A_1191 = vector.multi_reduction <minimumf>, %select_n3A_1189, %reduce_min3A_1190 [1] : vector<256x4096xf32> to vector<256xf32>
      %broadcast_in_dim3A_1192 = vector.shape_cast %reduce_min3A_1191 : vector<256xf32> to vector<256x1xf32>
      %eq3A_1193 = vector.broadcast %broadcast_in_dim3A_1192 : vector<256x1xf32> to vector<256x4096xf32>
      %eq3A_1194 = arith.cmpf oeq, %select_n3A_1189, %eq3A_1193 : vector<256x4096xf32>
      %jit3A_1195 = arith.constant 4096 : i32
      %broadcast_in_dim3A_1196 = vector.broadcast %jit3A_1195 : i32 to vector<256x4096xi32>
      %select_n3A_1197 = arith.select %eq3A_1194, %iota3A, %broadcast_in_dim3A_1196 : vector<256x4096xi1>, vector<256x4096xi32>
      %reduce_min3A_1198 = arith.constant dense<2147483647> : vector<256xi32>
      %reduce_min3A_1199 = vector.multi_reduction <minsi>, %select_n3A_1197, %reduce_min3A_1198 [1] : vector<256x4096xi32> to vector<256xi32>
      %broadcast_in_dim3A_1200 = vector.shape_cast %reduce_min3A_1199 : vector<256xi32> to vector<256x1xi32>
      %eq3A_1201 = vector.broadcast %broadcast_in_dim3A_1200 : vector<256x1xi32> to vector<256x4096xi32>
      %eq3A_1202 = arith.cmpi eq, %iota3A, %eq3A_1201 : vector<256x4096xi32>
      %jit3A_1203 = arith.constant 0.000000e+00 : f32
      %broadcast_in_dim3A_1204 = vector.shape_cast %slice3A : vector<1x4096xf32> to vector<1x4096xf32>
      %broadcast_in_dim3A_1205 = vector.broadcast %broadcast_in_dim3A_1204 : vector<1x4096xf32> to vector<256x4096xf32>
      %broadcast_in_dim3A_1206 = vector.broadcast %jit3A_1203 : f32 to vector<256x4096xf32>
      %select_n3A_1207 = arith.select %eq3A_1202, %broadcast_in_dim3A_1205, %broadcast_in_dim3A_1206 : vector<256x4096xi1>, vector<256x4096xf32>
      %reduce_sum3A_1208 = arith.constant dense<0.000000e+00> : vector<256xf32>
      %reduce_sum3A_1209 = vector.multi_reduction <add>, %select_n3A_1207, %reduce_sum3A_1208 [1] : vector<256x4096xf32> to vector<256xf32>
      %broadcast_in_dim3A_1210 = vector.shape_cast %reduce_sum3A_1209 : vector<256xf32> to vector<256x1xf32>
      %jit3A_1211 = arith.constant 0.000000e+00 : f32
      %broadcast_in_dim3A_1212 = vector.shape_cast %slice3A_14 : vector<1x4096xf32> to vector<1x4096xf32>
      %broadcast_in_dim3A_1213 = vector.broadcast %broadcast_in_dim3A_1212 : vector<1x4096xf32> to vector<256x4096xf32>
      %broadcast_in_dim3A_1214 = vector.broadcast %jit3A_1211 : f32 to vector<256x4096xf32>
      %select_n3A_1215 = arith.select %eq3A_1202, %broadcast_in_dim3A_1213, %broadcast_in_dim3A_1214 : vector<256x4096xi1>, vector<256x4096xf32>
      %reduce_sum3A_1216 = arith.constant dense<0.000000e+00> : vector<256xf32>
      %reduce_sum3A_1217 = vector.multi_reduction <add>, %select_n3A_1215, %reduce_sum3A_1216 [1] : vector<256x4096xf32> to vector<256xf32>
      %broadcast_in_dim3A_1218 = vector.shape_cast %reduce_sum3A_1217 : vector<256xf32> to vector<256x1xf32>
      %jit3A_1219 = arith.constant 0.000000e+00 : f32
      %broadcast_in_dim3A_1220 = vector.shape_cast %slice3A_15 : vector<1x4096xf32> to vector<1x4096xf32>
      %broadcast_in_dim3A_1221 = vector.broadcast %broadcast_in_dim3A_1220 : vector<1x4096xf32> to vector<256x4096xf32>
      %broadcast_in_dim3A_1222 = vector.broadcast %jit3A_1219 : f32 to vector<256x4096xf32>
      %select_n3A_1223 = arith.select %eq3A_1202, %broadcast_in_dim3A_1221, %broadcast_in_dim3A_1222 : vector<256x4096xi1>, vector<256x4096xf32>
      %reduce_sum3A_1224 = arith.constant dense<0.000000e+00> : vector<256xf32>
      %reduce_sum3A_1225 = vector.multi_reduction <add>, %select_n3A_1223, %reduce_sum3A_1224 [1] : vector<256x4096xf32> to vector<256xf32>
      %broadcast_in_dim3A_1226 = vector.shape_cast %reduce_sum3A_1225 : vector<256xf32> to vector<256x1xf32>
      %concatenate3A_1227 = tpu.concatenate %broadcast_in_dim3A_1210, %broadcast_in_dim3A_1218, %broadcast_in_dim3A_1226 in 1 : vector<256x1xf32>, vector<256x1xf32>, vector<256x1xf32> -> vector<256x3xf32>
      %sub3A_1228 = arith.subf %concatenate3A_1227, %get3A_3 : vector<256x3xf32>
      %jit3A_1229 = arith.constant 3.000000e+38 : f32
      %broadcast_in_dim3A_1230 = vector.broadcast %jit3A_1229 : f32 to vector<256x4096xf32>
      %select_n3A_1231 = arith.select %eq3A_1202, %broadcast_in_dim3A_1230, %select_n3A_1189 : vector<256x4096xi1>, vector<256x4096xf32>
      %reduce_min3A_1232 = arith.constant dense<0x7F800000> : vector<256xf32>
      %reduce_min3A_1233 = vector.multi_reduction <minimumf>, %select_n3A_1231, %reduce_min3A_1232 [1] : vector<256x4096xf32> to vector<256xf32>
      %broadcast_in_dim3A_1234 = vector.shape_cast %reduce_min3A_1233 : vector<256xf32> to vector<256x1xf32>
      %eq3A_1235 = vector.broadcast %broadcast_in_dim3A_1234 : vector<256x1xf32> to vector<256x4096xf32>
      %eq3A_1236 = arith.cmpf oeq, %select_n3A_1231, %eq3A_1235 : vector<256x4096xf32>
      %jit3A_1237 = arith.constant 4096 : i32
      %broadcast_in_dim3A_1238 = vector.broadcast %jit3A_1237 : i32 to vector<256x4096xi32>
      %select_n3A_1239 = arith.select %eq3A_1236, %iota3A, %broadcast_in_dim3A_1238 : vector<256x4096xi1>, vector<256x4096xi32>
      %reduce_min3A_1240 = arith.constant dense<2147483647> : vector<256xi32>
      %reduce_min3A_1241 = vector.multi_reduction <minsi>, %select_n3A_1239, %reduce_min3A_1240 [1] : vector<256x4096xi32> to vector<256xi32>
      %broadcast_in_dim3A_1242 = vector.shape_cast %reduce_min3A_1241 : vector<256xi32> to vector<256x1xi32>
      %eq3A_1243 = vector.broadcast %broadcast_in_dim3A_1242 : vector<256x1xi32> to vector<256x4096xi32>
      %eq3A_1244 = arith.cmpi eq, %iota3A, %eq3A_1243 : vector<256x4096xi32>
      %jit3A_1245 = arith.constant 0.000000e+00 : f32
      %broadcast_in_dim3A_1246 = vector.shape_cast %slice3A : vector<1x4096xf32> to vector<1x4096xf32>
      %broadcast_in_dim3A_1247 = vector.broadcast %broadcast_in_dim3A_1246 : vector<1x4096xf32> to vector<256x4096xf32>
      %broadcast_in_dim3A_1248 = vector.broadcast %jit3A_1245 : f32 to vector<256x4096xf32>
      %select_n3A_1249 = arith.select %eq3A_1244, %broadcast_in_dim3A_1247, %broadcast_in_dim3A_1248 : vector<256x4096xi1>, vector<256x4096xf32>
      %reduce_sum3A_1250 = arith.constant dense<0.000000e+00> : vector<256xf32>
      %reduce_sum3A_1251 = vector.multi_reduction <add>, %select_n3A_1249, %reduce_sum3A_1250 [1] : vector<256x4096xf32> to vector<256xf32>
      %broadcast_in_dim3A_1252 = vector.shape_cast %reduce_sum3A_1251 : vector<256xf32> to vector<256x1xf32>
      %jit3A_1253 = arith.constant 0.000000e+00 : f32
      %broadcast_in_dim3A_1254 = vector.shape_cast %slice3A_14 : vector<1x4096xf32> to vector<1x4096xf32>
      %broadcast_in_dim3A_1255 = vector.broadcast %broadcast_in_dim3A_1254 : vector<1x4096xf32> to vector<256x4096xf32>
      %broadcast_in_dim3A_1256 = vector.broadcast %jit3A_1253 : f32 to vector<256x4096xf32>
      %select_n3A_1257 = arith.select %eq3A_1244, %broadcast_in_dim3A_1255, %broadcast_in_dim3A_1256 : vector<256x4096xi1>, vector<256x4096xf32>
      %reduce_sum3A_1258 = arith.constant dense<0.000000e+00> : vector<256xf32>
      %reduce_sum3A_1259 = vector.multi_reduction <add>, %select_n3A_1257, %reduce_sum3A_1258 [1] : vector<256x4096xf32> to vector<256xf32>
      %broadcast_in_dim3A_1260 = vector.shape_cast %reduce_sum3A_1259 : vector<256xf32> to vector<256x1xf32>
      %jit3A_1261 = arith.constant 0.000000e+00 : f32
      %broadcast_in_dim3A_1262 = vector.shape_cast %slice3A_15 : vector<1x4096xf32> to vector<1x4096xf32>
      %broadcast_in_dim3A_1263 = vector.broadcast %broadcast_in_dim3A_1262 : vector<1x4096xf32> to vector<256x4096xf32>
      %broadcast_in_dim3A_1264 = vector.broadcast %jit3A_1261 : f32 to vector<256x4096xf32>
      %select_n3A_1265 = arith.select %eq3A_1244, %broadcast_in_dim3A_1263, %broadcast_in_dim3A_1264 : vector<256x4096xi1>, vector<256x4096xf32>
      %reduce_sum3A_1266 = arith.constant dense<0.000000e+00> : vector<256xf32>
      %reduce_sum3A_1267 = vector.multi_reduction <add>, %select_n3A_1265, %reduce_sum3A_1266 [1] : vector<256x4096xf32> to vector<256xf32>
      %broadcast_in_dim3A_1268 = vector.shape_cast %reduce_sum3A_1267 : vector<256xf32> to vector<256x1xf32>
      %concatenate3A_1269 = tpu.concatenate %broadcast_in_dim3A_1252, %broadcast_in_dim3A_1260, %broadcast_in_dim3A_1268 in 1 : vector<256x1xf32>, vector<256x1xf32>, vector<256x1xf32> -> vector<256x3xf32>
      %sub3A_1270 = arith.subf %concatenate3A_1269, %get3A_3 : vector<256x3xf32>
      %concatenate3A_1271 = tpu.concatenate %broadcast_in_dim3A_613, %broadcast_in_dim3A_654, %broadcast_in_dim3A_696, %broadcast_in_dim3A_738, %broadcast_in_dim3A_780, %broadcast_in_dim3A_822, %broadcast_in_dim3A_864, %broadcast_in_dim3A_906, %broadcast_in_dim3A_948, %broadcast_in_dim3A_990, %broadcast_in_dim3A_1032, %broadcast_in_dim3A_1074, %broadcast_in_dim3A_1116, %broadcast_in_dim3A_1158, %broadcast_in_dim3A_1200, %broadcast_in_dim3A_1242 in 1 : vector<256x1xi32>, vector<256x1xi32>, vector<256x1xi32>, vector<256x1xi32>, vector<256x1xi32>, vector<256x1xi32>, vector<256x1xi32>, vector<256x1xi32>, vector<256x1xi32>, vector<256x1xi32>, vector<256x1xi32>, vector<256x1xi32>, vector<256x1xi32>, vector<256x1xi32>, vector<256x1xi32>, vector<256x1xi32> -> vector<256x16xi32>
      %concatenate3A_1272 = tpu.concatenate %sub3A_640, %sub3A_682, %sub3A_724, %sub3A_766, %sub3A_808, %sub3A_850, %sub3A_892, %sub3A_934, %sub3A_976, %sub3A_1018, %sub3A_1060, %sub3A_1102, %sub3A_1144, %sub3A_1186, %sub3A_1228, %sub3A_1270 in 1 : vector<256x3xf32>, vector<256x3xf32>, vector<256x3xf32>, vector<256x3xf32>, vector<256x3xf32>, vector<256x3xf32>, vector<256x3xf32>, vector<256x3xf32>, vector<256x3xf32>, vector<256x3xf32>, vector<256x3xf32>, vector<256x3xf32>, vector<256x3xf32>, vector<256x3xf32>, vector<256x3xf32>, vector<256x3xf32> -> vector<256x48xf32>
      scf.yield %concatenate3A_1271, %concatenate3A_1272 : vector<256x16xi32>, vector<256x48xf32>
    } else {
      scf.yield %concatenate3A_578, %concatenate3A_579 : vector<256x16xi32>, vector<256x48xf32>
    }
    %mul3A_588 = arith.constant 4096 : i32
    %mul3A_589 = arith.muli %arg0, %mul3A_588 : i32
    %add3A_590 = vector.broadcast %mul3A_589 : i32 to vector<256x16xi32>
    %add3A_591 = arith.addi %cond3A_587#0, %add3A_590 : vector<256x16xi32>
    %swap3A = arith.constant 0 : index
    %swap3A_592 = arith.constant 0 : index
    %swap3A_593 = arith.constant 0 : index
    %swap3A_594 = vector.load %arg5[%swap3A, %swap3A_592, %swap3A_593] : memref<1x256x16xi32, #tpu.memory_space<vmem>>, vector<1x256x16xi32>
    %swap3A_595 = vector.shape_cast %swap3A_594 : vector<1x256x16xi32> to vector<256x16xi32>
    %swap3A_596 = vector.shape_cast %add3A_591 : vector<256x16xi32> to vector<1x256x16xi32>
    tpu.vector_store %arg5[%swap3A, %swap3A_592, %swap3A_593], %swap3A_596 {strides = array<i32>} : memref<1x256x16xi32, #tpu.memory_space<vmem>>, vector<1x256x16xi32>,
    %swap3A_597 = arith.constant 0 : index
    %swap3A_598 = arith.constant 0 : index
    %swap3A_599 = arith.constant 0 : index
    %swap3A_600 = vector.load %arg6[%swap3A_597, %swap3A_598, %swap3A_599] : memref<1x256x48xf32, #tpu.memory_space<vmem>>, vector<1x256x48xf32>
    %swap3A_601 = vector.shape_cast %swap3A_600 : vector<1x256x48xf32> to vector<256x48xf32>
    %swap3A_602 = vector.shape_cast %cond3A_587#1 : vector<256x48xf32> to vector<1x256x48xf32>
    tpu.vector_store %arg6[%swap3A_597, %swap3A_598, %swap3A_599], %swap3A_602 {strides = array<i32>} : memref<1x256x48xf32, #tpu.memory_space<vmem>>, vector<1x256x48xf32>,
    return
  }
  func.func @transform_0(%arg0: i32, %arg1: i32) -> (i32, i32, i32) {
    %c0_i32 = arith.constant 0 : i32
    %c0_i32_0 = arith.constant 0 : i32
    return %arg0, %arg1, %c0_i32 : i32, i32, i32
  }
  func.func @transform_1(%arg0: i32, %arg1: i32) -> (i32, i32, i32) {
    %c0_i32 = arith.constant 0 : i32
    %c0_i32_0 = arith.constant 0 : i32
    %c0_i32_1 = arith.constant 0 : i32
    return %arg0, %c0_i32, %c0_i32_0 : i32, i32, i32
  }
  func.func @transform_2(%arg0: i32, %arg1: i32) -> (i32, i32, i32) {
    %c0_i32 = arith.constant 0 : i32
    %c0_i32_0 = arith.constant 0 : i32
    %c0_i32_1 = arith.constant 0 : i32
    return %arg0, %c0_i32, %c0_i32_0 : i32, i32, i32
  }
  func.func @transform_3(%arg0: i32, %arg1: i32) -> (i32, i32, i32) {
    %c0_i32 = arith.constant 0 : i32
    %c0_i32_0 = arith.constant 0 : i32
    return %arg0, %arg1, %c0_i32 : i32, i32, i32
  }
  func.func @transform_4(%arg0: i32, %arg1: i32) -> (i32, i32, i32) {
    %c0_i32 = arith.constant 0 : i32
    %c0_i32_0 = arith.constant 0 : i32
    return %arg0, %arg1, %c0_i32 : i32, i32, i32
  }
}

</mosaic_0001>

<sc_bundles>
// kernel: kernel.6.cloned.1.call-start
scs
__scs_entry_jumppad:
0x0: {  	(pc) =	sbr.rel $0x88, $3  }
0x1: {  	(tag) =	ssettag $0x0;
	lr =	simm.s32 $0x1  }
0x2: {  	[smem:$0x3F9E] =	sst lr;
	_ =	strace $0xD0000000  }
0x3: {  	_ = 	snop  }
0x4: {  	_ = 	snop  }
0x5: {  	_ = 	snop  }
0x6: {  	_ = 	snop  }
0x7: {  	_ = 	snop  }
__scs_overlays_trampoline_lowered:
0x8: {  	[smem:$0x3FAD] =	sst s0  }
0x9: {  	[smem:$0x3FAE] =	sst s1  }
0xa: {  	[smem:$0x3FAF] =	sst s2  }
0xb: {  	[smem:$0x3FB0] =	sst s3  }
0xc: {  	[smem:$0x3FB1] =	sst s4  }
0xd: {  	[smem:$0x3FB2] =	sst s5  }
0xe: {  	[smem:$0x3FB3] =	sst s6  }
0xf: {  	[smem:$0x3FB4] =	sst s7  }
0x10: {  	[smem:$0x3FB5] =	sst s8  }
0x11: {  	[smem:$0x3FB6] =	sst s9;
	s0 =	simm.s32 @!p0 $0x0  }
0x12: {  	s1 =	sld [smem:$0x3F9C];
	s0 =	simm.s32 @p0 $0x1  }
0x13: {  	[smem:$0x3FB7] =	sst s0;
	s0 =	simm.s32 @!p1 $0x0  }
0x14: {  	s2 =	sld [smem:$0x3F9B];
	s0 =	simm.s32 @p1 $0x1  }
0x15: {  	[smem:$0x3FB8] =	sst s0;
	s0 =	simm.s32 @!p2 $0x0  }
0x16: {  	s3 =	sld [smem:$0x3FDB];
	s0 =	simm.s32 @p2 $0x1  }
0x17: {  	s4 =	simm.s32 $0x1BF5;
	[smem:$0x3FBA] =	sst s0  }
0x18: {  	s0 =	sld [smem:$0x3F9D];
	_ =	swait.ge [sflag:s4], $0x0  }
0x19: {  	s7 =	sld [smem:$0x3F9E]  }
0x1a: {  	s8 =	sadd.s32 $0xFFFFE003, lr  }
0x1b: {  	s9 =	sadd.s32 $0xFFFFFEF7, lr;
	s5 =	simm.s32 $0xFFFFFFFF;
	p2 =	slt.u32 s8, $0xFFFFF086  }
0x1c: {  	p1 =	slt.u32 s9, $0xF7A;
	s5 =	simm.s32 @!p2 $0x0  }
0x1d: {  	s5 =	simm.s32 @p1 $0x1;
	p0 =	seq.s32 s7, s2  }
0x1e: {  	s7 =	smul.u32 @!p0 $0xF7A, s2;
	p2 =	seq.s32 @!p0 s5, $0x0  }
0x1f: {  	s9 =	smul.u32 $0xF7A, s1;
	s8 =	simm.s32 @!p0 $0x1BF5;
	p2 =	por !p2, p0  }
0x20: {  	[sflag:s8] =	ssyncset.s32 @!p0 $0xFFFFF086;
	s6 =	sadd.s32 @!p0 s3, s7;
	s7 =	simm.s32 @!p0 $0x108  }
0x21: {  	s3 =	sadd.s32 s3, s9;
	s6 =	sadd.s32 @!p0 $0x88, s6;
	s7 =	simm.s32 @p2 $0x1082  }
0x22: {  	[simem:s7], [sflag:s8] =	dma.local @!p0 [hbm:s6], $0xF7A  }
0x23: {  	s9 =	sor.u32 $0xD0000000, s2;
	s6 =	simm.s32 $0x108;
	_ =	swait.ge @!p0 [sflag:s8], $0x0  }
0x24: {  	s3 =	sadd.s32 $0x88, s3;
	s6 =	simm.s32 @!p1 $0x1082;
	[sflag:s4] =	ssyncset.s32 $0xFFFFF086  }
0x25: {  	[simem:s6], [sflag:s4] =	dma.local [hbm:s3], $0xF7A  }
0x26: {  	[smem:$0x3F9E] =	sst s1;
	(tag) =	ssettag s2;
	_ =	strace s9  }
0x27: {  	s1 =	sld [smem:$0x3FAE]  }
0x28: {  	s2 =	sld [smem:$0x3FAF]  }
0x29: {  	s4 =	sld [smem:$0x3FB1]  }
0x2a: {  	p0 =	seq.s32 s5, $0x0;
	s5 =	sld [smem:$0x3FB2]  }
0x2b: {  	s6 =	sld [smem:$0x3FB3]  }
0x2c: {  	s7 =	sld [smem:$0x3FB4]  }
0x2d: {  	s3 =	simm.s32 $0x108;
	s8 =	sld [smem:$0x3FB5]  }
0x2e: {  	s3 =	simm.s32 @!p0 $0x1082;
	s9 =	sld [smem:$0x3FB6]  }
0x2f: {  	lr =	sadd.s32 s0, s3;
	s0 =	sld [smem:$0x3FAD]  }
0x30: {  	s3 =	sld [smem:$0x3FB0]  }
0x31: {  	[smem:$0x3FB9] =	sst s10  }
0x32: {  	s10 =	sld [smem:$0x3FB7];
	_ =	sdelay $0x3  }
0x33: {  	p0 =	seq.s32 s10, $0x1;
	s10 =	sld [smem:$0x3FB9];
	_ =	sdelay $0x3  }
0x34: {  	[smem:$0x3FB9] =	sst s10  }
0x35: {  	s10 =	sld [smem:$0x3FB8];
	_ =	sdelay $0x3  }
0x36: {  	p1 =	seq.s32 s10, $0x1;
	s10 =	sld [smem:$0x3FB9];
	_ =	sdelay $0x3  }
0x37: {  	[smem:$0x3FB9] =	sst s10  }
0x38: {  	s10 =	sld [smem:$0x3FBA]  }
0x39: {  	_ = 	snop;
	(pc) =	sbr.ind lr, $3  }
0x3a: {  	_ = 	snop  }
0x3b: {  	_ = 	snop  }
0x3c: {  	p2 =	seq.s32 s10, $0x1;
	s10 =	sld [smem:$0x3FB9]  }
0x3d: {  	_ =	shalt  }
0x3e: {  	_ =	shalt  }
0x3f: {  	_ =	shalt  }
0x40: {  	_ =	shalt  }
0x41: {  	_ =	shalt  }
0x42: {  	_ =	shalt  }
0x43: {  	_ =	shalt  }
0x44: {  	_ =	shalt  }
0x45: {  	_ =	shalt  }
0x46: {  	_ =	shalt  }
0x47: {  	_ =	shalt  }
0x48: {  	_ =	shalt  }
0x49: {  	_ =	shalt  }
0x4a: {  	_ =	shalt  }
0x4b: {  	_ =	shalt  }
0x4c: {  	_ =	shalt  }
0x4d: {  	_ =	shalt  }
0x4e: {  	_ =	shalt  }
0x4f: {  	_ =	shalt  }
0x50: {  	_ =	shalt  }
0x51: {  	_ =	shalt  }
0x52: {  	_ =	shalt  }
0x53: {  	_ =	shalt  }
0x54: {  	_ =	shalt  }
0x55: {  	_ =	shalt  }
0x56: {  	_ =	shalt  }
0x57: {  	_ =	shalt  }
0x58: {  	_ =	shalt  }
0x59: {  	_ =	shalt  }
0x5a: {  	_ =	shalt  }
0x5b: {  	_ =	shalt  }
0x5c: {  	_ =	shalt  }
0x5d: {  	_ =	shalt  }
0x5e: {  	_ =	shalt  }
0x5f: {  	_ =	shalt  }
0x60: {  	_ =	shalt  }
0x61: {  	_ =	shalt  }
0x62: {  	_ =	shalt  }
0x63: {  	_ =	shalt  }
0x64: {  	_ =	shalt  }
0x65: {  	_ =	shalt  }
0x66: {  	_ =	shalt  }
0x67: {  	_ =	shalt  }
0x68: {  	_ =	shalt  }
0x69: {  	_ =	shalt  }
0x6a: {  	_ =	shalt  }
0x6b: {  	_ =	shalt  }
0x6c: {  	_ =	shalt  }
0x6d: {  	_ =	shalt  }
0x6e: {  	_ =	shalt  }
0x6f: {  	_ =	shalt  }
0x70: {  	_ =	shalt  }
0x71: {  	_ =	shalt  }
0x72: {  	_ =	shalt  }
0x73: {  	_ =	shalt  }
0x74: {  	_ =	shalt  }
0x75: {  	_ =	shalt  }
0x76: {  	_ =	shalt  }
0x77: {  	_ =	shalt  }
0x78: {  	_ =	shalt  }
0x79: {  	_ =	shalt  }
0x7a: {  	_ =	shalt  }
0x7b: {  	_ =	shalt  }
0x7c: {  	_ =	shalt  }
0x7d: {  	_ =	shalt  }
0x7e: {  	_ =	shalt  }
0x7f: {  	_ =	shalt  }
0x80: {  	_ =	shalt  }
0x81: {  	_ =	shalt  }
0x82: {  	_ =	shalt  }
0x83: {  	_ =	shalt  }
0x84: {  	_ =	shalt  }
0x85: {  	_ =	shalt  }
0x86: {  	_ =	shalt  }
0x87: {  	_ =	shalt  }
.Lfunc_end0:
.L_simem_size_0:
called_computation.2_lowered:
.L_overlay_start_0:
0x88: {  	s2 =	sld [smem:$0x3FD9]  }
0x89: {  	s3 =	sld [smem:$0x3FFE];
	_ =	sdelay $0x1  }
0x8a: {  	s1 =	srdreg.scid  }
0x8b: {  	s0 =	sand.u32 $0x1, s1  }
0x8c: {  	s17 =	sshll.u32 s0, $0xA;
	s2 =	sadd.s32 s3, s2  }
0x8d: {  	s2 =	sadd.s32 s2, s17  }
0x8e: {  	[smem:$0x3FC5] =	sst s2  }
0x8f: {  	_ = 	snop  }
0x90: {  	s2 =	sld [smem:$0x3FC7];
	(tm) =	ssettm $0x1  }
0x91: {  	s18 =	sld [smem:$0x3FFB];
	_ =	sdelay $0x3  }
0x92: {  	_ =	strace s18  }
0x93: {  	s3 =	sld [smem:$0x3FFC];
	_ =	sdelay $0x3  }
0x94: {  	_ =	strace s3  }
0x95: {  	s3 =	sld [smem:$0x3FFD];
	_ =	sdelay $0x3  }
0x96: {  	_ =	strace s3  }
0x97: {  	_ =	strace $0x8FFFFFFF  }
0x98: {  	s19 =	sld [smem:$0x3FDB];
	_ =	sdelay $0x1  }
0x99: {  	s4 =	simm.s32 $_scs_section_size  }
0x9a: {  	s5 =	simm.s32 $_size__tile_overlayer_lowered;
	s6 =	simm.s32 $_tile_overlayer_lowered  }
0x9b: {  	s22 =	simm.s32 $0x1BFF;
	s21 =	sshll.u32 s6, $0x1;
	s3 =	sadd.s32 s4, s19  }
0x9c: {  	s7 =	simm.s32 $0x0;
	s20 =	sshll.u32 s5, $0x1;
	s5 =	sadd.s32 s21, s3  }
0x9d: {  	[timem:s7], [sflag:s22] =	dma.local [hbm:s5], s20  }
0x9e: {  	_ =	swait.ge [sflag:s22], s20  }
0x9f: {  	s4 =	ssub.s32 $0x0, s20;
	[sflag:s22] =	ssyncset.done $0x0  }
0xa0: {  	[sflag:s22] =	ssyncadd.s32 s4;
	_ =	sdelay $0x1  }
0xa1: {  	s23 =	simm.s32 $0x1B8B  }
0xa2: {  	_ =	swait.ge [sflag:s23], $0x1  }
0xa3: {  	[sflag:s23] =	ssyncset.done $0x0  }
0xa4: {  	s25 =	simm.s32 $0x1B8E;
	s24 =	sld [smem:$0x3FFE];
	[sflag:s23] =	ssyncadd.s32 $0xFFFFFFFF  }
0xa5: {  	s26 =	simm.s32 $execute0_lowered;
	[smem:$0x3FD2] =	sst s25  }
0xa6: {  	s5 =	sshll.u32 s26, $0x1;
	_ =	strace $0x80000046;
	[dreg:$0x1] =	wrdreg $0xFFFFFFFF  }
0xa7: {  	s28 =	simm.s32 $_size_execute0_lowered;
	s3 =	sadd.s32 s3, s5;
	[dreg:$0x0] =	wrdreg $0x0  }
0xa8: {  	s5 =	sshll.u32 s28, $0x1;
	[dreg:$0x2] =	wrdreg s3  }
0xa9: {  	[dreg:$0x3] =	wrdreg s5  }
0xaa: {  	[dreg:$0x4] =	wrdreg $0xC0  }
0xab: {  	_ =	task [dreg:s7], $0x5FFFF  }
0xac: {  	[dreg:$0x1] =	wrdreg $0xFFFFFFFF  }
0xad: {  	[dreg:$0x0] =	wrdreg $0x60  }
0xae: {  	[dreg:$0x2] =	wrdreg s24  }
0xaf: {  	[dreg:$0x3] =	wrdreg s2  }
0xb0: {  	[dreg:$0x4] =	wrdreg $0x9  }
0xb1: {  	_ =	task.clear_ibuf [dreg:s7], $0x5FFFF;
	_ =	strace $0x90000046  }
0xb2: {  	s29 =	simm.s32 $0x9;
	_ =	strace $0x80000048  }
0xb3: {  	_ =	swait.ge [sflag:s29], $0x1  }
0xb4: {  	[sflag:s29] =	ssyncadd.s32 $0xFFFFFFFF  }
0xb5: {  	_ =	strace $0x90000048  }
0xb6: {  	_ =	sfence  }
0xb7: {  	s30 =	sld [smem:$0x0];
	_ =	sdelay $0x2  }
0xb8: {  	s31 =	sshll.u32 s1, $0xD;
	s1 =	sshrl.u32 s1, $0x2  }
0xb9: {  	s3 =	sand.u32 $0x4000, s31;
	s1 =	sadd.s32 s1, s30  }
0xba: {  	s0 =	sor.u32 s3, s0;
	s1 =	sshll.u32 s1, $0x11  }
0xbb: {  	s0 =	sor.u32 s1, s0  }
0xbc: {  	s0 =	sadd.s32 $0x8F2B, s0  }
0xbd: {  	[sflag:s0] =	ssyncadd.remote.s32 $0x1  }
0xbe: {  	_ =	sfence.sel $0xFFFF  }
0xbf: {  	[dreg:$0x0] =	wrdreg $0xFFFFFFFF;
	(pc) =	sbr.abs _section_cstart, $3  }
0xc0: {  	[dreg:$0x1] =	wrdreg $0xFFFFFFFF  }
0xc1: {  	_ =	task.clear_ibuf [dreg:s7], $0x2FFFF;
	_ =	strace $0x9FFFFFFF  }
0xc2: {  	(tm) =	ssettm $0x7FFFFFFF  }
0xc3: {  	_ =	shalt  }
tec
execute0_lowered:
.L_overlay_start_1:
0x0: {  	(tag) =	ssettag $0x1  }
0x1: {  	s4 =	rddreg [dreg:$0x0]  }
0x2: {  	s1 =	rddreg [dreg:$0x1]  }
0x3: {  	s0 =	rddreg [dreg:$0x2];
	s2 =	simm.s32 $0x0  }
0x4: {  	s5 =	srdreg.scid;
	s3 =	stileid.u32;
	s14 =	simm.s32 $0x100  }
0x5: {  	s15 =	simm.s32 $0x4100;
	s16 =	simm.s32 $0x1;
	s17 =	simm.s32 $0x3  }
0x6: {  	s18 =	simm.s32 $0x2;
	s19 =	simm.s32 $0x0;
	[smem:$0x7FF] =	sst s2  }
0x7: {  	s11 =	sadd.s32 $0x12000, s4;
	s9 =	sand.u32 $0x1, s5;
	s6 =	sshll.u32 s3, $0xC  }
0x8: {  	s10 =	sadd.s32 $0x14000, s4;
	s30 =	sshll.u32 s3, $0x10;
	s5 =	ssub.s32 $0x2, s9  }
0x9: {  	_ =	strace $0x80000047;
	s7 =	sshll.u32 s9, $0xB;
	s26 =	sshrl.u32 s5, $0x1  }
0xa: {  	s9 =	sshll.u32 s9, $0xF;
	s12 =	sor.u32 s7, s6;
	s5 =	ssub.s32 s5, s26  }
0xb: {  	s28 =	sshrl.u32 s12, $0x3;
	s8 =	sor.u32 $0x780, s12;
	s6 =	sshll.u32 s12, $0x4  }
0xc: {  	s31 =	sor.u32 $0x80, s12;
	s12 =	sor.u32 $0x100, s12;
	s4 =	sadd.s32 s11, s28  }
0xd: {  	s29 =	sshrl.u32 s8, $0x3;
	s13 =	sadd.s32 s10, s6;
	s5 =	smax.u32 s5, $0x1  }
0xe: {  	s8 =	sshll.u32 s8, $0x4;
	s12 =	sshrl.u32 s12, $0x3;
	s7 =	sadd.s32 $0x7000, s13  }
0xf: {  	s8 =	sadd.s32 s10, s8;
	s10 =	sadd.s32 s30, s10;
	s13 =	sshrl.u32 s31, $0x3  }
0x10: {  	s6 =	sadd.s32 s11, s29;
	s9 =	sadd.s32 s9, s10;
	s10 =	sadd.s32 s13, s11  }
0x11: {  	s11 =	sadd.s32 s12, s11;
	s12 =	simm.s32 $0x4;
	s13 =	simm.s32 $0x80  }
.LBB2_1:
0x12: {  	[tilespmem:s2], [sflag:$0x4] =	stream.linear.gather [hbm4b:s4+s2], $0x80, $0x38;
	[tilespmem:$0x8100] =	vst v63  }
0x13: {  	_ =	swait.ge [sflag:s12], $0x80  }
0x14: {  	[sflag:s12] =	ssyncset.done $0x0  }
0x15: {  	[sflag:s12] =	ssyncadd.s32 $0xFFFFFF80  }
0x16: {  	[tilespmem:s14], [sflag:$0x1] =	stream.indirect.gather [hbm4b:s1+s13], $0x80, s2, s13, $0xb8;
	[tilespmem:$0x8100] =	vst v63  }
0x17: {  	s20 =	sadd.s32 $0x0, s10  }
0x18: {  	[tilespmem:s13], [sflag:$0x4] =	stream.linear.gather [hbm4b:s20+s2], $0x80, $0x38;
	[tilespmem:$0x8100] =	vst v63  }
0x19: {  	_ =	swait.ge [sflag:s12], $0x80  }
0x1a: {  	[sflag:s12] =	ssyncset.done $0x0  }
0x1b: {  	[sflag:s12] =	ssyncadd.s32 $0xFFFFFF80  }
0x1c: {  	[tilespmem:s15], [sflag:$0x2] =	stream.indirect.gather [hbm4b:s1+s13], $0x80, s13, s13, $0xb8;
	[tilespmem:$0x8100] =	vst v63  }
0x1d: {  	_ =	swait.ge [sflag:s16], $0x4000  }
0x1e: {  	[sflag:s16] =	ssyncset.done $0x0  }
0x1f: {  	[sflag:s16] =	ssyncadd.s32 $0xFFFFC000  }
0x20: {  	[hbm4b:s9+s2] =	stream.linear.scatter [tilespmem:s14], [sflag:$0x3], $0x4000, $0x38;
	[tilespmem:$0x8100] =	vst v63  }
0x21: {  	_ =	swait.ge [sflag:s17], $0x4000  }
0x22: {  	[sflag:s17] =	ssyncset.done $0x0  }
0x23: {  	s30 =	sadd.s32 $0x0, s11;
	[sflag:s17] =	ssyncadd.s32 $0xFFFFC000  }
0x24: {  	[tilespmem:s2], [sflag:$0x4] =	stream.linear.gather [hbm4b:s30+s2], $0x80, $0x38;
	[tilespmem:$0x8100] =	vst v63  }
0x25: {  	_ =	swait.ge [sflag:s12], $0x80  }
0x26: {  	[sflag:s12] =	ssyncset.done $0x0  }
0x27: {  	[sflag:s12] =	ssyncadd.s32 $0xFFFFFF80  }
0x28: {  	[tilespmem:s14], [sflag:$0x1] =	stream.indirect.gather [hbm4b:s1+s13], $0x80, s2, s13, $0xb8;
	[tilespmem:$0x8100] =	vst v63  }
0x29: {  	_ =	swait.ge [sflag:s18], $0x4000  }
0x2a: {  	[sflag:s18] =	ssyncset.done $0x0  }
0x2b: {  	s31 =	sadd.s32 $0x800, s9;
	[sflag:s18] =	ssyncadd.s32 $0xFFFFC000  }
0x2c: {  	[hbm4b:s31+s2] =	stream.linear.scatter [tilespmem:s15], [sflag:$0x3], $0x4000, $0x38;
	[tilespmem:$0x8100] =	vst v63  }
0x2d: {  	s21 =	simm.s32 $0x20;
	_ =	swait.ge [sflag:s17], $0x4000  }
0x2e: {  	s22 =	simm.s32 $0x40;
	s20 =	sadd.s32 $0x1000, s9;
	[sflag:s17] =	ssyncset.done $0x0  }
.LBB2_2:
0x2f: {  	s23 =	sadd.s32 s21, s10  }
0x30: {  	[sflag:s17] =	ssyncadd.s32 $0xFFFFC000;
	s24 =	smov.u32 s22;
	s25 =	sadd.s32 $0x20, s22  }
0x31: {  	[tilespmem:s13], [sflag:$0x4] =	stream.linear.gather [hbm4b:s23+s2], $0x80, $0x38;
	[tilespmem:$0x8100] =	vst v63  }
0x32: {  	p0 =	sne.s32 s22, $0xC0;
	_ =	swait.ge [sflag:s12], $0x80  }
0x33: {  	[sflag:s12] =	ssyncset.done $0x0  }
0x34: {  	[sflag:s12] =	ssyncadd.s32 $0xFFFFFF80  }
0x35: {  	[tilespmem:s15], [sflag:$0x2] =	stream.indirect.gather [hbm4b:s1+s13], $0x80, s13, s13, $0xb8;
	[tilespmem:$0x8100] =	vst v63  }
0x36: {  	_ =	swait.ge [sflag:s16], $0x4000  }
0x37: {  	[sflag:s16] =	ssyncset.done $0x0  }
0x38: {  	[sflag:s16] =	ssyncadd.s32 $0xFFFFC000  }
0x39: {  	[hbm4b:s20+s2] =	stream.linear.scatter [tilespmem:s14], [sflag:$0x3], $0x4000, $0x38;
	[tilespmem:$0x8100] =	vst v63  }
0x3a: {  	_ =	swait.ge [sflag:s17], $0x4000  }
0x3b: {  	[sflag:s17] =	ssyncset.done $0x0  }
0x3c: {  	s22 =	sadd.s32 s21, s11;
	s21 =	smov.u32 s24;
	[sflag:s17] =	ssyncadd.s32 $0xFFFFC000  }
0x3d: {  	[tilespmem:s2], [sflag:$0x4] =	stream.linear.gather [hbm4b:s22+s2], $0x80, $0x38;
	[tilespmem:$0x8100] =	vst v63  }
0x3e: {  	_ =	swait.ge [sflag:s12], $0x80  }
0x3f: {  	[sflag:s12] =	ssyncset.done $0x0  }
0x40: {  	[sflag:s12] =	ssyncadd.s32 $0xFFFFFF80  }
0x41: {  	[tilespmem:s14], [sflag:$0x1] =	stream.indirect.gather [hbm4b:s1+s13], $0x80, s2, s13, $0xb8;
	[tilespmem:$0x8100] =	vst v63  }
0x42: {  	_ =	swait.ge [sflag:s18], $0x4000  }
.Ltmp0:
0x43: {  	[sflag:s18] =	ssyncset.done $0x0;
	(pc) =	sbr.rel @p0 .LBB2_2-.Ltmp0, $4  }
0x44: {  	s22 =	sadd.s32 $0x800, s20;
	[sflag:s18] =	ssyncadd.s32 $0xFFFFC000  }
0x45: {  	[hbm4b:s22+s2] =	stream.linear.scatter [tilespmem:s15], [sflag:$0x3], $0x4000, $0x38;
	[tilespmem:$0x8100] =	vst v63  }
0x46: {  	_ =	swait.ge [sflag:s17], $0x4000  }
0x47: {  	s20 =	sadd.s32 $0x1000, s20;
	s22 =	smov.u32 s25;
	[sflag:s17] =	ssyncset.done $0x0  }
0x48: {  	s22 =	sadd.s32 s21, s10;
	[sflag:s17] =	ssyncadd.s32 $0xFFFFC000  }
0x49: {  	[tilespmem:s13], [sflag:$0x4] =	stream.linear.gather [hbm4b:s22+s2], $0x80, $0x38;
	[tilespmem:$0x8100] =	vst v63  }
0x4a: {  	_ =	swait.ge [sflag:s12], $0x80  }
0x4b: {  	[sflag:s12] =	ssyncset.done $0x0  }
0x4c: {  	[sflag:s12] =	ssyncadd.s32 $0xFFFFFF80  }
0x4d: {  	[tilespmem:s15], [sflag:$0x2] =	stream.indirect.gather [hbm4b:s1+s13], $0x80, s13, s13, $0xb8;
	[tilespmem:$0x8100] =	vst v63  }
0x4e: {  	_ =	swait.ge [sflag:s16], $0x4000  }
0x4f: {  	[sflag:s16] =	ssyncset.done $0x0  }
0x50: {  	[sflag:s16] =	ssyncadd.s32 $0xFFFFC000  }
0x51: {  	[hbm4b:s20+s2] =	stream.linear.scatter [tilespmem:s14], [sflag:$0x3], $0x4000, $0x38;
	[tilespmem:$0x8100] =	vst v63  }
0x52: {  	_ =	swait.ge [sflag:s17], $0x4000  }
0x53: {  	[sflag:s17] =	ssyncset.done $0x0  }
0x54: {  	s30 =	sadd.s32 s21, s11;
	[sflag:s17] =	ssyncadd.s32 $0xFFFFC000  }
0x55: {  	[tilespmem:s2], [sflag:$0x4] =	stream.linear.gather [hbm4b:s30+s2], $0x80, $0x38;
	[tilespmem:$0x8100] =	vst v63  }
0x56: {  	_ =	swait.ge [sflag:s12], $0x80  }
0x57: {  	[sflag:s12] =	ssyncset.done $0x0  }
0x58: {  	[sflag:s12] =	ssyncadd.s32 $0xFFFFFF80  }
0x59: {  	[tilespmem:s14], [sflag:$0x1] =	stream.indirect.gather [hbm4b:s1+s13], $0x80, s2, s13, $0xb8;
	[tilespmem:$0x8100] =	vst v63  }
0x5a: {  	_ =	swait.ge [sflag:s18], $0x4000  }
0x5b: {  	[sflag:s18] =	ssyncset.done $0x0  }
0x5c: {  	s31 =	sadd.s32 $0x800, s20;
	[sflag:s18] =	ssyncadd.s32 $0xFFFFC000  }
0x5d: {  	[hbm4b:s31+s2] =	stream.linear.scatter [tilespmem:s15], [sflag:$0x3], $0x4000, $0x38;
	[tilespmem:$0x8100] =	vst v63  }
0x5e: {  	_ =	swait.ge [sflag:s17], $0x4000  }
0x5f: {  	[sflag:s17] =	ssyncset.done $0x0  }
0x60: {  	[sflag:s17] =	ssyncadd.s32 $0xFFFFC000  }
0x61: {  	[tilespmem:s13], [sflag:$0x4] =	stream.linear.gather [hbm4b:s6+s2], $0x80, $0x38;
	[tilespmem:$0x8100] =	vst v63  }
0x62: {  	_ =	swait.ge [sflag:s12], $0x80  }
0x63: {  	[sflag:s12] =	ssyncset.done $0x0  }
0x64: {  	[sflag:s12] =	ssyncadd.s32 $0xFFFFFF80  }
0x65: {  	[tilespmem:s15], [sflag:$0x2] =	stream.indirect.gather [hbm4b:s1+s13], $0x80, s13, s13, $0xb8;
	[tilespmem:$0x8100] =	vst v63  }
0x66: {  	_ =	swait.ge [sflag:s16], $0x4000  }
0x67: {  	[sflag:s16] =	ssyncset.done $0x0  }
0x68: {  	[sflag:s16] =	ssyncadd.s32 $0xFFFFC000  }
0x69: {  	[hbm4b:s7+s2] =	stream.linear.scatter [tilespmem:s14], [sflag:$0x3], $0x4000, $0x38;
	[tilespmem:$0x8100] =	vst v63  }
0x6a: {  	_ =	swait.ge [sflag:s17], $0x4000  }
0x6b: {  	[sflag:s17] =	ssyncset.done $0x0  }
0x6c: {  	[sflag:s17] =	ssyncadd.s32 $0xFFFFC000  }
0x6d: {  	s19 =	sadd.s32 $0x1, s19;
	_ =	swait.ge [sflag:s18], $0x4000  }
0x6e: {  	p0 =	sne.s32 s19, s5;
	[sflag:s18] =	ssyncset.done $0x0  }
.Ltmp1:
0x6f: {  	[sflag:s18] =	ssyncadd.s32 $0xFFFFC000;
	(pc) =	sbr.rel @p0 .LBB2_1-.Ltmp1, $4  }
0x70: {  	[hbm4b:s8+s2] =	stream.linear.scatter [tilespmem:s15], [sflag:$0x3], $0x4000, $0x38;
	[tilespmem:$0x8100] =	vst v63  }
0x71: {  	_ =	swait.ge [sflag:s17], $0x4000  }
0x72: {  	[sflag:s17] =	ssyncset.done $0x0  }
0x73: {  	[sflag:s17] =	ssyncadd.s32 $0xFFFFC000  }
0x74: {  	_ =	sfence.sel $0x180000  }
0x75: {  	[bflag:$0x0] =	sbarrier.arrive $0xFFFF  }
0x76: {  	p0 =	sne.s32 s3, $0x0;
	_ =	strace $0x90000047  }
0x77: {  	s0 =	sadd.s32 @!p0 $0x100000, s0;
	[bflag:$0x2] =	sbarrier.arrive $0xFFFF  }
0x78: {  	[sflag:s0] =	ssyncadd.tile.s32 @!p0 $0x1;
	_ =	shalt  }
.Lfunc_end2:
_tile_overlayer_lowered:
.L_overlay_start_2:
0x79: {  	(tag) =	ssettag $0x2  }
0x7a: {  	s0 =	rddreg [dreg:$0x0];
	s2 =	stileid.u32  }
0x7b: {  	s1 =	rddreg [dreg:$0x1];
	p0 =	sne.s32 s2, $0x0  }
0x7c: {  	s3 =	rddreg [dreg:$0x2];
	[bflag:$0x3] =	sbarrier.arrive $0xFFFF;
	s2 =	simm.s32 @!p0 $0x1C04  }
0x7d: {  	[timem:s3], [sflag:s2] =	dma.local @!p0 [hbm:s0], s1  }
0x7e: {  	s0 =	simm.s32 @!p0 $0x4  }
0x7f: {  	_ =	swait.ge @!p0 [sflag:s0], s1  }
0x80: {  	s1 =	ssub.s32 @!p0 $0x0, s1;
	[sflag:s0] =	ssyncset.done @!p0 $0x0  }
0x81: {  	[sflag:s0] =	ssyncadd.s32 @!p0 s1  }
0x82: {  	[bflag:$0x3] =	sbarrier.arrive $0xFFFF  }
0x83: {  	_ =	shalt  }

// kernel: kernel.9.cloned.1.call-start
scs
__scs_entry_jumppad:
0x0: {  	(pc) =	sbr.rel $0x88, $3  }
0x1: {  	(tag) =	ssettag $0x0;
	lr =	simm.s32 $0x1  }
0x2: {  	[smem:$0x3F9E] =	sst lr;
	_ =	strace $0xD0000000  }
0x3: {  	_ = 	snop  }
0x4: {  	_ = 	snop  }
0x5: {  	_ = 	snop  }
0x6: {  	_ = 	snop  }
0x7: {  	_ = 	snop  }
__scs_overlays_trampoline_lowered:
0x8: {  	[smem:$0x3FAD] =	sst s0  }
0x9: {  	[smem:$0x3FAE] =	sst s1  }
0xa: {  	[smem:$0x3FAF] =	sst s2  }
0xb: {  	[smem:$0x3FB0] =	sst s3  }
0xc: {  	[smem:$0x3FB1] =	sst s4  }
0xd: {  	[smem:$0x3FB2] =	sst s5  }
0xe: {  	[smem:$0x3FB3] =	sst s6  }
0xf: {  	[smem:$0x3FB4] =	sst s7  }
0x10: {  	[smem:$0x3FB5] =	sst s8  }
0x11: {  	[smem:$0x3FB6] =	sst s9;
	s0 =	simm.s32 @!p0 $0x0  }
0x12: {  	s1 =	sld [smem:$0x3F9C];
	s0 =	simm.s32 @p0 $0x1  }
0x13: {  	[smem:$0x3FB7] =	sst s0;
	s0 =	simm.s32 @!p1 $0x0  }
0x14: {  	s2 =	sld [smem:$0x3F9B];
	s0 =	simm.s32 @p1 $0x1  }
0x15: {  	[smem:$0x3FB8] =	sst s0;
	s0 =	simm.s32 @!p2 $0x0  }
0x16: {  	s3 =	sld [smem:$0x3FDB];
	s0 =	simm.s32 @p2 $0x1  }
0x17: {  	s4 =	simm.s32 $0x1BF5;
	[smem:$0x3FBA] =	sst s0  }
0x18: {  	s0 =	sld [smem:$0x3F9D];
	_ =	swait.ge [sflag:s4], $0x0  }
0x19: {  	s7 =	sld [smem:$0x3F9E]  }
0x1a: {  	s8 =	sadd.s32 $0xFFFFE003, lr  }
0x1b: {  	s9 =	sadd.s32 $0xFFFFFEF7, lr;
	s5 =	simm.s32 $0xFFFFFFFF;
	p2 =	slt.u32 s8, $0xFFFFF086  }
0x1c: {  	p1 =	slt.u32 s9, $0xF7A;
	s5 =	simm.s32 @!p2 $0x0  }
0x1d: {  	s5 =	simm.s32 @p1 $0x1;
	p0 =	seq.s32 s7, s2  }
0x1e: {  	s7 =	smul.u32 @!p0 $0xF7A, s2;
	p2 =	seq.s32 @!p0 s5, $0x0  }
0x1f: {  	s9 =	smul.u32 $0xF7A, s1;
	s8 =	simm.s32 @!p0 $0x1BF5;
	p2 =	por !p2, p0  }
0x20: {  	[sflag:s8] =	ssyncset.s32 @!p0 $0xFFFFF086;
	s6 =	sadd.s32 @!p0 s3, s7;
	s7 =	simm.s32 @!p0 $0x108  }
0x21: {  	s3 =	sadd.s32 s3, s9;
	s6 =	sadd.s32 @!p0 $0x88, s6;
	s7 =	simm.s32 @p2 $0x1082  }
0x22: {  	[simem:s7], [sflag:s8] =	dma.local @!p0 [hbm:s6], $0xF7A  }
0x23: {  	s9 =	sor.u32 $0xD0000000, s2;
	s6 =	simm.s32 $0x108;
	_ =	swait.ge @!p0 [sflag:s8], $0x0  }
0x24: {  	s3 =	sadd.s32 $0x88, s3;
	s6 =	simm.s32 @!p1 $0x1082;
	[sflag:s4] =	ssyncset.s32 $0xFFFFF086  }
0x25: {  	[simem:s6], [sflag:s4] =	dma.local [hbm:s3], $0xF7A  }
0x26: {  	[smem:$0x3F9E] =	sst s1;
	(tag) =	ssettag s2;
	_ =	strace s9  }
0x27: {  	s1 =	sld [smem:$0x3FAE]  }
0x28: {  	s2 =	sld [smem:$0x3FAF]  }
0x29: {  	s4 =	sld [smem:$0x3FB1]  }
0x2a: {  	p0 =	seq.s32 s5, $0x0;
	s5 =	sld [smem:$0x3FB2]  }
0x2b: {  	s6 =	sld [smem:$0x3FB3]  }
0x2c: {  	s7 =	sld [smem:$0x3FB4]  }
0x2d: {  	s3 =	simm.s32 $0x108;
	s8 =	sld [smem:$0x3FB5]  }
0x2e: {  	s3 =	simm.s32 @!p0 $0x1082;
	s9 =	sld [smem:$0x3FB6]  }
0x2f: {  	lr =	sadd.s32 s0, s3;
	s0 =	sld [smem:$0x3FAD]  }
0x30: {  	s3 =	sld [smem:$0x3FB0]  }
0x31: {  	[smem:$0x3FB9] =	sst s10  }
0x32: {  	s10 =	sld [smem:$0x3FB7];
	_ =	sdelay $0x3  }
0x33: {  	p0 =	seq.s32 s10, $0x1;
	s10 =	sld [smem:$0x3FB9];
	_ =	sdelay $0x3  }
0x34: {  	[smem:$0x3FB9] =	sst s10  }
0x35: {  	s10 =	sld [smem:$0x3FB8];
	_ =	sdelay $0x3  }
0x36: {  	p1 =	seq.s32 s10, $0x1;
	s10 =	sld [smem:$0x3FB9];
	_ =	sdelay $0x3  }
0x37: {  	[smem:$0x3FB9] =	sst s10  }
0x38: {  	s10 =	sld [smem:$0x3FBA]  }
0x39: {  	_ = 	snop;
	(pc) =	sbr.ind lr, $3  }
0x3a: {  	_ = 	snop  }
0x3b: {  	_ = 	snop  }
0x3c: {  	p2 =	seq.s32 s10, $0x1;
	s10 =	sld [smem:$0x3FB9]  }
0x3d: {  	_ =	shalt  }
0x3e: {  	_ =	shalt  }
0x3f: {  	_ =	shalt  }
0x40: {  	_ =	shalt  }
0x41: {  	_ =	shalt  }
0x42: {  	_ =	shalt  }
0x43: {  	_ =	shalt  }
0x44: {  	_ =	shalt  }
0x45: {  	_ =	shalt  }
0x46: {  	_ =	shalt  }
0x47: {  	_ =	shalt  }
0x48: {  	_ =	shalt  }
0x49: {  	_ =	shalt  }
0x4a: {  	_ =	shalt  }
0x4b: {  	_ =	shalt  }
0x4c: {  	_ =	shalt  }
0x4d: {  	_ =	shalt  }
0x4e: {  	_ =	shalt  }
0x4f: {  	_ =	shalt  }
0x50: {  	_ =	shalt  }
0x51: {  	_ =	shalt  }
0x52: {  	_ =	shalt  }
0x53: {  	_ =	shalt  }
0x54: {  	_ =	shalt  }
0x55: {  	_ =	shalt  }
0x56: {  	_ =	shalt  }
0x57: {  	_ =	shalt  }
0x58: {  	_ =	shalt  }
0x59: {  	_ =	shalt  }
0x5a: {  	_ =	shalt  }
0x5b: {  	_ =	shalt  }
0x5c: {  	_ =	shalt  }
0x5d: {  	_ =	shalt  }
0x5e: {  	_ =	shalt  }
0x5f: {  	_ =	shalt  }
0x60: {  	_ =	shalt  }
0x61: {  	_ =	shalt  }
0x62: {  	_ =	shalt  }
0x63: {  	_ =	shalt  }
0x64: {  	_ =	shalt  }
0x65: {  	_ =	shalt  }
0x66: {  	_ =	shalt  }
0x67: {  	_ =	shalt  }
0x68: {  	_ =	shalt  }
0x69: {  	_ =	shalt  }
0x6a: {  	_ =	shalt  }
0x6b: {  	_ =	shalt  }
0x6c: {  	_ =	shalt  }
0x6d: {  	_ =	shalt  }
0x6e: {  	_ =	shalt  }
0x6f: {  	_ =	shalt  }
0x70: {  	_ =	shalt  }
0x71: {  	_ =	shalt  }
0x72: {  	_ =	shalt  }
0x73: {  	_ =	shalt  }
0x74: {  	_ =	shalt  }
0x75: {  	_ =	shalt  }
0x76: {  	_ =	shalt  }
0x77: {  	_ =	shalt  }
0x78: {  	_ =	shalt  }
0x79: {  	_ =	shalt  }
0x7a: {  	_ =	shalt  }
0x7b: {  	_ =	shalt  }
0x7c: {  	_ =	shalt  }
0x7d: {  	_ =	shalt  }
0x7e: {  	_ =	shalt  }
0x7f: {  	_ =	shalt  }
0x80: {  	_ =	shalt  }
0x81: {  	_ =	shalt  }
0x82: {  	_ =	shalt  }
0x83: {  	_ =	shalt  }
0x84: {  	_ =	shalt  }
0x85: {  	_ =	shalt  }
0x86: {  	_ =	shalt  }
0x87: {  	_ =	shalt  }
.Lfunc_end0:
.L_simem_size_0:
called_computation.3_lowered:
.L_overlay_start_0:
0x88: {  	s2 =	sld [smem:$0x3FD9]  }
0x89: {  	s3 =	sld [smem:$0x3FFE];
	_ =	sdelay $0x1  }
0x8a: {  	s1 =	srdreg.scid  }
0x8b: {  	s0 =	sand.u32 $0x1, s1  }
0x8c: {  	s17 =	sshll.u32 s0, $0xA;
	s2 =	sadd.s32 s3, s2  }
0x8d: {  	s2 =	sadd.s32 s2, s17  }
0x8e: {  	[smem:$0x3FC5] =	sst s2  }
0x8f: {  	_ = 	snop  }
0x90: {  	s18 =	sld [smem:$0x3FC7]  }
0x91: {  	s4 =	sld [smem:$0x3FD0];
	(tm) =	ssettm $0x1  }
0x92: {  	s19 =	sld [smem:$0x3FFB];
	_ =	sdelay $0x3  }
0x93: {  	_ =	strace s19  }
0x94: {  	s2 =	sld [smem:$0x3FFC];
	_ =	sdelay $0x3  }
0x95: {  	_ =	strace s2  }
0x96: {  	s2 =	sld [smem:$0x3FFD];
	_ =	sdelay $0x3  }
0x97: {  	_ =	strace s2  }
0x98: {  	_ =	strace $0x8FFFFFFF  }
0x99: {  	s20 =	sld [smem:$0x3FDB];
	_ =	sdelay $0x1  }
0x9a: {  	s5 =	simm.s32 $_scs_section_size  }
0x9b: {  	s6 =	simm.s32 $_size__tile_overlayer_lowered;
	s7 =	simm.s32 $_tile_overlayer_lowered  }
0x9c: {  	s8 =	simm.s32 $0x1BFF;
	s21 =	sshll.u32 s7, $0x1;
	s5 =	sadd.s32 s5, s20  }
0x9d: {  	s22 =	simm.s32 $0x0;
	s6 =	sshll.u32 s6, $0x1;
	s7 =	sadd.s32 s21, s5  }
0x9e: {  	[timem:s22], [sflag:s8] =	dma.local [hbm:s7], s6  }
0x9f: {  	_ =	swait.ge [sflag:s8], s6  }
0xa0: {  	s6 =	ssub.s32 $0x0, s6;
	[sflag:s8] =	ssyncset.done $0x0  }
0xa1: {  	[sflag:s8] =	ssyncadd.s32 s6;
	_ =	sdelay $0x1  }
0xa2: {  	s23 =	simm.s32 $0x1B8B  }
0xa3: {  	_ =	swait.ge [sflag:s23], $0x1  }
0xa4: {  	[sflag:s23] =	ssyncset.done $0x0  }
0xa5: {  	[sflag:s23] =	ssyncadd.s32 $0xFFFFFFFF  }
0xa6: {  	s6 =	sld [smem:$0x0]  }
0xa7: {  	s7 =	sand.u32 $0xFFFFFFFE, s1  }
0xa8: {  	p0 =	sne.s32 s1, s7  }
0xa9: {  	s7 =	sshll.u32 @p0 s7, $0xE  }
0xaa: {  	s7 =	sadd.s32 @p0 $0x11B8D, s7;
	s8 =	sshll.u32 @p0 s6, $0x11  }
0xab: {  	s7 =	sor.u32 @p0 s8, s7  }
0xac: {  	[sflag:s7] =	ssyncadd.remote.s32 @p0 $0x1;
	_ =	sdelay $0x1  }
0xad: {  	s7 =	simm.s32 @p0 $0x1B8D  }
0xae: {  	_ =	swait.eq @p0 [sflag:s7], $0x1  }
0xaf: {  	[sflag:s7] =	ssyncadd.s32 @p0 $0xFFFFFFFF  }
0xb0: {  	s8 =	sshll.u32 @!p0 s1, $0xE  }
0xb1: {  	s8 =	sor.u32 @!p0 $0x4000, s8;
	s7 =	simm.s32 @!p0 $0x1B8D  }
0xb2: {  	s6 =	sshll.u32 @!p0 s6, $0x11;
	s8 =	sadd.s32 @!p0 $0x11B8D, s8;
	_ =	swait.eq @!p0 [sflag:s7], $0x1  }
0xb3: {  	s6 =	sor.u32 @!p0 s6, s8;
	[sflag:s7] =	ssyncadd.s32 @!p0 $0xFFFFFFFF  }
0xb4: {  	s25 =	simm.s32 $0x1B8E;
	s24 =	sld [smem:$0x3FFE];
	[sflag:s6] =	ssyncadd.remote.s32 @!p0 $0x1  }
0xb5: {  	s26 =	simm.s32 $execute0_lowered;
	[smem:$0x3FD2] =	sst s25  }
0xb6: {  	s7 =	sshll.u32 s26, $0x1;
	_ =	strace $0x80000049;
	[dreg:$0x1] =	wrdreg $0xFFFFFFFF  }
0xb7: {  	s28 =	simm.s32 $_size_execute0_lowered;
	s5 =	sadd.s32 s5, s7;
	[dreg:$0x0] =	wrdreg $0x0  }
0xb8: {  	s7 =	sshll.u32 s28, $0x1;
	[dreg:$0x2] =	wrdreg s5  }
0xb9: {  	[dreg:$0x3] =	wrdreg s7  }
0xba: {  	[dreg:$0x4] =	wrdreg $0xC0  }
0xbb: {  	_ =	task [dreg:s22], $0x5FFFF  }
0xbc: {  	[dreg:$0x1] =	wrdreg $0xFFFFFFFF  }
0xbd: {  	[dreg:$0x0] =	wrdreg $0x60  }
0xbe: {  	[dreg:$0x2] =	wrdreg s24  }
0xbf: {  	[dreg:$0x3] =	wrdreg s18  }
0xc0: {  	[dreg:$0x4] =	wrdreg s4  }
0xc1: {  	[dreg:$0x5] =	wrdreg $0xA  }
0xc2: {  	_ =	task.clear_ibuf [dreg:s22], $0x6FFFF;
	_ =	strace $0x90000049  }
0xc3: {  	s29 =	simm.s32 $0xA;
	_ =	strace $0x8000004B  }
0xc4: {  	_ =	swait.ge [sflag:s29], $0x1  }
0xc5: {  	[sflag:s29] =	ssyncadd.s32 $0xFFFFFFFF  }
0xc6: {  	_ =	strace $0x9000004B  }
0xc7: {  	_ =	sfence  }
0xc8: {  	s30 =	sld [smem:$0x0];
	_ =	sdelay $0x2  }
0xc9: {  	s31 =	sshll.u32 s1, $0xD;
	s1 =	sshrl.u32 s1, $0x2  }
0xca: {  	s4 =	sand.u32 $0x4000, s31;
	s1 =	sadd.s32 s1, s30  }
0xcb: {  	s0 =	sor.u32 s4, s0;
	s1 =	sshll.u32 s1, $0x11  }
0xcc: {  	s0 =	sor.u32 s1, s0  }
0xcd: {  	s0 =	sadd.s32 $0x8F2B, s0  }
0xce: {  	[sflag:s0] =	ssyncadd.remote.s32 $0x1  }
0xcf: {  	_ =	sfence.sel $0xFFFF  }
0xd0: {  	[dreg:$0x0] =	wrdreg $0xFFFFFFFF;
	(pc) =	sbr.abs _section_cstart, $3  }
0xd1: {  	[dreg:$0x1] =	wrdreg $0xFFFFFFFF  }
0xd2: {  	_ =	task.clear_ibuf [dreg:s22], $0x2FFFF;
	_ =	strace $0x9FFFFFFF  }
0xd3: {  	(tm) =	ssettm $0x7FFFFFFF  }
tec
execute0_lowered:
.L_overlay_start_1:
0x0: {  	(tag) =	ssettag $0x1  }
0x1: {  	s4 =	rddreg [dreg:$0x0]  }
0x2: {  	s1 =	rddreg [dreg:$0x1]  }
0x3: {  	s9 =	rddreg [dreg:$0x2]  }
0x4: {  	s0 =	rddreg [dreg:$0x3]  }
0x5: {  	s3 =	simm.s32 $0x0;
	s5 =	srdreg.scid;
	s2 =	stileid.u32  }
0x6: {  	s14 =	simm.s32 $0x100;
	s15 =	simm.s32 $0x4100;
	s16 =	simm.s32 $0x1  }
0x7: {  	s17 =	simm.s32 $0x3;
	s18 =	simm.s32 $0x2;
	s19 =	simm.s32 $0x0  }
0x8: {  	[smem:$0x7FF] =	sst s3;
	s10 =	sand.u32 $0x1, s5;
	s6 =	sshll.u32 s2, $0xC  }
0x9: {  	s11 =	sadd.s32 $0x124000, s4;
	s30 =	sshll.u32 s2, $0x10;
	s5 =	ssub.s32 $0x2, s10  }
0xa: {  	_ =	strace $0x8000004A;
	s7 =	sshll.u32 s10, $0xB;
	s26 =	sshrl.u32 s5, $0x1  }
0xb: {  	s10 =	sshll.u32 s10, $0xF;
	s12 =	sor.u32 s7, s6;
	s5 =	ssub.s32 s5, s26  }
0xc: {  	s28 =	sshrl.u32 s12, $0x3;
	s8 =	sor.u32 $0x780, s12;
	s6 =	sshll.u32 s12, $0x4  }
0xd: {  	s31 =	sor.u32 $0x80, s12;
	s12 =	sor.u32 $0x100, s12;
	s4 =	sadd.s32 s11, s28  }
0xe: {  	s29 =	sshrl.u32 s8, $0x3;
	s13 =	sadd.s32 s9, s6;
	s5 =	smax.u32 s5, $0x1  }
0xf: {  	s8 =	sshll.u32 s8, $0x4;
	s12 =	sshrl.u32 s12, $0x3;
	s7 =	sadd.s32 $0x7000, s13  }
0x10: {  	s8 =	sadd.s32 s9, s8;
	s9 =	sadd.s32 s30, s9;
	s13 =	sshrl.u32 s31, $0x3  }
0x11: {  	s6 =	sadd.s32 s11, s29;
	s9 =	sadd.s32 s10, s9;
	s10 =	sadd.s32 s13, s11  }
0x12: {  	s11 =	sadd.s32 s12, s11;
	s12 =	simm.s32 $0x4;
	s13 =	simm.s32 $0x80  }
.LBB2_1:
0x13: {  	[tilespmem:s3], [sflag:$0x4] =	stream.linear.gather [hbm4b:s4+s3], $0x80, $0x38;
	[tilespmem:$0x8100] =	vst v63  }
0x14: {  	_ =	swait.ge [sflag:s12], $0x80  }
0x15: {  	[sflag:s12] =	ssyncset.done $0x0  }
0x16: {  	[sflag:s12] =	ssyncadd.s32 $0xFFFFFF80  }
0x17: {  	[tilespmem:s14], [sflag:$0x1] =	stream.indirect.gather [hbm4b:s1+s13], $0x80, s3, s13, $0xb8;
	[tilespmem:$0x8100] =	vst v63  }
0x18: {  	s20 =	sadd.s32 $0x0, s10  }
0x19: {  	[tilespmem:s13], [sflag:$0x4] =	stream.linear.gather [hbm4b:s20+s3], $0x80, $0x38;
	[tilespmem:$0x8100] =	vst v63  }
0x1a: {  	_ =	swait.ge [sflag:s12], $0x80  }
0x1b: {  	[sflag:s12] =	ssyncset.done $0x0  }
0x1c: {  	[sflag:s12] =	ssyncadd.s32 $0xFFFFFF80  }
0x1d: {  	[tilespmem:s15], [sflag:$0x2] =	stream.indirect.gather [hbm4b:s1+s13], $0x80, s13, s13, $0xb8;
	[tilespmem:$0x8100] =	vst v63  }
0x1e: {  	_ =	swait.ge [sflag:s16], $0x4000  }
0x1f: {  	[sflag:s16] =	ssyncset.done $0x0  }
0x20: {  	[sflag:s16] =	ssyncadd.s32 $0xFFFFC000  }
0x21: {  	[hbm4b:s9+s3] =	stream.linear.scatter [tilespmem:s14], [sflag:$0x3], $0x4000, $0x38;
	[tilespmem:$0x8100] =	vst v63  }
0x22: {  	_ =	swait.ge [sflag:s17], $0x4000  }
0x23: {  	[sflag:s17] =	ssyncset.done $0x0  }
0x24: {  	s30 =	sadd.s32 $0x0, s11;
	[sflag:s17] =	ssyncadd.s32 $0xFFFFC000  }
0x25: {  	[tilespmem:s3], [sflag:$0x4] =	stream.linear.gather [hbm4b:s30+s3], $0x80, $0x38;
	[tilespmem:$0x8100] =	vst v63  }
0x26: {  	_ =	swait.ge [sflag:s12], $0x80  }
0x27: {  	[sflag:s12] =	ssyncset.done $0x0  }
0x28: {  	[sflag:s12] =	ssyncadd.s32 $0xFFFFFF80  }
0x29: {  	[tilespmem:s14], [sflag:$0x1] =	stream.indirect.gather [hbm4b:s1+s13], $0x80, s3, s13, $0xb8;
	[tilespmem:$0x8100] =	vst v63  }
0x2a: {  	_ =	swait.ge [sflag:s18], $0x4000  }
0x2b: {  	[sflag:s18] =	ssyncset.done $0x0  }
0x2c: {  	s31 =	sadd.s32 $0x800, s9;
	[sflag:s18] =	ssyncadd.s32 $0xFFFFC000  }
0x2d: {  	[hbm4b:s31+s3] =	stream.linear.scatter [tilespmem:s15], [sflag:$0x3], $0x4000, $0x38;
	[tilespmem:$0x8100] =	vst v63  }
0x2e: {  	s21 =	simm.s32 $0x20;
	_ =	swait.ge [sflag:s17], $0x4000  }
0x2f: {  	s22 =	simm.s32 $0x40;
	s20 =	sadd.s32 $0x1000, s9;
	[sflag:s17] =	ssyncset.done $0x0  }
.LBB2_2:
0x30: {  	s23 =	sadd.s32 s21, s10  }
0x31: {  	[sflag:s17] =	ssyncadd.s32 $0xFFFFC000;
	s24 =	smov.u32 s22;
	s25 =	sadd.s32 $0x20, s22  }
0x32: {  	[tilespmem:s13], [sflag:$0x4] =	stream.linear.gather [hbm4b:s23+s3], $0x80, $0x38;
	[tilespmem:$0x8100] =	vst v63  }
0x33: {  	p0 =	sne.s32 s22, $0xC0;
	_ =	swait.ge [sflag:s12], $0x80  }
0x34: {  	[sflag:s12] =	ssyncset.done $0x0  }
0x35: {  	[sflag:s12] =	ssyncadd.s32 $0xFFFFFF80  }
0x36: {  	[tilespmem:s15], [sflag:$0x2] =	stream.indirect.gather [hbm4b:s1+s13], $0x80, s13, s13, $0xb8;
	[tilespmem:$0x8100] =	vst v63  }
0x37: {  	_ =	swait.ge [sflag:s16], $0x4000  }
0x38: {  	[sflag:s16] =	ssyncset.done $0x0  }
0x39: {  	[sflag:s16] =	ssyncadd.s32 $0xFFFFC000  }
0x3a: {  	[hbm4b:s20+s3] =	stream.linear.scatter [tilespmem:s14], [sflag:$0x3], $0x4000, $0x38;
	[tilespmem:$0x8100] =	vst v63  }
0x3b: {  	_ =	swait.ge [sflag:s17], $0x4000  }
0x3c: {  	[sflag:s17] =	ssyncset.done $0x0  }
0x3d: {  	s22 =	sadd.s32 s21, s11;
	s21 =	smov.u32 s24;
	[sflag:s17] =	ssyncadd.s32 $0xFFFFC000  }
0x3e: {  	[tilespmem:s3], [sflag:$0x4] =	stream.linear.gather [hbm4b:s22+s3], $0x80, $0x38;
	[tilespmem:$0x8100] =	vst v63  }
0x3f: {  	_ =	swait.ge [sflag:s12], $0x80  }
0x40: {  	[sflag:s12] =	ssyncset.done $0x0  }
0x41: {  	[sflag:s12] =	ssyncadd.s32 $0xFFFFFF80  }
0x42: {  	[tilespmem:s14], [sflag:$0x1] =	stream.indirect.gather [hbm4b:s1+s13], $0x80, s3, s13, $0xb8;
	[tilespmem:$0x8100] =	vst v63  }
0x43: {  	_ =	swait.ge [sflag:s18], $0x4000  }
.Ltmp0:
0x44: {  	[sflag:s18] =	ssyncset.done $0x0;
	(pc) =	sbr.rel @p0 .LBB2_2-.Ltmp0, $4  }
0x45: {  	s22 =	sadd.s32 $0x800, s20;
	[sflag:s18] =	ssyncadd.s32 $0xFFFFC000  }
0x46: {  	[hbm4b:s22+s3] =	stream.linear.scatter [tilespmem:s15], [sflag:$0x3], $0x4000, $0x38;
	[tilespmem:$0x8100] =	vst v63  }
0x47: {  	_ =	swait.ge [sflag:s17], $0x4000  }
0x48: {  	s20 =	sadd.s32 $0x1000, s20;
	s22 =	smov.u32 s25;
	[sflag:s17] =	ssyncset.done $0x0  }
0x49: {  	s22 =	sadd.s32 s21, s10;
	[sflag:s17] =	ssyncadd.s32 $0xFFFFC000  }
0x4a: {  	[tilespmem:s13], [sflag:$0x4] =	stream.linear.gather [hbm4b:s22+s3], $0x80, $0x38;
	[tilespmem:$0x8100] =	vst v63  }
0x4b: {  	_ =	swait.ge [sflag:s12], $0x80  }
0x4c: {  	[sflag:s12] =	ssyncset.done $0x0  }
0x4d: {  	[sflag:s12] =	ssyncadd.s32 $0xFFFFFF80  }
0x4e: {  	[tilespmem:s15], [sflag:$0x2] =	stream.indirect.gather [hbm4b:s1+s13], $0x80, s13, s13, $0xb8;
	[tilespmem:$0x8100] =	vst v63  }
0x4f: {  	_ =	swait.ge [sflag:s16], $0x4000  }
0x50: {  	[sflag:s16] =	ssyncset.done $0x0  }
0x51: {  	[sflag:s16] =	ssyncadd.s32 $0xFFFFC000  }
0x52: {  	[hbm4b:s20+s3] =	stream.linear.scatter [tilespmem:s14], [sflag:$0x3], $0x4000, $0x38;
	[tilespmem:$0x8100] =	vst v63  }
0x53: {  	_ =	swait.ge [sflag:s17], $0x4000  }
0x54: {  	[sflag:s17] =	ssyncset.done $0x0  }
0x55: {  	s30 =	sadd.s32 s21, s11;
	[sflag:s17] =	ssyncadd.s32 $0xFFFFC000  }
0x56: {  	[tilespmem:s3], [sflag:$0x4] =	stream.linear.gather [hbm4b:s30+s3], $0x80, $0x38;
	[tilespmem:$0x8100] =	vst v63  }
0x57: {  	_ =	swait.ge [sflag:s12], $0x80  }
0x58: {  	[sflag:s12] =	ssyncset.done $0x0  }
0x59: {  	[sflag:s12] =	ssyncadd.s32 $0xFFFFFF80  }
0x5a: {  	[tilespmem:s14], [sflag:$0x1] =	stream.indirect.gather [hbm4b:s1+s13], $0x80, s3, s13, $0xb8;
	[tilespmem:$0x8100] =	vst v63  }
0x5b: {  	_ =	swait.ge [sflag:s18], $0x4000  }
0x5c: {  	[sflag:s18] =	ssyncset.done $0x0  }
0x5d: {  	s31 =	sadd.s32 $0x800, s20;
	[sflag:s18] =	ssyncadd.s32 $0xFFFFC000  }
0x5e: {  	[hbm4b:s31+s3] =	stream.linear.scatter [tilespmem:s15], [sflag:$0x3], $0x4000, $0x38;
	[tilespmem:$0x8100] =	vst v63  }
0x5f: {  	_ =	swait.ge [sflag:s17], $0x4000  }
0x60: {  	[sflag:s17] =	ssyncset.done $0x0  }
0x61: {  	[sflag:s17] =	ssyncadd.s32 $0xFFFFC000  }
0x62: {  	[tilespmem:s13], [sflag:$0x4] =	stream.linear.gather [hbm4b:s6+s3], $0x80, $0x38;
	[tilespmem:$0x8100] =	vst v63  }
0x63: {  	_ =	swait.ge [sflag:s12], $0x80  }
0x64: {  	[sflag:s12] =	ssyncset.done $0x0  }
0x65: {  	[sflag:s12] =	ssyncadd.s32 $0xFFFFFF80  }
0x66: {  	[tilespmem:s15], [sflag:$0x2] =	stream.indirect.gather [hbm4b:s1+s13], $0x80, s13, s13, $0xb8;
	[tilespmem:$0x8100] =	vst v63  }
0x67: {  	_ =	swait.ge [sflag:s16], $0x4000  }
0x68: {  	[sflag:s16] =	ssyncset.done $0x0  }
0x69: {  	[sflag:s16] =	ssyncadd.s32 $0xFFFFC000  }
0x6a: {  	[hbm4b:s7+s3] =	stream.linear.scatter [tilespmem:s14], [sflag:$0x3], $0x4000, $0x38;
	[tilespmem:$0x8100] =	vst v63  }
0x6b: {  	_ =	swait.ge [sflag:s17], $0x4000  }
0x6c: {  	[sflag:s17] =	ssyncset.done $0x0  }
0x6d: {  	[sflag:s17] =	ssyncadd.s32 $0xFFFFC000  }
0x6e: {  	s19 =	sadd.s32 $0x1, s19;
	_ =	swait.ge [sflag:s18], $0x4000  }
0x6f: {  	p0 =	sne.s32 s19, s5;
	[sflag:s18] =	ssyncset.done $0x0  }
.Ltmp1:
0x70: {  	[sflag:s18] =	ssyncadd.s32 $0xFFFFC000;
	(pc) =	sbr.rel @p0 .LBB2_1-.Ltmp1, $4  }
0x71: {  	[hbm4b:s8+s3] =	stream.linear.scatter [tilespmem:s15], [sflag:$0x3], $0x4000, $0x38;
	[tilespmem:$0x8100] =	vst v63  }
0x72: {  	_ =	swait.ge [sflag:s17], $0x4000  }
0x73: {  	[sflag:s17] =	ssyncset.done $0x0  }
0x74: {  	[sflag:s17] =	ssyncadd.s32 $0xFFFFC000  }
0x75: {  	_ =	sfence.sel $0x180000  }
0x76: {  	[bflag:$0x0] =	sbarrier.arrive $0xFFFF  }
0x77: {  	p0 =	sne.s32 s2, $0x0;
	_ =	strace $0x9000004A  }
0x78: {  	s0 =	sadd.s32 @!p0 $0x100000, s0;
	[bflag:$0x2] =	sbarrier.arrive $0xFFFF  }
0x79: {  	[sflag:s0] =	ssyncadd.tile.s32 @!p0 $0x1;
	_ =	shalt  }
.Lfunc_end2:
_tile_overlayer_lowered:
.L_overlay_start_2:
0x7a: {  	(tag) =	ssettag $0x2  }
0x7b: {  	s0 =	rddreg [dreg:$0x0];
	s2 =	stileid.u32  }
0x7c: {  	s1 =	rddreg [dreg:$0x1];
	p0 =	sne.s32 s2, $0x0  }
0x7d: {  	s3 =	rddreg [dreg:$0x2];
	[bflag:$0x3] =	sbarrier.arrive $0xFFFF;
	s2 =	simm.s32 @!p0 $0x1C04  }
0x7e: {  	[timem:s3], [sflag:s2] =	dma.local @!p0 [hbm:s0], s1  }
0x7f: {  	s0 =	simm.s32 @!p0 $0x4  }
0x80: {  	_ =	swait.ge @!p0 [sflag:s0], s1  }
0x81: {  	s1 =	ssub.s32 @!p0 $0x0, s1;
	[sflag:s0] =	ssyncset.done @!p0 $0x0  }
0x82: {  	[sflag:s0] =	ssyncadd.s32 @!p0 s1  }
0x83: {  	[bflag:$0x3] =	sbarrier.arrive $0xFFFF  }
0x84: {  	_ =	shalt  }

// kernel: sparse-core-data-format-call.1.cloned.1.call-start
scs
called_computation.1_lowered:
.L_overlay_start_0:
0x0: {  	s2 =	sld [smem:$0x3FD9]  }
0x1: {  	s3 =	sld [smem:$0x3FFE];
	_ =	sdelay $0x1  }
0x2: {  	s1 =	srdreg.scid  }
0x3: {  	s0 =	sand.u32 $0x1, s1  }
0x4: {  	s18 =	sshll.u32 s0, $0xA;
	s2 =	sadd.s32 s3, s2  }
0x5: {  	s2 =	sadd.s32 s2, s18  }
0x6: {  	[smem:$0x3FC5] =	sst s2  }
0x7: {  	_ = 	snop  }
0x8: {  	s19 =	sld [smem:$0x3FD0];
	(tm) =	ssettm $0x1  }
0x9: {  	s20 =	sld [smem:$0x3FFB];
	_ =	sdelay $0x3  }
0xa: {  	_ =	strace s20  }
0xb: {  	s2 =	sld [smem:$0x3FFC];
	_ =	sdelay $0x3  }
0xc: {  	_ =	strace s2  }
0xd: {  	s2 =	sld [smem:$0x3FFD];
	_ =	sdelay $0x3  }
0xe: {  	_ =	strace s2  }
0xf: {  	_ =	strace $0x8FFFFFFF  }
0x10: {  	s21 =	sld [smem:$0x3FDB];
	_ =	sdelay $0x1  }
0x11: {  	s4 =	simm.s32 $_scs_section_size  }
0x12: {  	s5 =	simm.s32 $_size__tile_overlayer_lowered;
	s6 =	simm.s32 $_tile_overlayer_lowered  }
0x13: {  	s7 =	simm.s32 $0x1BFF;
	s22 =	sshll.u32 s6, $0x1;
	s4 =	sadd.s32 s4, s21  }
0x14: {  	s23 =	simm.s32 $0x0;
	s5 =	sshll.u32 s5, $0x1;
	s6 =	sadd.s32 s22, s4  }
0x15: {  	[timem:s23], [sflag:s7] =	dma.local [hbm:s6], s5  }
0x16: {  	_ =	swait.ge [sflag:s7], s5  }
0x17: {  	s5 =	ssub.s32 $0x0, s5;
	[sflag:s7] =	ssyncset.done $0x0  }
0x18: {  	[sflag:s7] =	ssyncadd.s32 s5;
	_ =	sdelay $0x1  }
0x19: {  	s24 =	simm.s32 $0x1B8B  }
0x1a: {  	_ =	swait.ge [sflag:s24], $0x1  }
0x1b: {  	[sflag:s24] =	ssyncset.done $0x0  }
0x1c: {  	[sflag:s24] =	ssyncadd.s32 $0xFFFFFFFF  }
0x1d: {  	s5 =	sld [smem:$0x0]  }
0x1e: {  	s6 =	sand.u32 $0xFFFFFFFE, s1  }
0x1f: {  	p0 =	sne.s32 s1, s6  }
0x20: {  	s6 =	sshll.u32 @p0 s6, $0xE  }
0x21: {  	s6 =	sadd.s32 @p0 $0x11B8D, s6;
	s7 =	sshll.u32 @p0 s5, $0x11  }
0x22: {  	s6 =	sor.u32 @p0 s7, s6  }
0x23: {  	[sflag:s6] =	ssyncadd.remote.s32 @p0 $0x1;
	_ =	sdelay $0x1  }
0x24: {  	s6 =	simm.s32 @p0 $0x1B8D  }
0x25: {  	_ =	swait.eq @p0 [sflag:s6], $0x1  }
0x26: {  	[sflag:s6] =	ssyncadd.s32 @p0 $0xFFFFFFFF  }
0x27: {  	s7 =	sshll.u32 @!p0 s1, $0xE  }
0x28: {  	s7 =	sor.u32 @!p0 $0x4000, s7;
	s6 =	simm.s32 @!p0 $0x1B8D  }
0x29: {  	s5 =	sshll.u32 @!p0 s5, $0x11;
	s7 =	sadd.s32 @!p0 $0x11B8D, s7;
	_ =	swait.eq @!p0 [sflag:s6], $0x1  }
0x2a: {  	s5 =	sor.u32 @!p0 s5, s7;
	[sflag:s6] =	ssyncadd.s32 @!p0 $0xFFFFFFFF  }
0x2b: {  	s26 =	simm.s32 $0x1B8E;
	s25 =	sld [smem:$0x3FFE];
	[sflag:s5] =	ssyncadd.remote.s32 @!p0 $0x1  }
0x2c: {  	s27 =	simm.s32 $execute0_lowered;
	[smem:$0x3FD2] =	sst s26  }
0x2d: {  	s6 =	sshll.u32 s27, $0x1;
	_ =	strace $0x8000004F;
	[dreg:$0x1] =	wrdreg $0xFFFFFFFF  }
0x2e: {  	s28 =	simm.s32 $_size_execute0_lowered;
	s4 =	sadd.s32 s4, s6;
	[dreg:$0x0] =	wrdreg $0x0  }
0x2f: {  	s6 =	sshll.u32 s28, $0x1;
	[dreg:$0x2] =	wrdreg s4  }
0x30: {  	[dreg:$0x3] =	wrdreg s6  }
0x31: {  	[dreg:$0x4] =	wrdreg $0xC0  }
0x32: {  	_ =	task [dreg:s23], $0x5FFFF  }
0x33: {  	[dreg:$0x1] =	wrdreg $0xFFFFFFFF  }
0x34: {  	[dreg:$0x0] =	wrdreg $0x60  }
0x35: {  	[dreg:$0x2] =	wrdreg s19  }
0x36: {  	[dreg:$0x3] =	wrdreg s25  }
0x37: {  	[dreg:$0x4] =	wrdreg $0xA  }
0x38: {  	_ =	task.clear_ibuf [dreg:s23], $0x5FFFF;
	_ =	strace $0x9000004F  }
0x39: {  	s29 =	simm.s32 $0xA;
	_ =	strace $0x80000051  }
0x3a: {  	_ =	swait.ge [sflag:s29], $0x1  }
0x3b: {  	[sflag:s29] =	ssyncadd.s32 $0xFFFFFFFF  }
0x3c: {  	_ =	strace $0x90000051  }
0x3d: {  	_ =	sfence  }
0x3e: {  	s30 =	sld [smem:$0x0];
	_ =	sdelay $0x2  }
0x3f: {  	s31 =	sshll.u32 s1, $0xD;
	s1 =	sshrl.u32 s1, $0x2  }
0x40: {  	s4 =	sand.u32 $0x4000, s31;
	s1 =	sadd.s32 s1, s30  }
0x41: {  	s0 =	sor.u32 s4, s0;
	s1 =	sshll.u32 s1, $0x11  }
0x42: {  	s0 =	sor.u32 s1, s0  }
0x43: {  	s0 =	sadd.s32 $0x8F2B, s0  }
0x44: {  	[sflag:s0] =	ssyncadd.remote.s32 $0x1  }
0x45: {  	_ =	sfence.sel $0xFFFF  }
0x46: {  	[dreg:$0x0] =	wrdreg $0xFFFFFFFF;
	(pc) =	sbr.abs _section_cstart, $3  }
0x47: {  	[dreg:$0x1] =	wrdreg $0xFFFFFFFF  }
0x48: {  	_ =	task.clear_ibuf [dreg:s23], $0x2FFFF;
	_ =	strace $0x9FFFFFFF  }
0x49: {  	(tm) =	ssettm $0x7FFFFFFF  }
tec
execute0_lowered:
.L_overlay_start_1:
0x0: {  	(tag) =	ssettag $0x1  }
0x1: {  	s0 =	stileid.u32;
	s3 =	rddreg [dreg:$0x0]  }
0x2: {  	s1 =	srdreg.scid;
	s8 =	rddreg [dreg:$0x1]  }
0x3: {  	s31 =	simm.s32 $0x2;
	s2 =	sshll.u32 s0, $0x6;
	s1 =	sshll.u32 s1, $0xA  }
0x4: {  	s16 =	simm.s32 $0x0;
	s9 =	simm.s32 $0x8000;
	s1 =	sor.u32 s2, s1  }
0x5: {  	s14 =	simm.s32 $0x0;
	s15 =	simm.s32 $0x0;
	s1 =	sand.u32 $0x780, s1  }
0x6: {  	s10 =	simm.s32 $0x0;
	s2 =	sand.u32 $0x1, s0;
	s4 =	ssub.s32 $0x800, s1  }
0x7: {  	s13 =	simm.s32 $0x0;
	s5 =	ssub.s32 $0x2, s2;
	s6 =	sand.u32 $0x780, s4  }
0x8: {  	s7 =	sshrl.u32 s5, $0x1;
	p0 =	sne.s32 s6, $0x0;
	s6 =	simm.s32 $0x1  }
0x9: {  	s5 =	sand.u32 $0x1, s5;
	s4 =	sshrl.u32 s4, $0xB;
	s6 =	simm.s32 @!p0 $0x0  }
.Ltmp0:
0xa: {  	s5 =	sadd.s32 s5, s7;
	s6 =	sadd.s32 s6, s4;
	(pc) =	sbr.rel .LBB1_1-.Ltmp0, $4  }
0xb: {  	s12 =	smov.u32 s2;
	s11 =	smov.u32 s1;
	s7 =	smul.u32 s6, s5  }
0xc: {  	s4 =	rddreg [dreg:$0x2];
	_ =	strace $0x80000050;
	s6 =	simm.s32 $0x1  }
0xd: {  	p0 =	por $0x0, $0x0;
	[sflag:s6] =	ssyncpa.u1 $0x0;
	s7 =	sshll.u32 s7, $0x4  }
0xe: {  	s5 =	sadd.s32 $0x226000, s8;
	[sflag:s31] =	ssyncpa.u1 $0x0;
	s8 =	sor.u32 $0x1, s7  }
.LBB1_4:
0xf: {  	v5 =	vld [tilespmem:s19+$0xFFFFFFD0];
	[tilespmem:s20+$0x2040 ss:$0x81] =	vst.msk $0xffff, v1  }
0x10: {  	v58 =	vld [tilespmem:s19+$0xFFFFFFE0];
	[tilespmem:s20+$0x2850 ss:$0x81] =	vst.msk $0xffff, v2  }
0x11: {  	s21 =	sshra.s32 s21, $0x2;
	v59 =	vld [tilespmem:s19+$0xFFFFFFF0];
	[tilespmem:s20+$0x3060 ss:$0x81] =	vst.msk $0xffff, v3  }
0x12: {  	v60 =	vld [tilespmem:s19+$0x0];
	[tilespmem:s20+$0x0 ss:$0x81] =	vst.msk $0xffff, v0;
	s18 =	sadd.s32 s21, s18  }
0x13: {  	v61 =	vld [tilespmem:s19+$0x10];
	s26 =	sshll.u32 s16, $0xB;
	[tilespmem:s18+$0x3870 ss:$0x81] =	vst.msk $0xffff, v4  }
0x14: {  	v62 =	vld [tilespmem:s19+$0x20];
	s27 =	sand.u32 $0x78, s14;
	s22 =	sshll.u32 s14, $0x3;
	s29 =	sshll.u32 s16, $0x7;
	[tilespmem:s18+$0x810 ss:$0x81] =	vst.msk $0xffff, v5  }
0x15: {  	v63 =	vld [tilespmem:s19+$0xFFFFFFC0];
	s15 =	sshll.u32 s15, $0x13;
	s20 =	sand.u32 $0x4000, s26;
	s28 =	sand.u32 $0x7C00, s22;
	[tilespmem:s18+$0x1020 ss:$0x81] =	vst.msk $0xffff, v58  }
0x16: {  	s31 =	sand.u32 $0x7, s14;
	s22 =	sand.u32 $0x400, s22;
	s19 =	sadd.s32 s28, s20;
	[tilespmem:s18+$0x1830 ss:$0x81] =	vst.msk $0xffff, v59  }
0x17: {  	s16 =	sand.u32 $0x380, s29;
	s30 =	sor.u32 s27, s22;
	s19 =	sshrl.u32 s19, $0x3;
	[tilespmem:s18+$0x2040 ss:$0x81] =	vst.msk $0xffff, v60  }
0x18: {  	s15 =	sadd.s32 s5, s15;
	s16 =	sor.u32 s16, s30;
	s19 =	sand.u32 $0xF00, s19;
	[tilespmem:s18+$0x2850 ss:$0x81] =	vst.msk $0xffff, v61  }
0x19: {  	s14 =	sshll.u32 s31, $0x12;
	s16 =	sshrl.u32 s16, $0x3;
	[tilespmem:s18+$0x3060 ss:$0x81] =	vst.msk $0xffff, v62;
	s15 =	sadd.s32 s19, s15  }
0x1a: {  	s14 =	sor.u32 $0x80, s14;
	[tilespmem:s18+$0x0 ss:$0x81] =	vst.msk $0xffff, v63;
	s15 =	sadd.s32 s16, s15  }
0x1b: {  	[hbm4b:s15+s14] =	stream.strided.scatter [tilespmem:s17], [sflag:$0x2], $0x4000, s9, s14, $0x20;
	[tilespmem:$0x10100] =	vst v63  }
.LBB1_5:
0x1c: {  	s17 =	sadd.s32 $0x1, s10  }
0x1d: {  	s14 =	sadd.s32 $0x800, s11;
	s18 =	smov.u32 s11;
	p2 =	sgt.s32 s17, $0xF  }
0x1e: {  	s18 =	smov.u32 @p2 s14  }
0x1f: {  	s20 =	smov.u32 s12;
	s14 =	sadd.s32 $0x2, s12;
	p3 =	sgt.s32 s18, $0x7FF  }
0x20: {  	s20 =	smov.u32 @p3 s14  }
0x21: {  	s17 =	simm.s32 @p2 $0x0;
	p2 =	sgt.s32 s20, $0x1  }
0x22: {  	p1 =	slt.u32 s13, $0x2;
	s20 =	smov.u32 @p2 s2;
	p2 =	sne.s32 s13, s8  }
.Ltmp1:
0x23: {  	s19 =	simm.s32 @!p1 $0x2;
	(pc) =	sbr.rel @!p2 .LBB1_6-.Ltmp1, $4  }
0x24: {  	s16 =	smov.u32 s10;
	s15 =	smov.u32 s12;
	_ =	swait.ge @!p1 [sflag:s19], $0x4000  }
0x25: {  	p0 =	por !p0, !p0;
	[sflag:s19] =	ssyncset.done @!p1 $0x0;
	s10 =	smov.u32 s17  }
0x26: {  	s18 =	smov.u32 @p3 s1;
	s14 =	smov.u32 s11;
	[sflag:s19] =	ssyncadd.s32 @!p1 $0xFFFFC000  }
0x27: {  	s11 =	smov.u32 s18;
	s13 =	sadd.s32 $0x1, s13;
	s12 =	smov.u32 s20  }
.LBB1_1:
0x28: {  	p1 =	sge.u32 s13, s7;
	s31 =	sadd.s32 $0xFFFFFFFF, s13  }
0x29: {  	s17 =	sxor.u32 @!p1 $0xFFFFFFFF, s13;
	s18 =	sshll.u32 @!p1 s12, $0x13;
	s19 =	sshll.u32 @!p1 s11, $0x8  }
0x2a: {  	s20 =	sshll.u32 @!p1 s10, $0x4;
	s17 =	sshll.u32 @!p1 s17, $0xE;
	s18 =	sadd.s32 @!p1 s3, s18  }
0x2b: {  	s20 =	sand.u32 @!p1 $0xF0, s20;
	s17 =	sand.u32 @!p1 $0x4000, s17;
	s18 =	sadd.s32 @!p1 s19, s18  }
0x2c: {  	s19 =	simm.s32 @!p1 $0x80;
	s18 =	sadd.s32 @!p1 s20, s18;
	s20 =	simm.s32 @!p1 $0x800  }
0x2d: {  	[tilespmem:s17], [sflag:$0x1] =	stream.strided.gather @!p1 [hbm4b:s18+s19], $0x4000, s20, s19, $0x38;
	[tilespmem:$0x10100] =	vst v63  }
0x2e: {  	p1 =	sge.u32 s31, s7  }
.Ltmp2:
0x2f: {  	_ = 	snop;
	(pc) =	sbr.rel @p1 .LBB1_5-.Ltmp2, $1  }
0x30: {  	_ =	sdelay $0x3  }
0x31: {  	s17 =	simm.s32 $0x1  }
0x32: {  	_ =	swait.ge [sflag:s6], $0x4000;
	s17 =	simm.s32 @!p0 $0x0  }
0x33: {  	[sflag:s6] =	ssyncset.done $0x0;
	s18 =	sshll.u32 s17, $0xE  }
0x34: {  	[sflag:s6] =	ssyncadd.s32 $0xFFFFC000;
	s19 =	sor.u32 $0x40, s18  }
0x35: {  	s17 =	smul.u32 $0x10200, s17;
	v0 =	vld [tilespmem:s19+$0x30]  }
0x36: {  	v3 =	vld [tilespmem:s19+$0xFFFFFFD0]  }
0x37: {  	s17 =	sshrl.u32 s17, $0x2;
	v4 =	vld [tilespmem:s19+$0xFFFFFFE0]  }
0x38: {  	v5 =	vld [tilespmem:s19+$0xFFFFFFF0];
	s18 =	sor.u32 $0x8000, s17  }
0x39: {  	s31 =	sand.u32 $0x1, s13;
	v1 =	vld [tilespmem:s19+$0x0];
	s20 =	sadd.s32 $0x0, s18  }
0x3a: {  	v2 =	vld [tilespmem:s19+$0x10];
	s17 =	smul.u32 $0x10200, s31;
	[tilespmem:s20+$0x3870 ss:$0x81] =	vst.msk $0xffff, v0  }
0x3b: {  	[tilespmem:s20+$0x810 ss:$0x81] =	vst.msk $0xffff, v3;
	v3 =	vld [tilespmem:s19+$0x20]  }
0x3c: {  	s17 =	sshrl.u32 s17, $0x2;
	v0 =	vld [tilespmem:s19+$0xFFFFFFC0];
	[tilespmem:s20+$0x1020 ss:$0x81] =	vst.msk $0xffff, v4;
	s19 =	sadd.s32 $0x80, s19  }
0x3d: {  	s21 =	simm.s32 $0x4;
	s22 =	simm.s32 $0x8;
	s17 =	sor.u32 $0x8000, s17;
	[tilespmem:s20+$0x1830 ss:$0x81] =	vst.msk $0xffff, v5;
	v4 =	vld [tilespmem:s19+$0x30]  }
.LBB1_3:
0x3e: {  	p1 =	sne.s32 s22, $0x1FC;
	v5 =	vld [tilespmem:s19+$0xFFFFFFD0];
	[tilespmem:s20+$0x2040 ss:$0x81] =	vst.msk $0xffff, v1  }
0x3f: {  	v6 =	vld [tilespmem:s19+$0xFFFFFFE0];
	[tilespmem:s20+$0x2850 ss:$0x81] =	vst.msk $0xffff, v2  }
0x40: {  	s23 =	sshra.s32 s21, $0x2;
	s21 =	smov.u32 s22;
	v7 =	vld [tilespmem:s19+$0xFFFFFFF0];
	[tilespmem:s20+$0x3060 ss:$0x81] =	vst.msk $0xffff, v3  }
.Ltmp3:
0x41: {  	v1 =	vld [tilespmem:s19+$0x0];
	[tilespmem:s20+$0x0 ss:$0x81] =	vst.msk $0xffff, v0;
	s20 =	sadd.s32 s23, s18;
	(pc) =	sbr.rel @p1 .LBB1_3-.Ltmp3, $4  }
0x42: {  	v2 =	vld [tilespmem:s19+$0x10];
	[tilespmem:s20+$0x3870 ss:$0x81] =	vst.msk $0xffff, v4  }
0x43: {  	[tilespmem:s20+$0x810 ss:$0x81] =	vst.msk $0xffff, v5;
	v3 =	vld [tilespmem:s19+$0x20]  }
0x44: {  	v0 =	vld [tilespmem:s19+$0xFFFFFFC0];
	[tilespmem:s20+$0x1020 ss:$0x81] =	vst.msk $0xffff, v6;
	s19 =	sadd.s32 $0x80, s19  }
0x45: {  	s22 =	sadd.s32 $0x4, s22;
	v4 =	vld [tilespmem:s19+$0x30];
	[tilespmem:s20+$0x1830 ss:$0x81] =	vst.msk $0xffff, v7  }
.Ltmp4:
0x46: {  	_ = 	snop;
	(pc) =	sbr.rel .LBB1_4-.Ltmp4, $1  }
0x47: {  	_ =	sdelay $0x3  }
.LBB1_6:
0x48: {  	_ =	sfence.sel $0x180000  }
0x49: {  	s1 =	simm.s32 $0x1;
	[bflag:$0x0] =	sbarrier.arrive $0xFFFF  }
0x4a: {  	s31 =	simm.s32 $0x2;
	[sflag:s1] =	ssyncpa.u1 $0x1  }
0x4b: {  	[sflag:s31] =	ssyncpa.u1 $0x1  }
0x4c: {  	p0 =	sne.s32 s0, $0x0;
	_ =	strace $0x90000050  }
0x4d: {  	s0 =	sadd.s32 @!p0 $0x100000, s4;
	[bflag:$0x2] =	sbarrier.arrive $0xFFFF  }
0x4e: {  	[sflag:s0] =	ssyncadd.tile.s32 @!p0 $0x1;
	_ =	shalt  }
.Lfunc_end1:
_tile_overlayer_lowered:
.L_overlay_start_2:
0x4f: {  	(tag) =	ssettag $0x2  }
0x50: {  	s0 =	rddreg [dreg:$0x0];
	s2 =	stileid.u32  }
0x51: {  	s1 =	rddreg [dreg:$0x1];
	p0 =	sne.s32 s2, $0x0  }
0x52: {  	s3 =	rddreg [dreg:$0x2];
	[bflag:$0x3] =	sbarrier.arrive $0xFFFF;
	s2 =	simm.s32 @!p0 $0x1C01  }
0x53: {  	[timem:s3], [sflag:s2] =	dma.local @!p0 [hbm:s0], s1  }
0x54: {  	s0 =	simm.s32 @!p0 $0x1  }
0x55: {  	_ =	swait.ge @!p0 [sflag:s0], s1  }
0x56: {  	s1 =	ssub.s32 @!p0 $0x0, s1;
	[sflag:s0] =	ssyncset.done @!p0 $0x0  }
0x57: {  	[sflag:s0] =	ssyncadd.s32 @!p0 s1  }
0x58: {  	[bflag:$0x3] =	sbarrier.arrive $0xFFFF  }
0x59: {  	_ =	shalt  }

// kernel: sparse-core-data-format-call.cloned.1.call-start
scs
called_computation_lowered:
.L_overlay_start_0:
0x0: {  	s2 =	sld [smem:$0x3FD9]  }
0x1: {  	s3 =	sld [smem:$0x3FFE];
	_ =	sdelay $0x1  }
0x2: {  	s1 =	srdreg.scid  }
0x3: {  	s0 =	sand.u32 $0x1, s1  }
0x4: {  	s18 =	sshll.u32 s0, $0xA;
	s2 =	sadd.s32 s3, s2  }
0x5: {  	s2 =	sadd.s32 s2, s18  }
0x6: {  	[smem:$0x3FC5] =	sst s2  }
0x7: {  	_ = 	snop  }
0x8: {  	(tm) =	ssettm $0x1  }
0x9: {  	s19 =	sld [smem:$0x3FFB];
	_ =	sdelay $0x3  }
0xa: {  	_ =	strace s19  }
0xb: {  	s2 =	sld [smem:$0x3FFC];
	_ =	sdelay $0x3  }
0xc: {  	_ =	strace s2  }
0xd: {  	s2 =	sld [smem:$0x3FFD];
	_ =	sdelay $0x3  }
0xe: {  	_ =	strace s2  }
0xf: {  	_ =	strace $0x8FFFFFFF  }
0x10: {  	s20 =	sld [smem:$0x3FDB];
	_ =	sdelay $0x1  }
0x11: {  	s21 =	simm.s32 $_scs_section_size  }
0x12: {  	s4 =	simm.s32 $_size__tile_overlayer_lowered;
	s5 =	simm.s32 $_tile_overlayer_lowered  }
0x13: {  	s6 =	simm.s32 $0x1BFF;
	s22 =	sshll.u32 s5, $0x1;
	s3 =	sadd.s32 s21, s20  }
0x14: {  	s23 =	simm.s32 $0x0;
	s4 =	sshll.u32 s4, $0x1;
	s5 =	sadd.s32 s22, s3  }
0x15: {  	[timem:s23], [sflag:s6] =	dma.local [hbm:s5], s4  }
0x16: {  	_ =	swait.ge [sflag:s6], s4  }
0x17: {  	s4 =	ssub.s32 $0x0, s4;
	[sflag:s6] =	ssyncset.done $0x0  }
0x18: {  	[sflag:s6] =	ssyncadd.s32 s4;
	_ =	sdelay $0x1  }
0x19: {  	s24 =	simm.s32 $0x1B8B  }
0x1a: {  	_ =	swait.ge [sflag:s24], $0x1  }
0x1b: {  	[sflag:s24] =	ssyncset.done $0x0  }
0x1c: {  	[sflag:s24] =	ssyncadd.s32 $0xFFFFFFFF  }
0x1d: {  	s4 =	sld [smem:$0x0]  }
0x1e: {  	s5 =	sand.u32 $0xFFFFFFFE, s1  }
0x1f: {  	p0 =	sne.s32 s1, s5  }
0x20: {  	s5 =	sshll.u32 @p0 s5, $0xE  }
0x21: {  	s5 =	sadd.s32 @p0 $0x11B8D, s5;
	s6 =	sshll.u32 @p0 s4, $0x11  }
0x22: {  	s5 =	sor.u32 @p0 s6, s5  }
0x23: {  	[sflag:s5] =	ssyncadd.remote.s32 @p0 $0x1;
	_ =	sdelay $0x1  }
0x24: {  	s5 =	simm.s32 @p0 $0x1B8D  }
0x25: {  	_ =	swait.eq @p0 [sflag:s5], $0x1  }
0x26: {  	[sflag:s5] =	ssyncadd.s32 @p0 $0xFFFFFFFF  }
0x27: {  	s6 =	sshll.u32 @!p0 s1, $0xE  }
0x28: {  	s6 =	sor.u32 @!p0 $0x4000, s6;
	s5 =	simm.s32 @!p0 $0x1B8D  }
0x29: {  	s4 =	sshll.u32 @!p0 s4, $0x11;
	s6 =	sadd.s32 @!p0 $0x11B8D, s6;
	_ =	swait.eq @!p0 [sflag:s5], $0x1  }
0x2a: {  	s4 =	sor.u32 @!p0 s4, s6;
	[sflag:s5] =	ssyncadd.s32 @!p0 $0xFFFFFFFF  }
0x2b: {  	s26 =	simm.s32 $0x1B8E;
	s25 =	sld [smem:$0x3FFE];
	[sflag:s4] =	ssyncadd.remote.s32 @!p0 $0x1  }
0x2c: {  	s27 =	simm.s32 $execute0_lowered;
	[smem:$0x3FD2] =	sst s26  }
0x2d: {  	s5 =	sshll.u32 s27, $0x1;
	_ =	strace $0x8000004C;
	[dreg:$0x1] =	wrdreg $0xFFFFFFFF  }
0x2e: {  	s28 =	simm.s32 $_size_execute0_lowered;
	s3 =	sadd.s32 s3, s5;
	[dreg:$0x0] =	wrdreg $0x0  }
0x2f: {  	s5 =	sshll.u32 s28, $0x1;
	[dreg:$0x2] =	wrdreg s3  }
0x30: {  	[dreg:$0x3] =	wrdreg s5  }
0x31: {  	[dreg:$0x4] =	wrdreg $0xC0  }
0x32: {  	_ =	task [dreg:s23], $0x5FFFF  }
0x33: {  	[dreg:$0x1] =	wrdreg $0xFFFFFFFF  }
0x34: {  	[dreg:$0x0] =	wrdreg $0x60  }
0x35: {  	[dreg:$0x2] =	wrdreg s25  }
0x36: {  	[dreg:$0x3] =	wrdreg $0x9  }
0x37: {  	_ =	task.clear_ibuf [dreg:s23], $0x4FFFF;
	_ =	strace $0x9000004C  }
0x38: {  	s29 =	simm.s32 $0x9;
	_ =	strace $0x8000004E  }
0x39: {  	_ =	swait.ge [sflag:s29], $0x1  }
0x3a: {  	[sflag:s29] =	ssyncadd.s32 $0xFFFFFFFF  }
0x3b: {  	_ =	strace $0x9000004E  }
0x3c: {  	_ =	sfence  }
0x3d: {  	s30 =	sld [smem:$0x0];
	_ =	sdelay $0x2  }
0x3e: {  	s31 =	sshll.u32 s1, $0xD;
	s1 =	sshrl.u32 s1, $0x2  }
0x3f: {  	s4 =	sand.u32 $0x4000, s31;
	s1 =	sadd.s32 s1, s30  }
0x40: {  	s0 =	sor.u32 s4, s0;
	s1 =	sshll.u32 s1, $0x11  }
0x41: {  	s0 =	sor.u32 s1, s0  }
0x42: {  	s0 =	sadd.s32 $0x8F2B, s0  }
0x43: {  	[sflag:s0] =	ssyncadd.remote.s32 $0x1  }
0x44: {  	_ =	sfence.sel $0xFFFF  }
0x45: {  	[dreg:$0x0] =	wrdreg $0xFFFFFFFF;
	(pc) =	sbr.abs _section_cstart, $3  }
0x46: {  	[dreg:$0x1] =	wrdreg $0xFFFFFFFF  }
0x47: {  	_ =	task.clear_ibuf [dreg:s23], $0x2FFFF;
	_ =	strace $0x9FFFFFFF  }
0x48: {  	(tm) =	ssettm $0x7FFFFFFF  }
0x49: {  	_ =	shalt  }
tec
execute0_lowered:
.L_overlay_start_1:
0x0: {  	(tag) =	ssettag $0x1  }
0x1: {  	s0 =	stileid.u32  }
0x2: {  	s1 =	srdreg.scid;
	s5 =	rddreg [dreg:$0x0];
	s31 =	simm.s32 $0x2  }
0x3: {  	s16 =	simm.s32 $0x0;
	s2 =	sshll.u32 s0, $0x6;
	s1 =	sshll.u32 s1, $0xA  }
0x4: {  	s9 =	simm.s32 $0x8000;
	s14 =	simm.s32 $0x0;
	s1 =	sor.u32 s2, s1  }
0x5: {  	s15 =	simm.s32 $0x0;
	s10 =	simm.s32 $0x0;
	s1 =	sand.u32 $0x780, s1  }
0x6: {  	s13 =	simm.s32 $0x0;
	s2 =	sand.u32 $0x1, s0;
	s3 =	ssub.s32 $0x800, s1  }
0x7: {  	s4 =	ssub.s32 $0x2, s2;
	s12 =	smov.u32 s2;
	s6 =	sand.u32 $0x780, s3  }
0x8: {  	s7 =	sshrl.u32 s4, $0x1;
	p0 =	sne.s32 s6, $0x0;
	s6 =	simm.s32 $0x1  }
0x9: {  	s4 =	sand.u32 $0x1, s4;
	s8 =	sshrl.u32 s3, $0xB;
	s6 =	simm.s32 @!p0 $0x0  }
.Ltmp0:
0xa: {  	s4 =	sadd.s32 s4, s7;
	s6 =	sadd.s32 s6, s8;
	(pc) =	sbr.rel .LBB1_1-.Ltmp0, $4  }
0xb: {  	s11 =	smov.u32 s1;
	s3 =	rddreg [dreg:$0x1];
	s7 =	smul.u32 s6, s4  }
0xc: {  	_ =	strace $0x8000004D;
	p0 =	por $0x0, $0x0;
	s6 =	simm.s32 $0x1  }
0xd: {  	s4 =	sadd.s32 $0x14000, s5;
	[sflag:s6] =	ssyncpa.u1 $0x0;
	s7 =	sshll.u32 s7, $0x4  }
0xe: {  	s5 =	sadd.s32 $0x126000, s5;
	[sflag:s31] =	ssyncpa.u1 $0x0;
	s8 =	sor.u32 $0x1, s7  }
.LBB1_4:
0xf: {  	v5 =	vld [tilespmem:s19+$0xFFFFFFD0];
	[tilespmem:s20+$0x2040 ss:$0x81] =	vst.msk $0xffff, v1  }
0x10: {  	v58 =	vld [tilespmem:s19+$0xFFFFFFE0];
	[tilespmem:s20+$0x2850 ss:$0x81] =	vst.msk $0xffff, v2  }
0x11: {  	s21 =	sshra.s32 s21, $0x2;
	v59 =	vld [tilespmem:s19+$0xFFFFFFF0];
	[tilespmem:s20+$0x3060 ss:$0x81] =	vst.msk $0xffff, v3  }
0x12: {  	v60 =	vld [tilespmem:s19+$0x0];
	[tilespmem:s20+$0x0 ss:$0x81] =	vst.msk $0xffff, v0;
	s18 =	sadd.s32 s21, s18  }
0x13: {  	v61 =	vld [tilespmem:s19+$0x10];
	s26 =	sshll.u32 s16, $0xB;
	[tilespmem:s18+$0x3870 ss:$0x81] =	vst.msk $0xffff, v4  }
0x14: {  	v62 =	vld [tilespmem:s19+$0x20];
	s27 =	sand.u32 $0x78, s14;
	s22 =	sshll.u32 s14, $0x3;
	s29 =	sshll.u32 s16, $0x7;
	[tilespmem:s18+$0x810 ss:$0x81] =	vst.msk $0xffff, v5  }
0x15: {  	v63 =	vld [tilespmem:s19+$0xFFFFFFC0];
	s15 =	sshll.u32 s15, $0x13;
	s20 =	sand.u32 $0x4000, s26;
	s28 =	sand.u32 $0x7C00, s22;
	[tilespmem:s18+$0x1020 ss:$0x81] =	vst.msk $0xffff, v58  }
0x16: {  	s31 =	sand.u32 $0x7, s14;
	s22 =	sand.u32 $0x400, s22;
	s19 =	sadd.s32 s28, s20;
	[tilespmem:s18+$0x1830 ss:$0x81] =	vst.msk $0xffff, v59  }
0x17: {  	s16 =	sand.u32 $0x380, s29;
	s30 =	sor.u32 s27, s22;
	s19 =	sshrl.u32 s19, $0x3;
	[tilespmem:s18+$0x2040 ss:$0x81] =	vst.msk $0xffff, v60  }
0x18: {  	s15 =	sadd.s32 s5, s15;
	s16 =	sor.u32 s16, s30;
	s19 =	sand.u32 $0xF00, s19;
	[tilespmem:s18+$0x2850 ss:$0x81] =	vst.msk $0xffff, v61  }
0x19: {  	s14 =	sshll.u32 s31, $0x12;
	s16 =	sshrl.u32 s16, $0x3;
	[tilespmem:s18+$0x3060 ss:$0x81] =	vst.msk $0xffff, v62;
	s15 =	sadd.s32 s19, s15  }
0x1a: {  	s14 =	sor.u32 $0x80, s14;
	[tilespmem:s18+$0x0 ss:$0x81] =	vst.msk $0xffff, v63;
	s15 =	sadd.s32 s16, s15  }
0x1b: {  	[hbm4b:s15+s14] =	stream.strided.scatter [tilespmem:s17], [sflag:$0x2], $0x4000, s9, s14, $0x20;
	[tilespmem:$0x10100] =	vst v63  }
.LBB1_5:
0x1c: {  	s17 =	sadd.s32 $0x1, s10  }
0x1d: {  	s14 =	sadd.s32 $0x800, s11;
	s18 =	smov.u32 s11;
	p2 =	sgt.s32 s17, $0xF  }
0x1e: {  	s18 =	smov.u32 @p2 s14  }
0x1f: {  	s20 =	smov.u32 s12;
	s14 =	sadd.s32 $0x2, s12;
	p3 =	sgt.s32 s18, $0x7FF  }
0x20: {  	s20 =	smov.u32 @p3 s14  }
0x21: {  	s17 =	simm.s32 @p2 $0x0;
	p2 =	sgt.s32 s20, $0x1  }
0x22: {  	p1 =	slt.u32 s13, $0x2;
	s20 =	smov.u32 @p2 s2;
	p2 =	sne.s32 s13, s8  }
.Ltmp1:
0x23: {  	s19 =	simm.s32 @!p1 $0x2;
	(pc) =	sbr.rel @!p2 .LBB1_6-.Ltmp1, $4  }
0x24: {  	s16 =	smov.u32 s10;
	s15 =	smov.u32 s12;
	_ =	swait.ge @!p1 [sflag:s19], $0x4000  }
0x25: {  	p0 =	por !p0, !p0;
	[sflag:s19] =	ssyncset.done @!p1 $0x0;
	s10 =	smov.u32 s17  }
0x26: {  	s18 =	smov.u32 @p3 s1;
	s14 =	smov.u32 s11;
	[sflag:s19] =	ssyncadd.s32 @!p1 $0xFFFFC000  }
0x27: {  	s11 =	smov.u32 s18;
	s13 =	sadd.s32 $0x1, s13;
	s12 =	smov.u32 s20  }
.LBB1_1:
0x28: {  	p1 =	sge.u32 s13, s7;
	s31 =	sadd.s32 $0xFFFFFFFF, s13  }
0x29: {  	s17 =	sxor.u32 @!p1 $0xFFFFFFFF, s13;
	s18 =	sshll.u32 @!p1 s12, $0x13;
	s19 =	sshll.u32 @!p1 s11, $0x8  }
0x2a: {  	s20 =	sshll.u32 @!p1 s10, $0x4;
	s17 =	sshll.u32 @!p1 s17, $0xE;
	s18 =	sadd.s32 @!p1 s4, s18  }
0x2b: {  	s20 =	sand.u32 @!p1 $0xF0, s20;
	s17 =	sand.u32 @!p1 $0x4000, s17;
	s18 =	sadd.s32 @!p1 s19, s18  }
0x2c: {  	s19 =	simm.s32 @!p1 $0x80;
	s18 =	sadd.s32 @!p1 s20, s18;
	s20 =	simm.s32 @!p1 $0x800  }
0x2d: {  	[tilespmem:s17], [sflag:$0x1] =	stream.strided.gather @!p1 [hbm4b:s18+s19], $0x4000, s20, s19, $0x38;
	[tilespmem:$0x10100] =	vst v63  }
0x2e: {  	p1 =	sge.u32 s31, s7  }
.Ltmp2:
0x2f: {  	_ = 	snop;
	(pc) =	sbr.rel @p1 .LBB1_5-.Ltmp2, $1  }
0x30: {  	_ =	sdelay $0x3  }
0x31: {  	s17 =	simm.s32 $0x1  }
0x32: {  	_ =	swait.ge [sflag:s6], $0x4000;
	s17 =	simm.s32 @!p0 $0x0  }
0x33: {  	[sflag:s6] =	ssyncset.done $0x0;
	s18 =	sshll.u32 s17, $0xE  }
0x34: {  	[sflag:s6] =	ssyncadd.s32 $0xFFFFC000;
	s19 =	sor.u32 $0x40, s18  }
0x35: {  	s17 =	smul.u32 $0x10200, s17;
	v0 =	vld [tilespmem:s19+$0x30]  }
0x36: {  	v3 =	vld [tilespmem:s19+$0xFFFFFFD0]  }
0x37: {  	s17 =	sshrl.u32 s17, $0x2;
	v4 =	vld [tilespmem:s19+$0xFFFFFFE0]  }
0x38: {  	v5 =	vld [tilespmem:s19+$0xFFFFFFF0];
	s18 =	sor.u32 $0x8000, s17  }
0x39: {  	s31 =	sand.u32 $0x1, s13;
	v1 =	vld [tilespmem:s19+$0x0];
	s20 =	sadd.s32 $0x0, s18  }
0x3a: {  	v2 =	vld [tilespmem:s19+$0x10];
	s17 =	smul.u32 $0x10200, s31;
	[tilespmem:s20+$0x3870 ss:$0x81] =	vst.msk $0xffff, v0  }
0x3b: {  	[tilespmem:s20+$0x810 ss:$0x81] =	vst.msk $0xffff, v3;
	v3 =	vld [tilespmem:s19+$0x20]  }
0x3c: {  	s17 =	sshrl.u32 s17, $0x2;
	v0 =	vld [tilespmem:s19+$0xFFFFFFC0];
	[tilespmem:s20+$0x1020 ss:$0x81] =	vst.msk $0xffff, v4;
	s19 =	sadd.s32 $0x80, s19  }
0x3d: {  	s21 =	simm.s32 $0x4;
	s22 =	simm.s32 $0x8;
	s17 =	sor.u32 $0x8000, s17;
	[tilespmem:s20+$0x1830 ss:$0x81] =	vst.msk $0xffff, v5;
	v4 =	vld [tilespmem:s19+$0x30]  }
.LBB1_3:
0x3e: {  	p1 =	sne.s32 s22, $0x1FC;
	v5 =	vld [tilespmem:s19+$0xFFFFFFD0];
	[tilespmem:s20+$0x2040 ss:$0x81] =	vst.msk $0xffff, v1  }
0x3f: {  	v6 =	vld [tilespmem:s19+$0xFFFFFFE0];
	[tilespmem:s20+$0x2850 ss:$0x81] =	vst.msk $0xffff, v2  }
0x40: {  	s23 =	sshra.s32 s21, $0x2;
	s21 =	smov.u32 s22;
	v7 =	vld [tilespmem:s19+$0xFFFFFFF0];
	[tilespmem:s20+$0x3060 ss:$0x81] =	vst.msk $0xffff, v3  }
.Ltmp3:
0x41: {  	v1 =	vld [tilespmem:s19+$0x0];
	[tilespmem:s20+$0x0 ss:$0x81] =	vst.msk $0xffff, v0;
	s20 =	sadd.s32 s23, s18;
	(pc) =	sbr.rel @p1 .LBB1_3-.Ltmp3, $4  }
0x42: {  	v2 =	vld [tilespmem:s19+$0x10];
	[tilespmem:s20+$0x3870 ss:$0x81] =	vst.msk $0xffff, v4  }
0x43: {  	[tilespmem:s20+$0x810 ss:$0x81] =	vst.msk $0xffff, v5;
	v3 =	vld [tilespmem:s19+$0x20]  }
0x44: {  	v0 =	vld [tilespmem:s19+$0xFFFFFFC0];
	[tilespmem:s20+$0x1020 ss:$0x81] =	vst.msk $0xffff, v6;
	s19 =	sadd.s32 $0x80, s19  }
0x45: {  	s22 =	sadd.s32 $0x4, s22;
	v4 =	vld [tilespmem:s19+$0x30];
	[tilespmem:s20+$0x1830 ss:$0x81] =	vst.msk $0xffff, v7  }
.Ltmp4:
0x46: {  	_ = 	snop;
	(pc) =	sbr.rel .LBB1_4-.Ltmp4, $1  }
0x47: {  	_ =	sdelay $0x3  }
.LBB1_6:
0x48: {  	_ =	sfence.sel $0x180000  }
0x49: {  	s1 =	simm.s32 $0x1;
	[bflag:$0x0] =	sbarrier.arrive $0xFFFF  }
0x4a: {  	s31 =	simm.s32 $0x2;
	[sflag:s1] =	ssyncpa.u1 $0x1  }
0x4b: {  	[sflag:s31] =	ssyncpa.u1 $0x1  }
0x4c: {  	p0 =	sne.s32 s0, $0x0;
	_ =	strace $0x9000004D  }
0x4d: {  	s0 =	sadd.s32 @!p0 $0x100000, s3;
	[bflag:$0x2] =	sbarrier.arrive $0xFFFF  }
0x4e: {  	[sflag:s0] =	ssyncadd.tile.s32 @!p0 $0x1;
	_ =	shalt  }
.Lfunc_end1:
_tile_overlayer_lowered:
.L_overlay_start_2:
0x4f: {  	(tag) =	ssettag $0x2  }
0x50: {  	s0 =	rddreg [dreg:$0x0];
	s2 =	stileid.u32  }
0x51: {  	s1 =	rddreg [dreg:$0x1];
	p0 =	sne.s32 s2, $0x0  }
0x52: {  	s3 =	rddreg [dreg:$0x2];
	[bflag:$0x3] =	sbarrier.arrive $0xFFFF;
	s2 =	simm.s32 @!p0 $0x1C01  }
0x53: {  	[timem:s3], [sflag:s2] =	dma.local @!p0 [hbm:s0], s1  }
0x54: {  	s0 =	simm.s32 @!p0 $0x1  }
0x55: {  	_ =	swait.ge @!p0 [sflag:s0], s1  }
0x56: {  	s1 =	ssub.s32 @!p0 $0x0, s1;
	[sflag:s0] =	ssyncset.done @!p0 $0x0  }
0x57: {  	[sflag:s0] =	ssyncadd.s32 @!p0 s1  }
0x58: {  	[bflag:$0x3] =	sbarrier.arrive $0xFFFF  }
0x59: {  	_ =	shalt  }

</sc_bundles>
